<compile_context>
chip_gen: v7x
topology: tpu7x:2x2x1
jax: 0.10.2.dev20260603
libtpu: 0.0.44.dev20260713+nightly
codegen_flags: <defaults>
</compile_context>

<pallas_src>
import functools

import jax
import jax.numpy as jnp
from jax import lax
from jax.experimental import pallas as pl
from jax.experimental.pallas import tpu as pltpu
from jax.experimental.pallas import tpu_sc as plsc

NUM_CORES = 2
NUM_SUBCORES = 16
NUM_WORKERS = NUM_CORES * NUM_SUBCORES
BATCHES_PER_CHUNK = 2
NBUF = 8


@functools.lru_cache(maxsize=None)
def _make_gather(n_batch: int, seq: int, dim: int):
    rows_per_chunk = BATCHES_PER_CHUNK * seq
    assert n_batch % (NUM_WORKERS * BATCHES_PER_CHUNK) == 0
    batches_per_w = n_batch // NUM_WORKERS
    n_chunks = batches_per_w // BATCHES_PER_CHUNK
    assert n_chunks % NBUF == 0
    n_groups = n_chunks // NBUF

    mesh = plsc.VectorSubcoreMesh(
        core_axis_name="c", subcore_axis_name="s",
        num_cores=NUM_CORES, num_subcores=NUM_SUBCORES)

    @functools.partial(
        pl.kernel,
        out_type=jax.ShapeDtypeStruct((n_batch, seq, dim), jnp.float32),
        mesh=mesh,
        scratch_types=[
            pltpu.VMEM((n_chunks, rows_per_chunk), jnp.int32),
            pltpu.VMEM((NBUF, rows_per_chunk, dim), jnp.float32),
            pltpu.SemaphoreType.DMA,
            pltpu.SemaphoreType.DMA((NBUF,)),
            pltpu.SemaphoreType.DMA((NBUF,)),
        ],
    )
    def gather_kernel(idx_hbm, table_hbm, out_hbm, idx_v, buf, isem,
                      gsem, wsem):
        wid = lax.axis_index("s") * NUM_CORES + lax.axis_index("c")
        base = wid * batches_per_w

        pltpu.async_copy(idx_hbm.at[wid], idx_v, isem).wait()

        def gstart(b, c):
            pltpu.async_copy(table_hbm.at[idx_v.at[c]], buf.at[b],
                             gsem.at[b])

        def gwait(b):
            pltpu.make_async_copy(
                table_hbm.at[idx_v.at[0]], buf.at[b], gsem.at[b]).wait()

        def wstart(b, c):
            for r in range(BATCHES_PER_CHUNK):
                pltpu.async_copy(
                    buf.at[b, pl.ds(r * seq, seq)],
                    out_hbm.at[base + c * BATCHES_PER_CHUNK + r],
                    wsem.at[b])

        def wwait(b):
            for _ in range(BATCHES_PER_CHUNK):
                pltpu.make_async_copy(
                    buf.at[b, pl.ds(0, seq)], out_hbm.at[0],
                    wsem.at[b]).wait()

        for b in range(NBUF):
            gstart(b, b)

        @pl.loop(0, n_groups)
        def _group(g):
            c0 = g * NBUF
            for b in range(NBUF):
                gwait(b)
                wstart(b, c0 + b)

            @pl.when(g < n_groups - 1)
            def _next():
                for b in range(NBUF):
                    wwait(b)
                    gstart(b, c0 + NBUF + b)

        for b in range(NBUF):
            wwait(b)

    return gather_kernel


def kernel(indices, weight):
    n_batch, seq = indices.shape
    dim = weight.shape[-1]
    rows_per_chunk = BATCHES_PER_CHUNK * seq
    idx_grouped = indices.reshape(
        NUM_WORKERS, indices.size // (NUM_WORKERS * rows_per_chunk),
        rows_per_chunk)
    return _make_gather(n_batch, seq, dim)(idx_grouped, weight)

# --- scband reference (transcript-rebuilt; emitter-appended) ---
"""Pipeline reference for scband-sparse-embedding-23261542875244 (READ-ONLY COPY).

The authoritative reference and input builder live on the scoring server;
editing this copy changes nothing except your own understanding.
"""

import jax, jax.numpy as jnp
import numpy as np

NUM_EMBEDDINGS = 100000
EMBEDDING_DIM = 128
STD = 0.01

def setup_inputs(seed: int = 0) -> dict:
    key = jax.random.key(seed)
    k_idx, k_w = jax.random.split(key)
    indices = jax.random.randint(k_idx, (4096, 50), 0, NUM_EMBEDDINGS, dtype=jnp.int32)
    weight = jax.random.normal(k_w, (NUM_EMBEDDINGS, EMBEDDING_DIM), dtype=jnp.float32) * STD
    return {"indices": indices, "weight": weight}

def reference(indices, weight):
    # SparseEmbedding.forward (single-process path): gather rows of the table,
    # reshape to indices.shape + (embedding_dim,), cast to output dtype (float32).
    flat_idx = indices.reshape(-1)
    embed = jnp.take(weight, flat_idx, axis=0)
    embed = embed.reshape(indices.shape + (EMBEDDING_DIM,)).astype(jnp.float32)
    return embed

if __name__ == "__main__":
    import jax
    _d = setup_inputs()
    print(jax.jit(kernel)(*tuple(_d.values())))

</pallas_src>

<mosaic_0001>
#map = affine_map<(d0, d1) -> (0, 0, 0)>
#map1 = affine_map<(d0, d1) -> (0, 0)>
module attributes {stable_mosaic.version = 14 : i64} {
  func.func @gather_kernel(%arg0: i32, %arg1: i32, %arg2: memref<32x64x100xi32, #tpu.memory_space<hbm>>, %arg3: memref<100000x128xf32, #tpu.memory_space<hbm>>, %arg4: memref<4096x50x128xf32, #tpu.memory_space<hbm>>, %arg5: memref<64x100xi32, #tpu.memory_space<vmem>>, %arg6: memref<8x100x128xf32, #tpu.memory_space<vmem>>, %arg7: memref<!tpu.dma_semaphore, #tpu.memory_space<semaphore_mem>>, %arg8: memref<8x!tpu.dma_semaphore, #tpu.memory_space<semaphore_mem>>, %arg9: memref<8x!tpu.dma_semaphore, #tpu.memory_space<semaphore_mem>>) attributes {dimension_semantics = [#tpu.dimension_semantics<core_parallel>, #tpu.dimension_semantics<subcore_parallel>], iteration_bounds = array<i64: 2, 16>, scalar_prefetch = 0 : i64, scratch_operands = 5 : i64, tpu.core_type = #tpu.core_type<sc_vector_subcore>, window_params = [{transform_indices = #map}, {transform_indices = #map1}, {transform_indices = #map}]} {
    %mul3A = arith.constant 2 : i32
    %mul3A_0 = arith.muli %arg1, %mul3A : i32
    %add3A = arith.addi %mul3A_0, %arg0 : i32
    %mul3A_1 = arith.constant 128 : i32
    %mul3A_2 = arith.muli %add3A, %mul3A_1 : i32
    %dma_start3A = arith.constant 0 : i32
    %dma_start3A_3 = arith.constant 0 : i32
    %dma_start3A_4 = tpu.memref_slice %arg2[%add3A, %dma_start3A, %dma_start3A_3] : memref<32x64x100xi32, #tpu.memory_space<hbm>> -> memref<1x64x100xi32, #tpu.memory_space<hbm>>
    %dma_start3A_5 = tpu.memref_squeeze %dma_start3A_4 : memref<1x64x100xi32, #tpu.memory_space<hbm>> -> memref<64x100xi32, #tpu.memory_space<hbm>>
    %dma_start3A_6 = arith.constant 0 : i32
    %dma_start3A_7 = arith.constant 0 : i32
    %dma_start3A_8 = tpu.memref_slice %arg2[%add3A, %dma_start3A_6, %dma_start3A_7] : memref<32x64x100xi32, #tpu.memory_space<hbm>> -> memref<1x64x100xi32, #tpu.memory_space<hbm>>
    %dma_start3A_9 = tpu.memref_squeeze %dma_start3A_8 : memref<1x64x100xi32, #tpu.memory_space<hbm>> -> memref<64x100xi32, #tpu.memory_space<hbm>>
    tpu.enqueue_dma source(%dma_start3A_9 : memref<64x100xi32, #tpu.memory_space<hbm>>) target(%arg5 : memref<64x100xi32, #tpu.memory_space<vmem>>) target_semaphore(%arg7 : memref<!tpu.dma_semaphore, #tpu.memory_space<semaphore_mem>>)
    %dma_wait3A = arith.constant 0 : i32
    %dma_wait3A_10 = arith.constant 0 : i32
    %dma_wait3A_11 = tpu.memref_slice %arg2[%add3A, %dma_wait3A, %dma_wait3A_10] : memref<32x64x100xi32, #tpu.memory_space<hbm>> -> memref<1x64x100xi32, #tpu.memory_space<hbm>>
    %dma_wait3A_12 = tpu.memref_squeeze %dma_wait3A_11 : memref<1x64x100xi32, #tpu.memory_space<hbm>> -> memref<64x100xi32, #tpu.memory_space<hbm>>
    %dma_wait3A_13 = arith.constant 0 : i32
    %dma_wait3A_14 = arith.constant 0 : i32
    %dma_wait3A_15 = tpu.memref_slice %arg2[%add3A, %dma_wait3A_13, %dma_wait3A_14] : memref<32x64x100xi32, #tpu.memory_space<hbm>> -> memref<1x64x100xi32, #tpu.memory_space<hbm>>
    %dma_wait3A_16 = tpu.memref_squeeze %dma_wait3A_15 : memref<1x64x100xi32, #tpu.memory_space<hbm>> -> memref<64x100xi32, #tpu.memory_space<hbm>>
    tpu.wait_dma2 semaphore(%arg7 : memref<!tpu.dma_semaphore, #tpu.memory_space<semaphore_mem>>) src(%dma_wait3A_16 : memref<64x100xi32, #tpu.memory_space<hbm>>) dst(%arg5 : memref<64x100xi32, #tpu.memory_space<vmem>>)
    %dma_start3A_17 = arith.constant 0 : i32
    %dma_start3A_18 = arith.constant 0 : i32
    %dma_start3A_19 = arith.constant 0 : i32
    %dma_start3A_20 = arith.constant 0 : i32
    %dma_start3A_21 = arith.constant 0 : i32
    %dma_start3A_22 = tpu.memref_slice %arg6[%dma_start3A_18, %dma_start3A_20, %dma_start3A_21] : memref<8x100x128xf32, #tpu.memory_space<vmem>> -> memref<1x100x128xf32, #tpu.memory_space<vmem>>
    %dma_start3A_23 = tpu.memref_squeeze %dma_start3A_22 : memref<1x100x128xf32, #tpu.memory_space<vmem>> -> memref<100x128xf32, #tpu.memory_space<vmem>>
    %dma_start3A_24 = arith.constant 0 : i32
    %dma_start3A_25 = tpu.memref_slice %arg5[%dma_start3A_17, %dma_start3A_24] : memref<64x100xi32, #tpu.memory_space<vmem>> -> memref<1x100xi32, #tpu.memory_space<vmem>>
    %dma_start3A_26 = tpu.memref_squeeze %dma_start3A_25 : memref<1x100xi32, #tpu.memory_space<vmem>> -> memref<100xi32, #tpu.memory_space<vmem>>
    %dma_start3A_27 = arith.constant 0 : i32
    %dma_start3A_28 = arith.constant 0 : i32
    %dma_start3A_29 = tpu.memref_slice %arg3[%dma_start3A_27, %dma_start3A_28] : memref<100000x128xf32, #tpu.memory_space<hbm>> -> memref<100000x128xf32, #tpu.memory_space<hbm>>
    %dma_start3A_30 = tpu.memref_slice %arg8[%dma_start3A_19] : memref<8x!tpu.dma_semaphore, #tpu.memory_space<semaphore_mem>> -> memref<1x!tpu.dma_semaphore, #tpu.memory_space<semaphore_mem>>
    %dma_start3A_31 = tpu.memref_squeeze %dma_start3A_30 : memref<1x!tpu.dma_semaphore, #tpu.memory_space<semaphore_mem>> -> memref<!tpu.dma_semaphore, #tpu.memory_space<semaphore_mem>>
    tpu.enqueue_indirect_dma source(%dma_start3A_29 : memref<100000x128xf32, #tpu.memory_space<hbm>>) target(%dma_start3A_23 : memref<100x128xf32, #tpu.memory_space<vmem>>) offsets(%dma_start3A_26 : memref<100xi32, #tpu.memory_space<vmem>>) semaphore(%dma_start3A_31 : memref<!tpu.dma_semaphore, #tpu.memory_space<semaphore_mem>>)
    %dma_start3A_32 = arith.constant 1 : i32
    %dma_start3A_33 = arith.constant 1 : i32
    %dma_start3A_34 = arith.constant 1 : i32
    %dma_start3A_35 = arith.constant 0 : i32
    %dma_start3A_36 = arith.constant 0 : i32
    %dma_start3A_37 = tpu.memref_slice %arg6[%dma_start3A_33, %dma_start3A_35, %dma_start3A_36] : memref<8x100x128xf32, #tpu.memory_space<vmem>> -> memref<1x100x128xf32, #tpu.memory_space<vmem>>
    %dma_start3A_38 = tpu.memref_squeeze %dma_start3A_37 : memref<1x100x128xf32, #tpu.memory_space<vmem>> -> memref<100x128xf32, #tpu.memory_space<vmem>>
    %dma_start3A_39 = arith.constant 0 : i32
    %dma_start3A_40 = tpu.memref_slice %arg5[%dma_start3A_32, %dma_start3A_39] : memref<64x100xi32, #tpu.memory_space<vmem>> -> memref<1x100xi32, #tpu.memory_space<vmem>>
    %dma_start3A_41 = tpu.memref_squeeze %dma_start3A_40 : memref<1x100xi32, #tpu.memory_space<vmem>> -> memref<100xi32, #tpu.memory_space<vmem>>
    %dma_start3A_42 = arith.constant 0 : i32
    %dma_start3A_43 = arith.constant 0 : i32
    %dma_start3A_44 = tpu.memref_slice %arg3[%dma_start3A_42, %dma_start3A_43] : memref<100000x128xf32, #tpu.memory_space<hbm>> -> memref<100000x128xf32, #tpu.memory_space<hbm>>
    %dma_start3A_45 = tpu.memref_slice %arg8[%dma_start3A_34] : memref<8x!tpu.dma_semaphore, #tpu.memory_space<semaphore_mem>> -> memref<1x!tpu.dma_semaphore, #tpu.memory_space<semaphore_mem>>
    %dma_start3A_46 = tpu.memref_squeeze %dma_start3A_45 : memref<1x!tpu.dma_semaphore, #tpu.memory_space<semaphore_mem>> -> memref<!tpu.dma_semaphore, #tpu.memory_space<semaphore_mem>>
    tpu.enqueue_indirect_dma source(%dma_start3A_44 : memref<100000x128xf32, #tpu.memory_space<hbm>>) target(%dma_start3A_38 : memref<100x128xf32, #tpu.memory_space<vmem>>) offsets(%dma_start3A_41 : memref<100xi32, #tpu.memory_space<vmem>>) semaphore(%dma_start3A_46 : memref<!tpu.dma_semaphore, #tpu.memory_space<semaphore_mem>>)
    %dma_start3A_47 = arith.constant 2 : i32
    %dma_start3A_48 = arith.constant 2 : i32
    %dma_start3A_49 = arith.constant 2 : i32
    %dma_start3A_50 = arith.constant 0 : i32
    %dma_start3A_51 = arith.constant 0 : i32
    %dma_start3A_52 = tpu.memref_slice %arg6[%dma_start3A_48, %dma_start3A_50, %dma_start3A_51] : memref<8x100x128xf32, #tpu.memory_space<vmem>> -> memref<1x100x128xf32, #tpu.memory_space<vmem>>
    %dma_start3A_53 = tpu.memref_squeeze %dma_start3A_52 : memref<1x100x128xf32, #tpu.memory_space<vmem>> -> memref<100x128xf32, #tpu.memory_space<vmem>>
    %dma_start3A_54 = arith.constant 0 : i32
    %dma_start3A_55 = tpu.memref_slice %arg5[%dma_start3A_47, %dma_start3A_54] : memref<64x100xi32, #tpu.memory_space<vmem>> -> memref<1x100xi32, #tpu.memory_space<vmem>>
    %dma_start3A_56 = tpu.memref_squeeze %dma_start3A_55 : memref<1x100xi32, #tpu.memory_space<vmem>> -> memref<100xi32, #tpu.memory_space<vmem>>
    %dma_start3A_57 = arith.constant 0 : i32
    %dma_start3A_58 = arith.constant 0 : i32
    %dma_start3A_59 = tpu.memref_slice %arg3[%dma_start3A_57, %dma_start3A_58] : memref<100000x128xf32, #tpu.memory_space<hbm>> -> memref<100000x128xf32, #tpu.memory_space<hbm>>
    %dma_start3A_60 = tpu.memref_slice %arg8[%dma_start3A_49] : memref<8x!tpu.dma_semaphore, #tpu.memory_space<semaphore_mem>> -> memref<1x!tpu.dma_semaphore, #tpu.memory_space<semaphore_mem>>
    %dma_start3A_61 = tpu.memref_squeeze %dma_start3A_60 : memref<1x!tpu.dma_semaphore, #tpu.memory_space<semaphore_mem>> -> memref<!tpu.dma_semaphore, #tpu.memory_space<semaphore_mem>>
    tpu.enqueue_indirect_dma source(%dma_start3A_59 : memref<100000x128xf32, #tpu.memory_space<hbm>>) target(%dma_start3A_53 : memref<100x128xf32, #tpu.memory_space<vmem>>) offsets(%dma_start3A_56 : memref<100xi32, #tpu.memory_space<vmem>>) semaphore(%dma_start3A_61 : memref<!tpu.dma_semaphore, #tpu.memory_space<semaphore_mem>>)
    %dma_start3A_62 = arith.constant 3 : i32
    %dma_start3A_63 = arith.constant 3 : i32
    %dma_start3A_64 = arith.constant 3 : i32
    %dma_start3A_65 = arith.constant 0 : i32
    %dma_start3A_66 = arith.constant 0 : i32
    %dma_start3A_67 = tpu.memref_slice %arg6[%dma_start3A_63, %dma_start3A_65, %dma_start3A_66] : memref<8x100x128xf32, #tpu.memory_space<vmem>> -> memref<1x100x128xf32, #tpu.memory_space<vmem>>
    %dma_start3A_68 = tpu.memref_squeeze %dma_start3A_67 : memref<1x100x128xf32, #tpu.memory_space<vmem>> -> memref<100x128xf32, #tpu.memory_space<vmem>>
    %dma_start3A_69 = arith.constant 0 : i32
    %dma_start3A_70 = tpu.memref_slice %arg5[%dma_start3A_62, %dma_start3A_69] : memref<64x100xi32, #tpu.memory_space<vmem>> -> memref<1x100xi32, #tpu.memory_space<vmem>>
    %dma_start3A_71 = tpu.memref_squeeze %dma_start3A_70 : memref<1x100xi32, #tpu.memory_space<vmem>> -> memref<100xi32, #tpu.memory_space<vmem>>
    %dma_start3A_72 = arith.constant 0 : i32
    %dma_start3A_73 = arith.constant 0 : i32
    %dma_start3A_74 = tpu.memref_slice %arg3[%dma_start3A_72, %dma_start3A_73] : memref<100000x128xf32, #tpu.memory_space<hbm>> -> memref<100000x128xf32, #tpu.memory_space<hbm>>
    %dma_start3A_75 = tpu.memref_slice %arg8[%dma_start3A_64] : memref<8x!tpu.dma_semaphore, #tpu.memory_space<semaphore_mem>> -> memref<1x!tpu.dma_semaphore, #tpu.memory_space<semaphore_mem>>
    %dma_start3A_76 = tpu.memref_squeeze %dma_start3A_75 : memref<1x!tpu.dma_semaphore, #tpu.memory_space<semaphore_mem>> -> memref<!tpu.dma_semaphore, #tpu.memory_space<semaphore_mem>>
    tpu.enqueue_indirect_dma source(%dma_start3A_74 : memref<100000x128xf32, #tpu.memory_space<hbm>>) target(%dma_start3A_68 : memref<100x128xf32, #tpu.memory_space<vmem>>) offsets(%dma_start3A_71 : memref<100xi32, #tpu.memory_space<vmem>>) semaphore(%dma_start3A_76 : memref<!tpu.dma_semaphore, #tpu.memory_space<semaphore_mem>>)
    %dma_start3A_77 = arith.constant 4 : i32
    %dma_start3A_78 = arith.constant 4 : i32
    %dma_start3A_79 = arith.constant 4 : i32
    %dma_start3A_80 = arith.constant 0 : i32
    %dma_start3A_81 = arith.constant 0 : i32
    %dma_start3A_82 = tpu.memref_slice %arg6[%dma_start3A_78, %dma_start3A_80, %dma_start3A_81] : memref<8x100x128xf32, #tpu.memory_space<vmem>> -> memref<1x100x128xf32, #tpu.memory_space<vmem>>
    %dma_start3A_83 = tpu.memref_squeeze %dma_start3A_82 : memref<1x100x128xf32, #tpu.memory_space<vmem>> -> memref<100x128xf32, #tpu.memory_space<vmem>>
    %dma_start3A_84 = arith.constant 0 : i32
    %dma_start3A_85 = tpu.memref_slice %arg5[%dma_start3A_77, %dma_start3A_84] : memref<64x100xi32, #tpu.memory_space<vmem>> -> memref<1x100xi32, #tpu.memory_space<vmem>>
    %dma_start3A_86 = tpu.memref_squeeze %dma_start3A_85 : memref<1x100xi32, #tpu.memory_space<vmem>> -> memref<100xi32, #tpu.memory_space<vmem>>
    %dma_start3A_87 = arith.constant 0 : i32
    %dma_start3A_88 = arith.constant 0 : i32
    %dma_start3A_89 = tpu.memref_slice %arg3[%dma_start3A_87, %dma_start3A_88] : memref<100000x128xf32, #tpu.memory_space<hbm>> -> memref<100000x128xf32, #tpu.memory_space<hbm>>
    %dma_start3A_90 = tpu.memref_slice %arg8[%dma_start3A_79] : memref<8x!tpu.dma_semaphore, #tpu.memory_space<semaphore_mem>> -> memref<1x!tpu.dma_semaphore, #tpu.memory_space<semaphore_mem>>
    %dma_start3A_91 = tpu.memref_squeeze %dma_start3A_90 : memref<1x!tpu.dma_semaphore, #tpu.memory_space<semaphore_mem>> -> memref<!tpu.dma_semaphore, #tpu.memory_space<semaphore_mem>>
    tpu.enqueue_indirect_dma source(%dma_start3A_89 : memref<100000x128xf32, #tpu.memory_space<hbm>>) target(%dma_start3A_83 : memref<100x128xf32, #tpu.memory_space<vmem>>) offsets(%dma_start3A_86 : memref<100xi32, #tpu.memory_space<vmem>>) semaphore(%dma_start3A_91 : memref<!tpu.dma_semaphore, #tpu.memory_space<semaphore_mem>>)
    %dma_start3A_92 = arith.constant 5 : i32
    %dma_start3A_93 = arith.constant 5 : i32
    %dma_start3A_94 = arith.constant 5 : i32
    %dma_start3A_95 = arith.constant 0 : i32
    %dma_start3A_96 = arith.constant 0 : i32
    %dma_start3A_97 = tpu.memref_slice %arg6[%dma_start3A_93, %dma_start3A_95, %dma_start3A_96] : memref<8x100x128xf32, #tpu.memory_space<vmem>> -> memref<1x100x128xf32, #tpu.memory_space<vmem>>
    %dma_start3A_98 = tpu.memref_squeeze %dma_start3A_97 : memref<1x100x128xf32, #tpu.memory_space<vmem>> -> memref<100x128xf32, #tpu.memory_space<vmem>>
    %dma_start3A_99 = arith.constant 0 : i32
    %dma_start3A_100 = tpu.memref_slice %arg5[%dma_start3A_92, %dma_start3A_99] : memref<64x100xi32, #tpu.memory_space<vmem>> -> memref<1x100xi32, #tpu.memory_space<vmem>>
    %dma_start3A_101 = tpu.memref_squeeze %dma_start3A_100 : memref<1x100xi32, #tpu.memory_space<vmem>> -> memref<100xi32, #tpu.memory_space<vmem>>
    %dma_start3A_102 = arith.constant 0 : i32
    %dma_start3A_103 = arith.constant 0 : i32
    %dma_start3A_104 = tpu.memref_slice %arg3[%dma_start3A_102, %dma_start3A_103] : memref<100000x128xf32, #tpu.memory_space<hbm>> -> memref<100000x128xf32, #tpu.memory_space<hbm>>
    %dma_start3A_105 = tpu.memref_slice %arg8[%dma_start3A_94] : memref<8x!tpu.dma_semaphore, #tpu.memory_space<semaphore_mem>> -> memref<1x!tpu.dma_semaphore, #tpu.memory_space<semaphore_mem>>
    %dma_start3A_106 = tpu.memref_squeeze %dma_start3A_105 : memref<1x!tpu.dma_semaphore, #tpu.memory_space<semaphore_mem>> -> memref<!tpu.dma_semaphore, #tpu.memory_space<semaphore_mem>>
    tpu.enqueue_indirect_dma source(%dma_start3A_104 : memref<100000x128xf32, #tpu.memory_space<hbm>>) target(%dma_start3A_98 : memref<100x128xf32, #tpu.memory_space<vmem>>) offsets(%dma_start3A_101 : memref<100xi32, #tpu.memory_space<vmem>>) semaphore(%dma_start3A_106 : memref<!tpu.dma_semaphore, #tpu.memory_space<semaphore_mem>>)
    %dma_start3A_107 = arith.constant 6 : i32
    %dma_start3A_108 = arith.constant 6 : i32
    %dma_start3A_109 = arith.constant 6 : i32
    %dma_start3A_110 = arith.constant 0 : i32
    %dma_start3A_111 = arith.constant 0 : i32
    %dma_start3A_112 = tpu.memref_slice %arg6[%dma_start3A_108, %dma_start3A_110, %dma_start3A_111] : memref<8x100x128xf32, #tpu.memory_space<vmem>> -> memref<1x100x128xf32, #tpu.memory_space<vmem>>
    %dma_start3A_113 = tpu.memref_squeeze %dma_start3A_112 : memref<1x100x128xf32, #tpu.memory_space<vmem>> -> memref<100x128xf32, #tpu.memory_space<vmem>>
    %dma_start3A_114 = arith.constant 0 : i32
    %dma_start3A_115 = tpu.memref_slice %arg5[%dma_start3A_107, %dma_start3A_114] : memref<64x100xi32, #tpu.memory_space<vmem>> -> memref<1x100xi32, #tpu.memory_space<vmem>>
    %dma_start3A_116 = tpu.memref_squeeze %dma_start3A_115 : memref<1x100xi32, #tpu.memory_space<vmem>> -> memref<100xi32, #tpu.memory_space<vmem>>
    %dma_start3A_117 = arith.constant 0 : i32
    %dma_start3A_118 = arith.constant 0 : i32
    %dma_start3A_119 = tpu.memref_slice %arg3[%dma_start3A_117, %dma_start3A_118] : memref<100000x128xf32, #tpu.memory_space<hbm>> -> memref<100000x128xf32, #tpu.memory_space<hbm>>
    %dma_start3A_120 = tpu.memref_slice %arg8[%dma_start3A_109] : memref<8x!tpu.dma_semaphore, #tpu.memory_space<semaphore_mem>> -> memref<1x!tpu.dma_semaphore, #tpu.memory_space<semaphore_mem>>
    %dma_start3A_121 = tpu.memref_squeeze %dma_start3A_120 : memref<1x!tpu.dma_semaphore, #tpu.memory_space<semaphore_mem>> -> memref<!tpu.dma_semaphore, #tpu.memory_space<semaphore_mem>>
    tpu.enqueue_indirect_dma source(%dma_start3A_119 : memref<100000x128xf32, #tpu.memory_space<hbm>>) target(%dma_start3A_113 : memref<100x128xf32, #tpu.memory_space<vmem>>) offsets(%dma_start3A_116 : memref<100xi32, #tpu.memory_space<vmem>>) semaphore(%dma_start3A_121 : memref<!tpu.dma_semaphore, #tpu.memory_space<semaphore_mem>>)
    %dma_start3A_122 = arith.constant 7 : i32
    %dma_start3A_123 = arith.constant 7 : i32
    %dma_start3A_124 = arith.constant 7 : i32
    %dma_start3A_125 = arith.constant 0 : i32
    %dma_start3A_126 = arith.constant 0 : i32
    %dma_start3A_127 = tpu.memref_slice %arg6[%dma_start3A_123, %dma_start3A_125, %dma_start3A_126] : memref<8x100x128xf32, #tpu.memory_space<vmem>> -> memref<1x100x128xf32, #tpu.memory_space<vmem>>
    %dma_start3A_128 = tpu.memref_squeeze %dma_start3A_127 : memref<1x100x128xf32, #tpu.memory_space<vmem>> -> memref<100x128xf32, #tpu.memory_space<vmem>>
    %dma_start3A_129 = arith.constant 0 : i32
    %dma_start3A_130 = tpu.memref_slice %arg5[%dma_start3A_122, %dma_start3A_129] : memref<64x100xi32, #tpu.memory_space<vmem>> -> memref<1x100xi32, #tpu.memory_space<vmem>>
    %dma_start3A_131 = tpu.memref_squeeze %dma_start3A_130 : memref<1x100xi32, #tpu.memory_space<vmem>> -> memref<100xi32, #tpu.memory_space<vmem>>
    %dma_start3A_132 = arith.constant 0 : i32
    %dma_start3A_133 = arith.constant 0 : i32
    %dma_start3A_134 = tpu.memref_slice %arg3[%dma_start3A_132, %dma_start3A_133] : memref<100000x128xf32, #tpu.memory_space<hbm>> -> memref<100000x128xf32, #tpu.memory_space<hbm>>
    %dma_start3A_135 = tpu.memref_slice %arg8[%dma_start3A_124] : memref<8x!tpu.dma_semaphore, #tpu.memory_space<semaphore_mem>> -> memref<1x!tpu.dma_semaphore, #tpu.memory_space<semaphore_mem>>
    %dma_start3A_136 = tpu.memref_squeeze %dma_start3A_135 : memref<1x!tpu.dma_semaphore, #tpu.memory_space<semaphore_mem>> -> memref<!tpu.dma_semaphore, #tpu.memory_space<semaphore_mem>>
    tpu.enqueue_indirect_dma source(%dma_start3A_134 : memref<100000x128xf32, #tpu.memory_space<hbm>>) target(%dma_start3A_128 : memref<100x128xf32, #tpu.memory_space<vmem>>) offsets(%dma_start3A_131 : memref<100xi32, #tpu.memory_space<vmem>>) semaphore(%dma_start3A_136 : memref<!tpu.dma_semaphore, #tpu.memory_space<semaphore_mem>>)
    %scan3A = arith.constant 0 : i32
    %scan3A_137 = arith.constant 8 : i32
    %scan3A_138 = arith.addi %scan3A, %scan3A_137 : i32
    %scan3A_139 = arith.constant 1 : i32
    scf.for %scan3A_477 = %scan3A to %scan3A_138 step %scan3A_139  : i32 {
      %mul3A_478 = arith.constant 1 : i32
      %mul3A_479 = arith.muli %scan3A_477, %mul3A_478 : i32
      %add3A_480 = arith.constant 0 : i32
      %add3A_481 = arith.addi %add3A_480, %mul3A_479 : i32
      %mul3A_482 = arith.constant 8 : i32
      %mul3A_483 = arith.muli %add3A_481, %mul3A_482 : i32
      %dma_wait3A_484 = arith.constant 0 : i32
      %dma_wait3A_485 = arith.constant 0 : i32
      %dma_wait3A_486 = arith.constant 0 : i32
      %dma_wait3A_487 = arith.constant 0 : i32
      %dma_wait3A_488 = arith.constant 0 : i32
      %dma_wait3A_489 = tpu.memref_slice %arg6[%dma_wait3A_485, %dma_wait3A_487, %dma_wait3A_488] : memref<8x100x128xf32, #tpu.memory_space<vmem>> -> memref<1x100x128xf32, #tpu.memory_space<vmem>>
      %dma_wait3A_490 = tpu.memref_squeeze %dma_wait3A_489 : memref<1x100x128xf32, #tpu.memory_space<vmem>> -> memref<100x128xf32, #tpu.memory_space<vmem>>
      %dma_wait3A_491 = arith.constant 0 : i32
      %dma_wait3A_492 = tpu.memref_slice %arg5[%dma_wait3A_484, %dma_wait3A_491] : memref<64x100xi32, #tpu.memory_space<vmem>> -> memref<1x100xi32, #tpu.memory_space<vmem>>
      %dma_wait3A_493 = tpu.memref_squeeze %dma_wait3A_492 : memref<1x100xi32, #tpu.memory_space<vmem>> -> memref<100xi32, #tpu.memory_space<vmem>>
      %dma_wait3A_494 = arith.constant 0 : i32
      %dma_wait3A_495 = arith.constant 0 : i32
      %dma_wait3A_496 = tpu.memref_slice %arg3[%dma_wait3A_494, %dma_wait3A_495] : memref<100000x128xf32, #tpu.memory_space<hbm>> -> memref<100000x128xf32, #tpu.memory_space<hbm>>
      %dma_wait3A_497 = tpu.memref_slice %arg8[%dma_wait3A_486] : memref<8x!tpu.dma_semaphore, #tpu.memory_space<semaphore_mem>> -> memref<1x!tpu.dma_semaphore, #tpu.memory_space<semaphore_mem>>
      %dma_wait3A_498 = tpu.memref_squeeze %dma_wait3A_497 : memref<1x!tpu.dma_semaphore, #tpu.memory_space<semaphore_mem>> -> memref<!tpu.dma_semaphore, #tpu.memory_space<semaphore_mem>>
      tpu.wait_indirect_dma semaphore(%dma_wait3A_498 : memref<!tpu.dma_semaphore, #tpu.memory_space<semaphore_mem>>) src(%dma_wait3A_496 : memref<100000x128xf32, #tpu.memory_space<hbm>>) dst(%dma_wait3A_490 : memref<100x128xf32, #tpu.memory_space<vmem>>)
      %add3A_499 = arith.constant 0 : i32
      %add3A_500 = arith.addi %mul3A_483, %add3A_499 : i32
      %mul3A_501 = arith.constant 2 : i32
      %mul3A_502 = arith.muli %add3A_500, %mul3A_501 : i32
      %add3A_503 = arith.addi %mul3A_2, %mul3A_502 : i32
      %add3A_504 = arith.constant 0 : i32
      %add3A_505 = arith.addi %add3A_503, %add3A_504 : i32
      %dma_start3A_506 = arith.constant 0 : i32
      %dma_start3A_507 = arith.constant 0 : i32
      %dma_start3A_508 = arith.constant 0 : i32
      %dma_start3A_509 = arith.constant 0 : i32
      %dma_start3A_510 = tpu.memref_slice %arg6[%dma_start3A_506, %dma_start3A_508, %dma_start3A_509] : memref<8x100x128xf32, #tpu.memory_space<vmem>> -> memref<1x50x128xf32, #tpu.memory_space<vmem>>
      %dma_start3A_511 = tpu.memref_squeeze %dma_start3A_510 : memref<1x50x128xf32, #tpu.memory_space<vmem>> -> memref<50x128xf32, #tpu.memory_space<vmem>>
      %dma_start3A_512 = arith.constant 0 : i32
      %dma_start3A_513 = arith.constant 0 : i32
      %dma_start3A_514 = tpu.memref_slice %arg4[%add3A_505, %dma_start3A_512, %dma_start3A_513] : memref<4096x50x128xf32, #tpu.memory_space<hbm>> -> memref<1x50x128xf32, #tpu.memory_space<hbm>>
      %dma_start3A_515 = tpu.memref_squeeze %dma_start3A_514 : memref<1x50x128xf32, #tpu.memory_space<hbm>> -> memref<50x128xf32, #tpu.memory_space<hbm>>
      %dma_start3A_516 = tpu.memref_slice %arg9[%dma_start3A_507] : memref<8x!tpu.dma_semaphore, #tpu.memory_space<semaphore_mem>> -> memref<1x!tpu.dma_semaphore, #tpu.memory_space<semaphore_mem>>
      %dma_start3A_517 = tpu.memref_squeeze %dma_start3A_516 : memref<1x!tpu.dma_semaphore, #tpu.memory_space<semaphore_mem>> -> memref<!tpu.dma_semaphore, #tpu.memory_space<semaphore_mem>>
      %dma_start3A_518 = arith.constant 0 : i32
      %dma_start3A_519 = arith.constant 0 : i32
      %dma_start3A_520 = tpu.memref_slice %arg4[%add3A_505, %dma_start3A_518, %dma_start3A_519] : memref<4096x50x128xf32, #tpu.memory_space<hbm>> -> memref<1x50x128xf32, #tpu.memory_space<hbm>>
      %dma_start3A_521 = tpu.memref_squeeze %dma_start3A_520 : memref<1x50x128xf32, #tpu.memory_space<hbm>> -> memref<50x128xf32, #tpu.memory_space<hbm>>
      %dma_start3A_522 = arith.constant 0 : i32
      %dma_start3A_523 = arith.constant 0 : i32
      %dma_start3A_524 = tpu.memref_slice %arg6[%dma_start3A_506, %dma_start3A_522, %dma_start3A_523] : memref<8x100x128xf32, #tpu.memory_space<vmem>> -> memref<1x50x128xf32, #tpu.memory_space<vmem>>
      %dma_start3A_525 = tpu.memref_squeeze %dma_start3A_524 : memref<1x50x128xf32, #tpu.memory_space<vmem>> -> memref<50x128xf32, #tpu.memory_space<vmem>>
      tpu.enqueue_dma source(%dma_start3A_525 : memref<50x128xf32, #tpu.memory_space<vmem>>) target(%dma_start3A_521 : memref<50x128xf32, #tpu.memory_space<hbm>>) target_semaphore(%dma_start3A_517 : memref<!tpu.dma_semaphore, #tpu.memory_space<semaphore_mem>>)
      %mul3A_526 = arith.constant 2 : i32
      %mul3A_527 = arith.muli %add3A_500, %mul3A_526 : i32
      %add3A_528 = arith.addi %mul3A_2, %mul3A_527 : i32
      %add3A_529 = arith.constant 1 : i32
      %add3A_530 = arith.addi %add3A_528, %add3A_529 : i32
      %dma_start3A_531 = arith.constant 0 : i32
      %dma_start3A_532 = arith.constant 0 : i32
      %dma_start3A_533 = arith.constant 50 : i32
      %dma_start3A_534 = arith.constant 0 : i32
      %dma_start3A_535 = tpu.memref_slice %arg6[%dma_start3A_531, %dma_start3A_533, %dma_start3A_534] : memref<8x100x128xf32, #tpu.memory_space<vmem>> -> memref<1x50x128xf32, #tpu.memory_space<vmem>>
      %dma_start3A_536 = tpu.memref_squeeze %dma_start3A_535 : memref<1x50x128xf32, #tpu.memory_space<vmem>> -> memref<50x128xf32, #tpu.memory_space<vmem>>
      %dma_start3A_537 = arith.constant 0 : i32
      %dma_start3A_538 = arith.constant 0 : i32
      %dma_start3A_539 = tpu.memref_slice %arg4[%add3A_530, %dma_start3A_537, %dma_start3A_538] : memref<4096x50x128xf32, #tpu.memory_space<hbm>> -> memref<1x50x128xf32, #tpu.memory_space<hbm>>
      %dma_start3A_540 = tpu.memref_squeeze %dma_start3A_539 : memref<1x50x128xf32, #tpu.memory_space<hbm>> -> memref<50x128xf32, #tpu.memory_space<hbm>>
      %dma_start3A_541 = tpu.memref_slice %arg9[%dma_start3A_532] : memref<8x!tpu.dma_semaphore, #tpu.memory_space<semaphore_mem>> -> memref<1x!tpu.dma_semaphore, #tpu.memory_space<semaphore_mem>>
      %dma_start3A_542 = tpu.memref_squeeze %dma_start3A_541 : memref<1x!tpu.dma_semaphore, #tpu.memory_space<semaphore_mem>> -> memref<!tpu.dma_semaphore, #tpu.memory_space<semaphore_mem>>
      %dma_start3A_543 = arith.constant 0 : i32
      %dma_start3A_544 = arith.constant 0 : i32
      %dma_start3A_545 = tpu.memref_slice %arg4[%add3A_530, %dma_start3A_543, %dma_start3A_544] : memref<4096x50x128xf32, #tpu.memory_space<hbm>> -> memref<1x50x128xf32, #tpu.memory_space<hbm>>
      %dma_start3A_546 = tpu.memref_squeeze %dma_start3A_545 : memref<1x50x128xf32, #tpu.memory_space<hbm>> -> memref<50x128xf32, #tpu.memory_space<hbm>>
      %dma_start3A_547 = arith.constant 50 : i32
      %dma_start3A_548 = arith.constant 0 : i32
      %dma_start3A_549 = tpu.memref_slice %arg6[%dma_start3A_531, %dma_start3A_547, %dma_start3A_548] : memref<8x100x128xf32, #tpu.memory_space<vmem>> -> memref<1x50x128xf32, #tpu.memory_space<vmem>>
      %dma_start3A_550 = tpu.memref_squeeze %dma_start3A_549 : memref<1x50x128xf32, #tpu.memory_space<vmem>> -> memref<50x128xf32, #tpu.memory_space<vmem>>
      tpu.enqueue_dma source(%dma_start3A_550 : memref<50x128xf32, #tpu.memory_space<vmem>>) target(%dma_start3A_546 : memref<50x128xf32, #tpu.memory_space<hbm>>) target_semaphore(%dma_start3A_542 : memref<!tpu.dma_semaphore, #tpu.memory_space<semaphore_mem>>)
      %dma_wait3A_551 = arith.constant 0 : i32
      %dma_wait3A_552 = arith.constant 1 : i32
      %dma_wait3A_553 = arith.constant 1 : i32
      %dma_wait3A_554 = arith.constant 0 : i32
      %dma_wait3A_555 = arith.constant 0 : i32
      %dma_wait3A_556 = tpu.memref_slice %arg6[%dma_wait3A_552, %dma_wait3A_554, %dma_wait3A_555] : memref<8x100x128xf32, #tpu.memory_space<vmem>> -> memref<1x100x128xf32, #tpu.memory_space<vmem>>
      %dma_wait3A_557 = tpu.memref_squeeze %dma_wait3A_556 : memref<1x100x128xf32, #tpu.memory_space<vmem>> -> memref<100x128xf32, #tpu.memory_space<vmem>>
      %dma_wait3A_558 = arith.constant 0 : i32
      %dma_wait3A_559 = tpu.memref_slice %arg5[%dma_wait3A_551, %dma_wait3A_558] : memref<64x100xi32, #tpu.memory_space<vmem>> -> memref<1x100xi32, #tpu.memory_space<vmem>>
      %dma_wait3A_560 = tpu.memref_squeeze %dma_wait3A_559 : memref<1x100xi32, #tpu.memory_space<vmem>> -> memref<100xi32, #tpu.memory_space<vmem>>
      %dma_wait3A_561 = arith.constant 0 : i32
      %dma_wait3A_562 = arith.constant 0 : i32
      %dma_wait3A_563 = tpu.memref_slice %arg3[%dma_wait3A_561, %dma_wait3A_562] : memref<100000x128xf32, #tpu.memory_space<hbm>> -> memref<100000x128xf32, #tpu.memory_space<hbm>>
      %dma_wait3A_564 = tpu.memref_slice %arg8[%dma_wait3A_553] : memref<8x!tpu.dma_semaphore, #tpu.memory_space<semaphore_mem>> -> memref<1x!tpu.dma_semaphore, #tpu.memory_space<semaphore_mem>>
      %dma_wait3A_565 = tpu.memref_squeeze %dma_wait3A_564 : memref<1x!tpu.dma_semaphore, #tpu.memory_space<semaphore_mem>> -> memref<!tpu.dma_semaphore, #tpu.memory_space<semaphore_mem>>
      tpu.wait_indirect_dma semaphore(%dma_wait3A_565 : memref<!tpu.dma_semaphore, #tpu.memory_space<semaphore_mem>>) src(%dma_wait3A_563 : memref<100000x128xf32, #tpu.memory_space<hbm>>) dst(%dma_wait3A_557 : memref<100x128xf32, #tpu.memory_space<vmem>>)
      %add3A_566 = arith.constant 1 : i32
      %add3A_567 = arith.addi %mul3A_483, %add3A_566 : i32
      %mul3A_568 = arith.constant 2 : i32
      %mul3A_569 = arith.muli %add3A_567, %mul3A_568 : i32
      %add3A_570 = arith.addi %mul3A_2, %mul3A_569 : i32
      %add3A_571 = arith.constant 0 : i32
      %add3A_572 = arith.addi %add3A_570, %add3A_571 : i32
      %dma_start3A_573 = arith.constant 1 : i32
      %dma_start3A_574 = arith.constant 1 : i32
      %dma_start3A_575 = arith.constant 0 : i32
      %dma_start3A_576 = arith.constant 0 : i32
      %dma_start3A_577 = tpu.memref_slice %arg6[%dma_start3A_573, %dma_start3A_575, %dma_start3A_576] : memref<8x100x128xf32, #tpu.memory_space<vmem>> -> memref<1x50x128xf32, #tpu.memory_space<vmem>>
      %dma_start3A_578 = tpu.memref_squeeze %dma_start3A_577 : memref<1x50x128xf32, #tpu.memory_space<vmem>> -> memref<50x128xf32, #tpu.memory_space<vmem>>
      %dma_start3A_579 = arith.constant 0 : i32
      %dma_start3A_580 = arith.constant 0 : i32
      %dma_start3A_581 = tpu.memref_slice %arg4[%add3A_572, %dma_start3A_579, %dma_start3A_580] : memref<4096x50x128xf32, #tpu.memory_space<hbm>> -> memref<1x50x128xf32, #tpu.memory_space<hbm>>
      %dma_start3A_582 = tpu.memref_squeeze %dma_start3A_581 : memref<1x50x128xf32, #tpu.memory_space<hbm>> -> memref<50x128xf32, #tpu.memory_space<hbm>>
      %dma_start3A_583 = tpu.memref_slice %arg9[%dma_start3A_574] : memref<8x!tpu.dma_semaphore, #tpu.memory_space<semaphore_mem>> -> memref<1x!tpu.dma_semaphore, #tpu.memory_space<semaphore_mem>>
      %dma_start3A_584 = tpu.memref_squeeze %dma_start3A_583 : memref<1x!tpu.dma_semaphore, #tpu.memory_space<semaphore_mem>> -> memref<!tpu.dma_semaphore, #tpu.memory_space<semaphore_mem>>
      %dma_start3A_585 = arith.constant 0 : i32
      %dma_start3A_586 = arith.constant 0 : i32
      %dma_start3A_587 = tpu.memref_slice %arg4[%add3A_572, %dma_start3A_585, %dma_start3A_586] : memref<4096x50x128xf32, #tpu.memory_space<hbm>> -> memref<1x50x128xf32, #tpu.memory_space<hbm>>
      %dma_start3A_588 = tpu.memref_squeeze %dma_start3A_587 : memref<1x50x128xf32, #tpu.memory_space<hbm>> -> memref<50x128xf32, #tpu.memory_space<hbm>>
      %dma_start3A_589 = arith.constant 0 : i32
      %dma_start3A_590 = arith.constant 0 : i32
      %dma_start3A_591 = tpu.memref_slice %arg6[%dma_start3A_573, %dma_start3A_589, %dma_start3A_590] : memref<8x100x128xf32, #tpu.memory_space<vmem>> -> memref<1x50x128xf32, #tpu.memory_space<vmem>>
      %dma_start3A_592 = tpu.memref_squeeze %dma_start3A_591 : memref<1x50x128xf32, #tpu.memory_space<vmem>> -> memref<50x128xf32, #tpu.memory_space<vmem>>
      tpu.enqueue_dma source(%dma_start3A_592 : memref<50x128xf32, #tpu.memory_space<vmem>>) target(%dma_start3A_588 : memref<50x128xf32, #tpu.memory_space<hbm>>) target_semaphore(%dma_start3A_584 : memref<!tpu.dma_semaphore, #tpu.memory_space<semaphore_mem>>)
      %mul3A_593 = arith.constant 2 : i32
      %mul3A_594 = arith.muli %add3A_567, %mul3A_593 : i32
      %add3A_595 = arith.addi %mul3A_2, %mul3A_594 : i32
      %add3A_596 = arith.constant 1 : i32
      %add3A_597 = arith.addi %add3A_595, %add3A_596 : i32
      %dma_start3A_598 = arith.constant 1 : i32
      %dma_start3A_599 = arith.constant 1 : i32
      %dma_start3A_600 = arith.constant 50 : i32
      %dma_start3A_601 = arith.constant 0 : i32
      %dma_start3A_602 = tpu.memref_slice %arg6[%dma_start3A_598, %dma_start3A_600, %dma_start3A_601] : memref<8x100x128xf32, #tpu.memory_space<vmem>> -> memref<1x50x128xf32, #tpu.memory_space<vmem>>
      %dma_start3A_603 = tpu.memref_squeeze %dma_start3A_602 : memref<1x50x128xf32, #tpu.memory_space<vmem>> -> memref<50x128xf32, #tpu.memory_space<vmem>>
      %dma_start3A_604 = arith.constant 0 : i32
      %dma_start3A_605 = arith.constant 0 : i32
      %dma_start3A_606 = tpu.memref_slice %arg4[%add3A_597, %dma_start3A_604, %dma_start3A_605] : memref<4096x50x128xf32, #tpu.memory_space<hbm>> -> memref<1x50x128xf32, #tpu.memory_space<hbm>>
      %dma_start3A_607 = tpu.memref_squeeze %dma_start3A_606 : memref<1x50x128xf32, #tpu.memory_space<hbm>> -> memref<50x128xf32, #tpu.memory_space<hbm>>
      %dma_start3A_608 = tpu.memref_slice %arg9[%dma_start3A_599] : memref<8x!tpu.dma_semaphore, #tpu.memory_space<semaphore_mem>> -> memref<1x!tpu.dma_semaphore, #tpu.memory_space<semaphore_mem>>
      %dma_start3A_609 = tpu.memref_squeeze %dma_start3A_608 : memref<1x!tpu.dma_semaphore, #tpu.memory_space<semaphore_mem>> -> memref<!tpu.dma_semaphore, #tpu.memory_space<semaphore_mem>>
      %dma_start3A_610 = arith.constant 0 : i32
      %dma_start3A_611 = arith.constant 0 : i32
      %dma_start3A_612 = tpu.memref_slice %arg4[%add3A_597, %dma_start3A_610, %dma_start3A_611] : memref<4096x50x128xf32, #tpu.memory_space<hbm>> -> memref<1x50x128xf32, #tpu.memory_space<hbm>>
      %dma_start3A_613 = tpu.memref_squeeze %dma_start3A_612 : memref<1x50x128xf32, #tpu.memory_space<hbm>> -> memref<50x128xf32, #tpu.memory_space<hbm>>
      %dma_start3A_614 = arith.constant 50 : i32
      %dma_start3A_615 = arith.constant 0 : i32
      %dma_start3A_616 = tpu.memref_slice %arg6[%dma_start3A_598, %dma_start3A_614, %dma_start3A_615] : memref<8x100x128xf32, #tpu.memory_space<vmem>> -> memref<1x50x128xf32, #tpu.memory_space<vmem>>
      %dma_start3A_617 = tpu.memref_squeeze %dma_start3A_616 : memref<1x50x128xf32, #tpu.memory_space<vmem>> -> memref<50x128xf32, #tpu.memory_space<vmem>>
      tpu.enqueue_dma source(%dma_start3A_617 : memref<50x128xf32, #tpu.memory_space<vmem>>) target(%dma_start3A_613 : memref<50x128xf32, #tpu.memory_space<hbm>>) target_semaphore(%dma_start3A_609 : memref<!tpu.dma_semaphore, #tpu.memory_space<semaphore_mem>>)
      %dma_wait3A_618 = arith.constant 0 : i32
      %dma_wait3A_619 = arith.constant 2 : i32
      %dma_wait3A_620 = arith.constant 2 : i32
      %dma_wait3A_621 = arith.constant 0 : i32
      %dma_wait3A_622 = arith.constant 0 : i32
      %dma_wait3A_623 = tpu.memref_slice %arg6[%dma_wait3A_619, %dma_wait3A_621, %dma_wait3A_622] : memref<8x100x128xf32, #tpu.memory_space<vmem>> -> memref<1x100x128xf32, #tpu.memory_space<vmem>>
      %dma_wait3A_624 = tpu.memref_squeeze %dma_wait3A_623 : memref<1x100x128xf32, #tpu.memory_space<vmem>> -> memref<100x128xf32, #tpu.memory_space<vmem>>
      %dma_wait3A_625 = arith.constant 0 : i32
      %dma_wait3A_626 = tpu.memref_slice %arg5[%dma_wait3A_618, %dma_wait3A_625] : memref<64x100xi32, #tpu.memory_space<vmem>> -> memref<1x100xi32, #tpu.memory_space<vmem>>
      %dma_wait3A_627 = tpu.memref_squeeze %dma_wait3A_626 : memref<1x100xi32, #tpu.memory_space<vmem>> -> memref<100xi32, #tpu.memory_space<vmem>>
      %dma_wait3A_628 = arith.constant 0 : i32
      %dma_wait3A_629 = arith.constant 0 : i32
      %dma_wait3A_630 = tpu.memref_slice %arg3[%dma_wait3A_628, %dma_wait3A_629] : memref<100000x128xf32, #tpu.memory_space<hbm>> -> memref<100000x128xf32, #tpu.memory_space<hbm>>
      %dma_wait3A_631 = tpu.memref_slice %arg8[%dma_wait3A_620] : memref<8x!tpu.dma_semaphore, #tpu.memory_space<semaphore_mem>> -> memref<1x!tpu.dma_semaphore, #tpu.memory_space<semaphore_mem>>
      %dma_wait3A_632 = tpu.memref_squeeze %dma_wait3A_631 : memref<1x!tpu.dma_semaphore, #tpu.memory_space<semaphore_mem>> -> memref<!tpu.dma_semaphore, #tpu.memory_space<semaphore_mem>>
      tpu.wait_indirect_dma semaphore(%dma_wait3A_632 : memref<!tpu.dma_semaphore, #tpu.memory_space<semaphore_mem>>) src(%dma_wait3A_630 : memref<100000x128xf32, #tpu.memory_space<hbm>>) dst(%dma_wait3A_624 : memref<100x128xf32, #tpu.memory_space<vmem>>)
      %add3A_633 = arith.constant 2 : i32
      %add3A_634 = arith.addi %mul3A_483, %add3A_633 : i32
      %mul3A_635 = arith.constant 2 : i32
      %mul3A_636 = arith.muli %add3A_634, %mul3A_635 : i32
      %add3A_637 = arith.addi %mul3A_2, %mul3A_636 : i32
      %add3A_638 = arith.constant 0 : i32
      %add3A_639 = arith.addi %add3A_637, %add3A_638 : i32
      %dma_start3A_640 = arith.constant 2 : i32
      %dma_start3A_641 = arith.constant 2 : i32
      %dma_start3A_642 = arith.constant 0 : i32
      %dma_start3A_643 = arith.constant 0 : i32
      %dma_start3A_644 = tpu.memref_slice %arg6[%dma_start3A_640, %dma_start3A_642, %dma_start3A_643] : memref<8x100x128xf32, #tpu.memory_space<vmem>> -> memref<1x50x128xf32, #tpu.memory_space<vmem>>
      %dma_start3A_645 = tpu.memref_squeeze %dma_start3A_644 : memref<1x50x128xf32, #tpu.memory_space<vmem>> -> memref<50x128xf32, #tpu.memory_space<vmem>>
      %dma_start3A_646 = arith.constant 0 : i32
      %dma_start3A_647 = arith.constant 0 : i32
      %dma_start3A_648 = tpu.memref_slice %arg4[%add3A_639, %dma_start3A_646, %dma_start3A_647] : memref<4096x50x128xf32, #tpu.memory_space<hbm>> -> memref<1x50x128xf32, #tpu.memory_space<hbm>>
      %dma_start3A_649 = tpu.memref_squeeze %dma_start3A_648 : memref<1x50x128xf32, #tpu.memory_space<hbm>> -> memref<50x128xf32, #tpu.memory_space<hbm>>
      %dma_start3A_650 = tpu.memref_slice %arg9[%dma_start3A_641] : memref<8x!tpu.dma_semaphore, #tpu.memory_space<semaphore_mem>> -> memref<1x!tpu.dma_semaphore, #tpu.memory_space<semaphore_mem>>
      %dma_start3A_651 = tpu.memref_squeeze %dma_start3A_650 : memref<1x!tpu.dma_semaphore, #tpu.memory_space<semaphore_mem>> -> memref<!tpu.dma_semaphore, #tpu.memory_space<semaphore_mem>>
      %dma_start3A_652 = arith.constant 0 : i32
      %dma_start3A_653 = arith.constant 0 : i32
      %dma_start3A_654 = tpu.memref_slice %arg4[%add3A_639, %dma_start3A_652, %dma_start3A_653] : memref<4096x50x128xf32, #tpu.memory_space<hbm>> -> memref<1x50x128xf32, #tpu.memory_space<hbm>>
      %dma_start3A_655 = tpu.memref_squeeze %dma_start3A_654 : memref<1x50x128xf32, #tpu.memory_space<hbm>> -> memref<50x128xf32, #tpu.memory_space<hbm>>
      %dma_start3A_656 = arith.constant 0 : i32
      %dma_start3A_657 = arith.constant 0 : i32
      %dma_start3A_658 = tpu.memref_slice %arg6[%dma_start3A_640, %dma_start3A_656, %dma_start3A_657] : memref<8x100x128xf32, #tpu.memory_space<vmem>> -> memref<1x50x128xf32, #tpu.memory_space<vmem>>
      %dma_start3A_659 = tpu.memref_squeeze %dma_start3A_658 : memref<1x50x128xf32, #tpu.memory_space<vmem>> -> memref<50x128xf32, #tpu.memory_space<vmem>>
      tpu.enqueue_dma source(%dma_start3A_659 : memref<50x128xf32, #tpu.memory_space<vmem>>) target(%dma_start3A_655 : memref<50x128xf32, #tpu.memory_space<hbm>>) target_semaphore(%dma_start3A_651 : memref<!tpu.dma_semaphore, #tpu.memory_space<semaphore_mem>>)
      %mul3A_660 = arith.constant 2 : i32
      %mul3A_661 = arith.muli %add3A_634, %mul3A_660 : i32
      %add3A_662 = arith.addi %mul3A_2, %mul3A_661 : i32
      %add3A_663 = arith.constant 1 : i32
      %add3A_664 = arith.addi %add3A_662, %add3A_663 : i32
      %dma_start3A_665 = arith.constant 2 : i32
      %dma_start3A_666 = arith.constant 2 : i32
      %dma_start3A_667 = arith.constant 50 : i32
      %dma_start3A_668 = arith.constant 0 : i32
      %dma_start3A_669 = tpu.memref_slice %arg6[%dma_start3A_665, %dma_start3A_667, %dma_start3A_668] : memref<8x100x128xf32, #tpu.memory_space<vmem>> -> memref<1x50x128xf32, #tpu.memory_space<vmem>>
      %dma_start3A_670 = tpu.memref_squeeze %dma_start3A_669 : memref<1x50x128xf32, #tpu.memory_space<vmem>> -> memref<50x128xf32, #tpu.memory_space<vmem>>
      %dma_start3A_671 = arith.constant 0 : i32
      %dma_start3A_672 = arith.constant 0 : i32
      %dma_start3A_673 = tpu.memref_slice %arg4[%add3A_664, %dma_start3A_671, %dma_start3A_672] : memref<4096x50x128xf32, #tpu.memory_space<hbm>> -> memref<1x50x128xf32, #tpu.memory_space<hbm>>
      %dma_start3A_674 = tpu.memref_squeeze %dma_start3A_673 : memref<1x50x128xf32, #tpu.memory_space<hbm>> -> memref<50x128xf32, #tpu.memory_space<hbm>>
      %dma_start3A_675 = tpu.memref_slice %arg9[%dma_start3A_666] : memref<8x!tpu.dma_semaphore, #tpu.memory_space<semaphore_mem>> -> memref<1x!tpu.dma_semaphore, #tpu.memory_space<semaphore_mem>>
      %dma_start3A_676 = tpu.memref_squeeze %dma_start3A_675 : memref<1x!tpu.dma_semaphore, #tpu.memory_space<semaphore_mem>> -> memref<!tpu.dma_semaphore, #tpu.memory_space<semaphore_mem>>
      %dma_start3A_677 = arith.constant 0 : i32
      %dma_start3A_678 = arith.constant 0 : i32
      %dma_start3A_679 = tpu.memref_slice %arg4[%add3A_664, %dma_start3A_677, %dma_start3A_678] : memref<4096x50x128xf32, #tpu.memory_space<hbm>> -> memref<1x50x128xf32, #tpu.memory_space<hbm>>
      %dma_start3A_680 = tpu.memref_squeeze %dma_start3A_679 : memref<1x50x128xf32, #tpu.memory_space<hbm>> -> memref<50x128xf32, #tpu.memory_space<hbm>>
      %dma_start3A_681 = arith.constant 50 : i32
      %dma_start3A_682 = arith.constant 0 : i32
      %dma_start3A_683 = tpu.memref_slice %arg6[%dma_start3A_665, %dma_start3A_681, %dma_start3A_682] : memref<8x100x128xf32, #tpu.memory_space<vmem>> -> memref<1x50x128xf32, #tpu.memory_space<vmem>>
      %dma_start3A_684 = tpu.memref_squeeze %dma_start3A_683 : memref<1x50x128xf32, #tpu.memory_space<vmem>> -> memref<50x128xf32, #tpu.memory_space<vmem>>
      tpu.enqueue_dma source(%dma_start3A_684 : memref<50x128xf32, #tpu.memory_space<vmem>>) target(%dma_start3A_680 : memref<50x128xf32, #tpu.memory_space<hbm>>) target_semaphore(%dma_start3A_676 : memref<!tpu.dma_semaphore, #tpu.memory_space<semaphore_mem>>)
      %dma_wait3A_685 = arith.constant 0 : i32
      %dma_wait3A_686 = arith.constant 3 : i32
      %dma_wait3A_687 = arith.constant 3 : i32
      %dma_wait3A_688 = arith.constant 0 : i32
      %dma_wait3A_689 = arith.constant 0 : i32
      %dma_wait3A_690 = tpu.memref_slice %arg6[%dma_wait3A_686, %dma_wait3A_688, %dma_wait3A_689] : memref<8x100x128xf32, #tpu.memory_space<vmem>> -> memref<1x100x128xf32, #tpu.memory_space<vmem>>
      %dma_wait3A_691 = tpu.memref_squeeze %dma_wait3A_690 : memref<1x100x128xf32, #tpu.memory_space<vmem>> -> memref<100x128xf32, #tpu.memory_space<vmem>>
      %dma_wait3A_692 = arith.constant 0 : i32
      %dma_wait3A_693 = tpu.memref_slice %arg5[%dma_wait3A_685, %dma_wait3A_692] : memref<64x100xi32, #tpu.memory_space<vmem>> -> memref<1x100xi32, #tpu.memory_space<vmem>>
      %dma_wait3A_694 = tpu.memref_squeeze %dma_wait3A_693 : memref<1x100xi32, #tpu.memory_space<vmem>> -> memref<100xi32, #tpu.memory_space<vmem>>
      %dma_wait3A_695 = arith.constant 0 : i32
      %dma_wait3A_696 = arith.constant 0 : i32
      %dma_wait3A_697 = tpu.memref_slice %arg3[%dma_wait3A_695, %dma_wait3A_696] : memref<100000x128xf32, #tpu.memory_space<hbm>> -> memref<100000x128xf32, #tpu.memory_space<hbm>>
      %dma_wait3A_698 = tpu.memref_slice %arg8[%dma_wait3A_687] : memref<8x!tpu.dma_semaphore, #tpu.memory_space<semaphore_mem>> -> memref<1x!tpu.dma_semaphore, #tpu.memory_space<semaphore_mem>>
      %dma_wait3A_699 = tpu.memref_squeeze %dma_wait3A_698 : memref<1x!tpu.dma_semaphore, #tpu.memory_space<semaphore_mem>> -> memref<!tpu.dma_semaphore, #tpu.memory_space<semaphore_mem>>
      tpu.wait_indirect_dma semaphore(%dma_wait3A_699 : memref<!tpu.dma_semaphore, #tpu.memory_space<semaphore_mem>>) src(%dma_wait3A_697 : memref<100000x128xf32, #tpu.memory_space<hbm>>) dst(%dma_wait3A_691 : memref<100x128xf32, #tpu.memory_space<vmem>>)
      %add3A_700 = arith.constant 3 : i32
      %add3A_701 = arith.addi %mul3A_483, %add3A_700 : i32
      %mul3A_702 = arith.constant 2 : i32
      %mul3A_703 = arith.muli %add3A_701, %mul3A_702 : i32
      %add3A_704 = arith.addi %mul3A_2, %mul3A_703 : i32
      %add3A_705 = arith.constant 0 : i32
      %add3A_706 = arith.addi %add3A_704, %add3A_705 : i32
      %dma_start3A_707 = arith.constant 3 : i32
      %dma_start3A_708 = arith.constant 3 : i32
      %dma_start3A_709 = arith.constant 0 : i32
      %dma_start3A_710 = arith.constant 0 : i32
      %dma_start3A_711 = tpu.memref_slice %arg6[%dma_start3A_707, %dma_start3A_709, %dma_start3A_710] : memref<8x100x128xf32, #tpu.memory_space<vmem>> -> memref<1x50x128xf32, #tpu.memory_space<vmem>>
      %dma_start3A_712 = tpu.memref_squeeze %dma_start3A_711 : memref<1x50x128xf32, #tpu.memory_space<vmem>> -> memref<50x128xf32, #tpu.memory_space<vmem>>
      %dma_start3A_713 = arith.constant 0 : i32
      %dma_start3A_714 = arith.constant 0 : i32
      %dma_start3A_715 = tpu.memref_slice %arg4[%add3A_706, %dma_start3A_713, %dma_start3A_714] : memref<4096x50x128xf32, #tpu.memory_space<hbm>> -> memref<1x50x128xf32, #tpu.memory_space<hbm>>
      %dma_start3A_716 = tpu.memref_squeeze %dma_start3A_715 : memref<1x50x128xf32, #tpu.memory_space<hbm>> -> memref<50x128xf32, #tpu.memory_space<hbm>>
      %dma_start3A_717 = tpu.memref_slice %arg9[%dma_start3A_708] : memref<8x!tpu.dma_semaphore, #tpu.memory_space<semaphore_mem>> -> memref<1x!tpu.dma_semaphore, #tpu.memory_space<semaphore_mem>>
      %dma_start3A_718 = tpu.memref_squeeze %dma_start3A_717 : memref<1x!tpu.dma_semaphore, #tpu.memory_space<semaphore_mem>> -> memref<!tpu.dma_semaphore, #tpu.memory_space<semaphore_mem>>
      %dma_start3A_719 = arith.constant 0 : i32
      %dma_start3A_720 = arith.constant 0 : i32
      %dma_start3A_721 = tpu.memref_slice %arg4[%add3A_706, %dma_start3A_719, %dma_start3A_720] : memref<4096x50x128xf32, #tpu.memory_space<hbm>> -> memref<1x50x128xf32, #tpu.memory_space<hbm>>
      %dma_start3A_722 = tpu.memref_squeeze %dma_start3A_721 : memref<1x50x128xf32, #tpu.memory_space<hbm>> -> memref<50x128xf32, #tpu.memory_space<hbm>>
      %dma_start3A_723 = arith.constant 0 : i32
      %dma_start3A_724 = arith.constant 0 : i32
      %dma_start3A_725 = tpu.memref_slice %arg6[%dma_start3A_707, %dma_start3A_723, %dma_start3A_724] : memref<8x100x128xf32, #tpu.memory_space<vmem>> -> memref<1x50x128xf32, #tpu.memory_space<vmem>>
      %dma_start3A_726 = tpu.memref_squeeze %dma_start3A_725 : memref<1x50x128xf32, #tpu.memory_space<vmem>> -> memref<50x128xf32, #tpu.memory_space<vmem>>
      tpu.enqueue_dma source(%dma_start3A_726 : memref<50x128xf32, #tpu.memory_space<vmem>>) target(%dma_start3A_722 : memref<50x128xf32, #tpu.memory_space<hbm>>) target_semaphore(%dma_start3A_718 : memref<!tpu.dma_semaphore, #tpu.memory_space<semaphore_mem>>)
      %mul3A_727 = arith.constant 2 : i32
      %mul3A_728 = arith.muli %add3A_701, %mul3A_727 : i32
      %add3A_729 = arith.addi %mul3A_2, %mul3A_728 : i32
      %add3A_730 = arith.constant 1 : i32
      %add3A_731 = arith.addi %add3A_729, %add3A_730 : i32
      %dma_start3A_732 = arith.constant 3 : i32
      %dma_start3A_733 = arith.constant 3 : i32
      %dma_start3A_734 = arith.constant 50 : i32
      %dma_start3A_735 = arith.constant 0 : i32
      %dma_start3A_736 = tpu.memref_slice %arg6[%dma_start3A_732, %dma_start3A_734, %dma_start3A_735] : memref<8x100x128xf32, #tpu.memory_space<vmem>> -> memref<1x50x128xf32, #tpu.memory_space<vmem>>
      %dma_start3A_737 = tpu.memref_squeeze %dma_start3A_736 : memref<1x50x128xf32, #tpu.memory_space<vmem>> -> memref<50x128xf32, #tpu.memory_space<vmem>>
      %dma_start3A_738 = arith.constant 0 : i32
      %dma_start3A_739 = arith.constant 0 : i32
      %dma_start3A_740 = tpu.memref_slice %arg4[%add3A_731, %dma_start3A_738, %dma_start3A_739] : memref<4096x50x128xf32, #tpu.memory_space<hbm>> -> memref<1x50x128xf32, #tpu.memory_space<hbm>>
      %dma_start3A_741 = tpu.memref_squeeze %dma_start3A_740 : memref<1x50x128xf32, #tpu.memory_space<hbm>> -> memref<50x128xf32, #tpu.memory_space<hbm>>
      %dma_start3A_742 = tpu.memref_slice %arg9[%dma_start3A_733] : memref<8x!tpu.dma_semaphore, #tpu.memory_space<semaphore_mem>> -> memref<1x!tpu.dma_semaphore, #tpu.memory_space<semaphore_mem>>
      %dma_start3A_743 = tpu.memref_squeeze %dma_start3A_742 : memref<1x!tpu.dma_semaphore, #tpu.memory_space<semaphore_mem>> -> memref<!tpu.dma_semaphore, #tpu.memory_space<semaphore_mem>>
      %dma_start3A_744 = arith.constant 0 : i32
      %dma_start3A_745 = arith.constant 0 : i32
      %dma_start3A_746 = tpu.memref_slice %arg4[%add3A_731, %dma_start3A_744, %dma_start3A_745] : memref<4096x50x128xf32, #tpu.memory_space<hbm>> -> memref<1x50x128xf32, #tpu.memory_space<hbm>>
      %dma_start3A_747 = tpu.memref_squeeze %dma_start3A_746 : memref<1x50x128xf32, #tpu.memory_space<hbm>> -> memref<50x128xf32, #tpu.memory_space<hbm>>
      %dma_start3A_748 = arith.constant 50 : i32
      %dma_start3A_749 = arith.constant 0 : i32
      %dma_start3A_750 = tpu.memref_slice %arg6[%dma_start3A_732, %dma_start3A_748, %dma_start3A_749] : memref<8x100x128xf32, #tpu.memory_space<vmem>> -> memref<1x50x128xf32, #tpu.memory_space<vmem>>
      %dma_start3A_751 = tpu.memref_squeeze %dma_start3A_750 : memref<1x50x128xf32, #tpu.memory_space<vmem>> -> memref<50x128xf32, #tpu.memory_space<vmem>>
      tpu.enqueue_dma source(%dma_start3A_751 : memref<50x128xf32, #tpu.memory_space<vmem>>) target(%dma_start3A_747 : memref<50x128xf32, #tpu.memory_space<hbm>>) target_semaphore(%dma_start3A_743 : memref<!tpu.dma_semaphore, #tpu.memory_space<semaphore_mem>>)
      %dma_wait3A_752 = arith.constant 0 : i32
      %dma_wait3A_753 = arith.constant 4 : i32
      %dma_wait3A_754 = arith.constant 4 : i32
      %dma_wait3A_755 = arith.constant 0 : i32
      %dma_wait3A_756 = arith.constant 0 : i32
      %dma_wait3A_757 = tpu.memref_slice %arg6[%dma_wait3A_753, %dma_wait3A_755, %dma_wait3A_756] : memref<8x100x128xf32, #tpu.memory_space<vmem>> -> memref<1x100x128xf32, #tpu.memory_space<vmem>>
      %dma_wait3A_758 = tpu.memref_squeeze %dma_wait3A_757 : memref<1x100x128xf32, #tpu.memory_space<vmem>> -> memref<100x128xf32, #tpu.memory_space<vmem>>
      %dma_wait3A_759 = arith.constant 0 : i32
      %dma_wait3A_760 = tpu.memref_slice %arg5[%dma_wait3A_752, %dma_wait3A_759] : memref<64x100xi32, #tpu.memory_space<vmem>> -> memref<1x100xi32, #tpu.memory_space<vmem>>
      %dma_wait3A_761 = tpu.memref_squeeze %dma_wait3A_760 : memref<1x100xi32, #tpu.memory_space<vmem>> -> memref<100xi32, #tpu.memory_space<vmem>>
      %dma_wait3A_762 = arith.constant 0 : i32
      %dma_wait3A_763 = arith.constant 0 : i32
      %dma_wait3A_764 = tpu.memref_slice %arg3[%dma_wait3A_762, %dma_wait3A_763] : memref<100000x128xf32, #tpu.memory_space<hbm>> -> memref<100000x128xf32, #tpu.memory_space<hbm>>
      %dma_wait3A_765 = tpu.memref_slice %arg8[%dma_wait3A_754] : memref<8x!tpu.dma_semaphore, #tpu.memory_space<semaphore_mem>> -> memref<1x!tpu.dma_semaphore, #tpu.memory_space<semaphore_mem>>
      %dma_wait3A_766 = tpu.memref_squeeze %dma_wait3A_765 : memref<1x!tpu.dma_semaphore, #tpu.memory_space<semaphore_mem>> -> memref<!tpu.dma_semaphore, #tpu.memory_space<semaphore_mem>>
      tpu.wait_indirect_dma semaphore(%dma_wait3A_766 : memref<!tpu.dma_semaphore, #tpu.memory_space<semaphore_mem>>) src(%dma_wait3A_764 : memref<100000x128xf32, #tpu.memory_space<hbm>>) dst(%dma_wait3A_758 : memref<100x128xf32, #tpu.memory_space<vmem>>)
      %add3A_767 = arith.constant 4 : i32
      %add3A_768 = arith.addi %mul3A_483, %add3A_767 : i32
      %mul3A_769 = arith.constant 2 : i32
      %mul3A_770 = arith.muli %add3A_768, %mul3A_769 : i32
      %add3A_771 = arith.addi %mul3A_2, %mul3A_770 : i32
      %add3A_772 = arith.constant 0 : i32
      %add3A_773 = arith.addi %add3A_771, %add3A_772 : i32
      %dma_start3A_774 = arith.constant 4 : i32
      %dma_start3A_775 = arith.constant 4 : i32
      %dma_start3A_776 = arith.constant 0 : i32
      %dma_start3A_777 = arith.constant 0 : i32
      %dma_start3A_778 = tpu.memref_slice %arg6[%dma_start3A_774, %dma_start3A_776, %dma_start3A_777] : memref<8x100x128xf32, #tpu.memory_space<vmem>> -> memref<1x50x128xf32, #tpu.memory_space<vmem>>
      %dma_start3A_779 = tpu.memref_squeeze %dma_start3A_778 : memref<1x50x128xf32, #tpu.memory_space<vmem>> -> memref<50x128xf32, #tpu.memory_space<vmem>>
      %dma_start3A_780 = arith.constant 0 : i32
      %dma_start3A_781 = arith.constant 0 : i32
      %dma_start3A_782 = tpu.memref_slice %arg4[%add3A_773, %dma_start3A_780, %dma_start3A_781] : memref<4096x50x128xf32, #tpu.memory_space<hbm>> -> memref<1x50x128xf32, #tpu.memory_space<hbm>>
      %dma_start3A_783 = tpu.memref_squeeze %dma_start3A_782 : memref<1x50x128xf32, #tpu.memory_space<hbm>> -> memref<50x128xf32, #tpu.memory_space<hbm>>
      %dma_start3A_784 = tpu.memref_slice %arg9[%dma_start3A_775] : memref<8x!tpu.dma_semaphore, #tpu.memory_space<semaphore_mem>> -> memref<1x!tpu.dma_semaphore, #tpu.memory_space<semaphore_mem>>
      %dma_start3A_785 = tpu.memref_squeeze %dma_start3A_784 : memref<1x!tpu.dma_semaphore, #tpu.memory_space<semaphore_mem>> -> memref<!tpu.dma_semaphore, #tpu.memory_space<semaphore_mem>>
      %dma_start3A_786 = arith.constant 0 : i32
      %dma_start3A_787 = arith.constant 0 : i32
      %dma_start3A_788 = tpu.memref_slice %arg4[%add3A_773, %dma_start3A_786, %dma_start3A_787] : memref<4096x50x128xf32, #tpu.memory_space<hbm>> -> memref<1x50x128xf32, #tpu.memory_space<hbm>>
      %dma_start3A_789 = tpu.memref_squeeze %dma_start3A_788 : memref<1x50x128xf32, #tpu.memory_space<hbm>> -> memref<50x128xf32, #tpu.memory_space<hbm>>
      %dma_start3A_790 = arith.constant 0 : i32
      %dma_start3A_791 = arith.constant 0 : i32
      %dma_start3A_792 = tpu.memref_slice %arg6[%dma_start3A_774, %dma_start3A_790, %dma_start3A_791] : memref<8x100x128xf32, #tpu.memory_space<vmem>> -> memref<1x50x128xf32, #tpu.memory_space<vmem>>
      %dma_start3A_793 = tpu.memref_squeeze %dma_start3A_792 : memref<1x50x128xf32, #tpu.memory_space<vmem>> -> memref<50x128xf32, #tpu.memory_space<vmem>>
      tpu.enqueue_dma source(%dma_start3A_793 : memref<50x128xf32, #tpu.memory_space<vmem>>) target(%dma_start3A_789 : memref<50x128xf32, #tpu.memory_space<hbm>>) target_semaphore(%dma_start3A_785 : memref<!tpu.dma_semaphore, #tpu.memory_space<semaphore_mem>>)
      %mul3A_794 = arith.constant 2 : i32
      %mul3A_795 = arith.muli %add3A_768, %mul3A_794 : i32
      %add3A_796 = arith.addi %mul3A_2, %mul3A_795 : i32
      %add3A_797 = arith.constant 1 : i32
      %add3A_798 = arith.addi %add3A_796, %add3A_797 : i32
      %dma_start3A_799 = arith.constant 4 : i32
      %dma_start3A_800 = arith.constant 4 : i32
      %dma_start3A_801 = arith.constant 50 : i32
      %dma_start3A_802 = arith.constant 0 : i32
      %dma_start3A_803 = tpu.memref_slice %arg6[%dma_start3A_799, %dma_start3A_801, %dma_start3A_802] : memref<8x100x128xf32, #tpu.memory_space<vmem>> -> memref<1x50x128xf32, #tpu.memory_space<vmem>>
      %dma_start3A_804 = tpu.memref_squeeze %dma_start3A_803 : memref<1x50x128xf32, #tpu.memory_space<vmem>> -> memref<50x128xf32, #tpu.memory_space<vmem>>
      %dma_start3A_805 = arith.constant 0 : i32
      %dma_start3A_806 = arith.constant 0 : i32
      %dma_start3A_807 = tpu.memref_slice %arg4[%add3A_798, %dma_start3A_805, %dma_start3A_806] : memref<4096x50x128xf32, #tpu.memory_space<hbm>> -> memref<1x50x128xf32, #tpu.memory_space<hbm>>
      %dma_start3A_808 = tpu.memref_squeeze %dma_start3A_807 : memref<1x50x128xf32, #tpu.memory_space<hbm>> -> memref<50x128xf32, #tpu.memory_space<hbm>>
      %dma_start3A_809 = tpu.memref_slice %arg9[%dma_start3A_800] : memref<8x!tpu.dma_semaphore, #tpu.memory_space<semaphore_mem>> -> memref<1x!tpu.dma_semaphore, #tpu.memory_space<semaphore_mem>>
      %dma_start3A_810 = tpu.memref_squeeze %dma_start3A_809 : memref<1x!tpu.dma_semaphore, #tpu.memory_space<semaphore_mem>> -> memref<!tpu.dma_semaphore, #tpu.memory_space<semaphore_mem>>
      %dma_start3A_811 = arith.constant 0 : i32
      %dma_start3A_812 = arith.constant 0 : i32
      %dma_start3A_813 = tpu.memref_slice %arg4[%add3A_798, %dma_start3A_811, %dma_start3A_812] : memref<4096x50x128xf32, #tpu.memory_space<hbm>> -> memref<1x50x128xf32, #tpu.memory_space<hbm>>
      %dma_start3A_814 = tpu.memref_squeeze %dma_start3A_813 : memref<1x50x128xf32, #tpu.memory_space<hbm>> -> memref<50x128xf32, #tpu.memory_space<hbm>>
      %dma_start3A_815 = arith.constant 50 : i32
      %dma_start3A_816 = arith.constant 0 : i32
      %dma_start3A_817 = tpu.memref_slice %arg6[%dma_start3A_799, %dma_start3A_815, %dma_start3A_816] : memref<8x100x128xf32, #tpu.memory_space<vmem>> -> memref<1x50x128xf32, #tpu.memory_space<vmem>>
      %dma_start3A_818 = tpu.memref_squeeze %dma_start3A_817 : memref<1x50x128xf32, #tpu.memory_space<vmem>> -> memref<50x128xf32, #tpu.memory_space<vmem>>
      tpu.enqueue_dma source(%dma_start3A_818 : memref<50x128xf32, #tpu.memory_space<vmem>>) target(%dma_start3A_814 : memref<50x128xf32, #tpu.memory_space<hbm>>) target_semaphore(%dma_start3A_810 : memref<!tpu.dma_semaphore, #tpu.memory_space<semaphore_mem>>)
      %dma_wait3A_819 = arith.constant 0 : i32
      %dma_wait3A_820 = arith.constant 5 : i32
      %dma_wait3A_821 = arith.constant 5 : i32
      %dma_wait3A_822 = arith.constant 0 : i32
      %dma_wait3A_823 = arith.constant 0 : i32
      %dma_wait3A_824 = tpu.memref_slice %arg6[%dma_wait3A_820, %dma_wait3A_822, %dma_wait3A_823] : memref<8x100x128xf32, #tpu.memory_space<vmem>> -> memref<1x100x128xf32, #tpu.memory_space<vmem>>
      %dma_wait3A_825 = tpu.memref_squeeze %dma_wait3A_824 : memref<1x100x128xf32, #tpu.memory_space<vmem>> -> memref<100x128xf32, #tpu.memory_space<vmem>>
      %dma_wait3A_826 = arith.constant 0 : i32
      %dma_wait3A_827 = tpu.memref_slice %arg5[%dma_wait3A_819, %dma_wait3A_826] : memref<64x100xi32, #tpu.memory_space<vmem>> -> memref<1x100xi32, #tpu.memory_space<vmem>>
      %dma_wait3A_828 = tpu.memref_squeeze %dma_wait3A_827 : memref<1x100xi32, #tpu.memory_space<vmem>> -> memref<100xi32, #tpu.memory_space<vmem>>
      %dma_wait3A_829 = arith.constant 0 : i32
      %dma_wait3A_830 = arith.constant 0 : i32
      %dma_wait3A_831 = tpu.memref_slice %arg3[%dma_wait3A_829, %dma_wait3A_830] : memref<100000x128xf32, #tpu.memory_space<hbm>> -> memref<100000x128xf32, #tpu.memory_space<hbm>>
      %dma_wait3A_832 = tpu.memref_slice %arg8[%dma_wait3A_821] : memref<8x!tpu.dma_semaphore, #tpu.memory_space<semaphore_mem>> -> memref<1x!tpu.dma_semaphore, #tpu.memory_space<semaphore_mem>>
      %dma_wait3A_833 = tpu.memref_squeeze %dma_wait3A_832 : memref<1x!tpu.dma_semaphore, #tpu.memory_space<semaphore_mem>> -> memref<!tpu.dma_semaphore, #tpu.memory_space<semaphore_mem>>
      tpu.wait_indirect_dma semaphore(%dma_wait3A_833 : memref<!tpu.dma_semaphore, #tpu.memory_space<semaphore_mem>>) src(%dma_wait3A_831 : memref<100000x128xf32, #tpu.memory_space<hbm>>) dst(%dma_wait3A_825 : memref<100x128xf32, #tpu.memory_space<vmem>>)
      %add3A_834 = arith.constant 5 : i32
      %add3A_835 = arith.addi %mul3A_483, %add3A_834 : i32
      %mul3A_836 = arith.constant 2 : i32
      %mul3A_837 = arith.muli %add3A_835, %mul3A_836 : i32
      %add3A_838 = arith.addi %mul3A_2, %mul3A_837 : i32
      %add3A_839 = arith.constant 0 : i32
      %add3A_840 = arith.addi %add3A_838, %add3A_839 : i32
      %dma_start3A_841 = arith.constant 5 : i32
      %dma_start3A_842 = arith.constant 5 : i32
      %dma_start3A_843 = arith.constant 0 : i32
      %dma_start3A_844 = arith.constant 0 : i32
      %dma_start3A_845 = tpu.memref_slice %arg6[%dma_start3A_841, %dma_start3A_843, %dma_start3A_844] : memref<8x100x128xf32, #tpu.memory_space<vmem>> -> memref<1x50x128xf32, #tpu.memory_space<vmem>>
      %dma_start3A_846 = tpu.memref_squeeze %dma_start3A_845 : memref<1x50x128xf32, #tpu.memory_space<vmem>> -> memref<50x128xf32, #tpu.memory_space<vmem>>
      %dma_start3A_847 = arith.constant 0 : i32
      %dma_start3A_848 = arith.constant 0 : i32
      %dma_start3A_849 = tpu.memref_slice %arg4[%add3A_840, %dma_start3A_847, %dma_start3A_848] : memref<4096x50x128xf32, #tpu.memory_space<hbm>> -> memref<1x50x128xf32, #tpu.memory_space<hbm>>
      %dma_start3A_850 = tpu.memref_squeeze %dma_start3A_849 : memref<1x50x128xf32, #tpu.memory_space<hbm>> -> memref<50x128xf32, #tpu.memory_space<hbm>>
      %dma_start3A_851 = tpu.memref_slice %arg9[%dma_start3A_842] : memref<8x!tpu.dma_semaphore, #tpu.memory_space<semaphore_mem>> -> memref<1x!tpu.dma_semaphore, #tpu.memory_space<semaphore_mem>>
      %dma_start3A_852 = tpu.memref_squeeze %dma_start3A_851 : memref<1x!tpu.dma_semaphore, #tpu.memory_space<semaphore_mem>> -> memref<!tpu.dma_semaphore, #tpu.memory_space<semaphore_mem>>
      %dma_start3A_853 = arith.constant 0 : i32
      %dma_start3A_854 = arith.constant 0 : i32
      %dma_start3A_855 = tpu.memref_slice %arg4[%add3A_840, %dma_start3A_853, %dma_start3A_854] : memref<4096x50x128xf32, #tpu.memory_space<hbm>> -> memref<1x50x128xf32, #tpu.memory_space<hbm>>
      %dma_start3A_856 = tpu.memref_squeeze %dma_start3A_855 : memref<1x50x128xf32, #tpu.memory_space<hbm>> -> memref<50x128xf32, #tpu.memory_space<hbm>>
      %dma_start3A_857 = arith.constant 0 : i32
      %dma_start3A_858 = arith.constant 0 : i32
      %dma_start3A_859 = tpu.memref_slice %arg6[%dma_start3A_841, %dma_start3A_857, %dma_start3A_858] : memref<8x100x128xf32, #tpu.memory_space<vmem>> -> memref<1x50x128xf32, #tpu.memory_space<vmem>>
      %dma_start3A_860 = tpu.memref_squeeze %dma_start3A_859 : memref<1x50x128xf32, #tpu.memory_space<vmem>> -> memref<50x128xf32, #tpu.memory_space<vmem>>
      tpu.enqueue_dma source(%dma_start3A_860 : memref<50x128xf32, #tpu.memory_space<vmem>>) target(%dma_start3A_856 : memref<50x128xf32, #tpu.memory_space<hbm>>) target_semaphore(%dma_start3A_852 : memref<!tpu.dma_semaphore, #tpu.memory_space<semaphore_mem>>)
      %mul3A_861 = arith.constant 2 : i32
      %mul3A_862 = arith.muli %add3A_835, %mul3A_861 : i32
      %add3A_863 = arith.addi %mul3A_2, %mul3A_862 : i32
      %add3A_864 = arith.constant 1 : i32
      %add3A_865 = arith.addi %add3A_863, %add3A_864 : i32
      %dma_start3A_866 = arith.constant 5 : i32
      %dma_start3A_867 = arith.constant 5 : i32
      %dma_start3A_868 = arith.constant 50 : i32
      %dma_start3A_869 = arith.constant 0 : i32
      %dma_start3A_870 = tpu.memref_slice %arg6[%dma_start3A_866, %dma_start3A_868, %dma_start3A_869] : memref<8x100x128xf32, #tpu.memory_space<vmem>> -> memref<1x50x128xf32, #tpu.memory_space<vmem>>
      %dma_start3A_871 = tpu.memref_squeeze %dma_start3A_870 : memref<1x50x128xf32, #tpu.memory_space<vmem>> -> memref<50x128xf32, #tpu.memory_space<vmem>>
      %dma_start3A_872 = arith.constant 0 : i32
      %dma_start3A_873 = arith.constant 0 : i32
      %dma_start3A_874 = tpu.memref_slice %arg4[%add3A_865, %dma_start3A_872, %dma_start3A_873] : memref<4096x50x128xf32, #tpu.memory_space<hbm>> -> memref<1x50x128xf32, #tpu.memory_space<hbm>>
      %dma_start3A_875 = tpu.memref_squeeze %dma_start3A_874 : memref<1x50x128xf32, #tpu.memory_space<hbm>> -> memref<50x128xf32, #tpu.memory_space<hbm>>
      %dma_start3A_876 = tpu.memref_slice %arg9[%dma_start3A_867] : memref<8x!tpu.dma_semaphore, #tpu.memory_space<semaphore_mem>> -> memref<1x!tpu.dma_semaphore, #tpu.memory_space<semaphore_mem>>
      %dma_start3A_877 = tpu.memref_squeeze %dma_start3A_876 : memref<1x!tpu.dma_semaphore, #tpu.memory_space<semaphore_mem>> -> memref<!tpu.dma_semaphore, #tpu.memory_space<semaphore_mem>>
      %dma_start3A_878 = arith.constant 0 : i32
      %dma_start3A_879 = arith.constant 0 : i32
      %dma_start3A_880 = tpu.memref_slice %arg4[%add3A_865, %dma_start3A_878, %dma_start3A_879] : memref<4096x50x128xf32, #tpu.memory_space<hbm>> -> memref<1x50x128xf32, #tpu.memory_space<hbm>>
      %dma_start3A_881 = tpu.memref_squeeze %dma_start3A_880 : memref<1x50x128xf32, #tpu.memory_space<hbm>> -> memref<50x128xf32, #tpu.memory_space<hbm>>
      %dma_start3A_882 = arith.constant 50 : i32
      %dma_start3A_883 = arith.constant 0 : i32
      %dma_start3A_884 = tpu.memref_slice %arg6[%dma_start3A_866, %dma_start3A_882, %dma_start3A_883] : memref<8x100x128xf32, #tpu.memory_space<vmem>> -> memref<1x50x128xf32, #tpu.memory_space<vmem>>
      %dma_start3A_885 = tpu.memref_squeeze %dma_start3A_884 : memref<1x50x128xf32, #tpu.memory_space<vmem>> -> memref<50x128xf32, #tpu.memory_space<vmem>>
      tpu.enqueue_dma source(%dma_start3A_885 : memref<50x128xf32, #tpu.memory_space<vmem>>) target(%dma_start3A_881 : memref<50x128xf32, #tpu.memory_space<hbm>>) target_semaphore(%dma_start3A_877 : memref<!tpu.dma_semaphore, #tpu.memory_space<semaphore_mem>>)
      %dma_wait3A_886 = arith.constant 0 : i32
      %dma_wait3A_887 = arith.constant 6 : i32
      %dma_wait3A_888 = arith.constant 6 : i32
      %dma_wait3A_889 = arith.constant 0 : i32
      %dma_wait3A_890 = arith.constant 0 : i32
      %dma_wait3A_891 = tpu.memref_slice %arg6[%dma_wait3A_887, %dma_wait3A_889, %dma_wait3A_890] : memref<8x100x128xf32, #tpu.memory_space<vmem>> -> memref<1x100x128xf32, #tpu.memory_space<vmem>>
      %dma_wait3A_892 = tpu.memref_squeeze %dma_wait3A_891 : memref<1x100x128xf32, #tpu.memory_space<vmem>> -> memref<100x128xf32, #tpu.memory_space<vmem>>
      %dma_wait3A_893 = arith.constant 0 : i32
      %dma_wait3A_894 = tpu.memref_slice %arg5[%dma_wait3A_886, %dma_wait3A_893] : memref<64x100xi32, #tpu.memory_space<vmem>> -> memref<1x100xi32, #tpu.memory_space<vmem>>
      %dma_wait3A_895 = tpu.memref_squeeze %dma_wait3A_894 : memref<1x100xi32, #tpu.memory_space<vmem>> -> memref<100xi32, #tpu.memory_space<vmem>>
      %dma_wait3A_896 = arith.constant 0 : i32
      %dma_wait3A_897 = arith.constant 0 : i32
      %dma_wait3A_898 = tpu.memref_slice %arg3[%dma_wait3A_896, %dma_wait3A_897] : memref<100000x128xf32, #tpu.memory_space<hbm>> -> memref<100000x128xf32, #tpu.memory_space<hbm>>
      %dma_wait3A_899 = tpu.memref_slice %arg8[%dma_wait3A_888] : memref<8x!tpu.dma_semaphore, #tpu.memory_space<semaphore_mem>> -> memref<1x!tpu.dma_semaphore, #tpu.memory_space<semaphore_mem>>
      %dma_wait3A_900 = tpu.memref_squeeze %dma_wait3A_899 : memref<1x!tpu.dma_semaphore, #tpu.memory_space<semaphore_mem>> -> memref<!tpu.dma_semaphore, #tpu.memory_space<semaphore_mem>>
      tpu.wait_indirect_dma semaphore(%dma_wait3A_900 : memref<!tpu.dma_semaphore, #tpu.memory_space<semaphore_mem>>) src(%dma_wait3A_898 : memref<100000x128xf32, #tpu.memory_space<hbm>>) dst(%dma_wait3A_892 : memref<100x128xf32, #tpu.memory_space<vmem>>)
      %add3A_901 = arith.constant 6 : i32
      %add3A_902 = arith.addi %mul3A_483, %add3A_901 : i32
      %mul3A_903 = arith.constant 2 : i32
      %mul3A_904 = arith.muli %add3A_902, %mul3A_903 : i32
      %add3A_905 = arith.addi %mul3A_2, %mul3A_904 : i32
      %add3A_906 = arith.constant 0 : i32
      %add3A_907 = arith.addi %add3A_905, %add3A_906 : i32
      %dma_start3A_908 = arith.constant 6 : i32
      %dma_start3A_909 = arith.constant 6 : i32
      %dma_start3A_910 = arith.constant 0 : i32
      %dma_start3A_911 = arith.constant 0 : i32
      %dma_start3A_912 = tpu.memref_slice %arg6[%dma_start3A_908, %dma_start3A_910, %dma_start3A_911] : memref<8x100x128xf32, #tpu.memory_space<vmem>> -> memref<1x50x128xf32, #tpu.memory_space<vmem>>
      %dma_start3A_913 = tpu.memref_squeeze %dma_start3A_912 : memref<1x50x128xf32, #tpu.memory_space<vmem>> -> memref<50x128xf32, #tpu.memory_space<vmem>>
      %dma_start3A_914 = arith.constant 0 : i32
      %dma_start3A_915 = arith.constant 0 : i32
      %dma_start3A_916 = tpu.memref_slice %arg4[%add3A_907, %dma_start3A_914, %dma_start3A_915] : memref<4096x50x128xf32, #tpu.memory_space<hbm>> -> memref<1x50x128xf32, #tpu.memory_space<hbm>>
      %dma_start3A_917 = tpu.memref_squeeze %dma_start3A_916 : memref<1x50x128xf32, #tpu.memory_space<hbm>> -> memref<50x128xf32, #tpu.memory_space<hbm>>
      %dma_start3A_918 = tpu.memref_slice %arg9[%dma_start3A_909] : memref<8x!tpu.dma_semaphore, #tpu.memory_space<semaphore_mem>> -> memref<1x!tpu.dma_semaphore, #tpu.memory_space<semaphore_mem>>
      %dma_start3A_919 = tpu.memref_squeeze %dma_start3A_918 : memref<1x!tpu.dma_semaphore, #tpu.memory_space<semaphore_mem>> -> memref<!tpu.dma_semaphore, #tpu.memory_space<semaphore_mem>>
      %dma_start3A_920 = arith.constant 0 : i32
      %dma_start3A_921 = arith.constant 0 : i32
      %dma_start3A_922 = tpu.memref_slice %arg4[%add3A_907, %dma_start3A_920, %dma_start3A_921] : memref<4096x50x128xf32, #tpu.memory_space<hbm>> -> memref<1x50x128xf32, #tpu.memory_space<hbm>>
      %dma_start3A_923 = tpu.memref_squeeze %dma_start3A_922 : memref<1x50x128xf32, #tpu.memory_space<hbm>> -> memref<50x128xf32, #tpu.memory_space<hbm>>
      %dma_start3A_924 = arith.constant 0 : i32
      %dma_start3A_925 = arith.constant 0 : i32
      %dma_start3A_926 = tpu.memref_slice %arg6[%dma_start3A_908, %dma_start3A_924, %dma_start3A_925] : memref<8x100x128xf32, #tpu.memory_space<vmem>> -> memref<1x50x128xf32, #tpu.memory_space<vmem>>
      %dma_start3A_927 = tpu.memref_squeeze %dma_start3A_926 : memref<1x50x128xf32, #tpu.memory_space<vmem>> -> memref<50x128xf32, #tpu.memory_space<vmem>>
      tpu.enqueue_dma source(%dma_start3A_927 : memref<50x128xf32, #tpu.memory_space<vmem>>) target(%dma_start3A_923 : memref<50x128xf32, #tpu.memory_space<hbm>>) target_semaphore(%dma_start3A_919 : memref<!tpu.dma_semaphore, #tpu.memory_space<semaphore_mem>>)
      %mul3A_928 = arith.constant 2 : i32
      %mul3A_929 = arith.muli %add3A_902, %mul3A_928 : i32
      %add3A_930 = arith.addi %mul3A_2, %mul3A_929 : i32
      %add3A_931 = arith.constant 1 : i32
      %add3A_932 = arith.addi %add3A_930, %add3A_931 : i32
      %dma_start3A_933 = arith.constant 6 : i32
      %dma_start3A_934 = arith.constant 6 : i32
      %dma_start3A_935 = arith.constant 50 : i32
      %dma_start3A_936 = arith.constant 0 : i32
      %dma_start3A_937 = tpu.memref_slice %arg6[%dma_start3A_933, %dma_start3A_935, %dma_start3A_936] : memref<8x100x128xf32, #tpu.memory_space<vmem>> -> memref<1x50x128xf32, #tpu.memory_space<vmem>>
      %dma_start3A_938 = tpu.memref_squeeze %dma_start3A_937 : memref<1x50x128xf32, #tpu.memory_space<vmem>> -> memref<50x128xf32, #tpu.memory_space<vmem>>
      %dma_start3A_939 = arith.constant 0 : i32
      %dma_start3A_940 = arith.constant 0 : i32
      %dma_start3A_941 = tpu.memref_slice %arg4[%add3A_932, %dma_start3A_939, %dma_start3A_940] : memref<4096x50x128xf32, #tpu.memory_space<hbm>> -> memref<1x50x128xf32, #tpu.memory_space<hbm>>
      %dma_start3A_942 = tpu.memref_squeeze %dma_start3A_941 : memref<1x50x128xf32, #tpu.memory_space<hbm>> -> memref<50x128xf32, #tpu.memory_space<hbm>>
      %dma_start3A_943 = tpu.memref_slice %arg9[%dma_start3A_934] : memref<8x!tpu.dma_semaphore, #tpu.memory_space<semaphore_mem>> -> memref<1x!tpu.dma_semaphore, #tpu.memory_space<semaphore_mem>>
      %dma_start3A_944 = tpu.memref_squeeze %dma_start3A_943 : memref<1x!tpu.dma_semaphore, #tpu.memory_space<semaphore_mem>> -> memref<!tpu.dma_semaphore, #tpu.memory_space<semaphore_mem>>
      %dma_start3A_945 = arith.constant 0 : i32
      %dma_start3A_946 = arith.constant 0 : i32
      %dma_start3A_947 = tpu.memref_slice %arg4[%add3A_932, %dma_start3A_945, %dma_start3A_946] : memref<4096x50x128xf32, #tpu.memory_space<hbm>> -> memref<1x50x128xf32, #tpu.memory_space<hbm>>
      %dma_start3A_948 = tpu.memref_squeeze %dma_start3A_947 : memref<1x50x128xf32, #tpu.memory_space<hbm>> -> memref<50x128xf32, #tpu.memory_space<hbm>>
      %dma_start3A_949 = arith.constant 50 : i32
      %dma_start3A_950 = arith.constant 0 : i32
      %dma_start3A_951 = tpu.memref_slice %arg6[%dma_start3A_933, %dma_start3A_949, %dma_start3A_950] : memref<8x100x128xf32, #tpu.memory_space<vmem>> -> memref<1x50x128xf32, #tpu.memory_space<vmem>>
      %dma_start3A_952 = tpu.memref_squeeze %dma_start3A_951 : memref<1x50x128xf32, #tpu.memory_space<vmem>> -> memref<50x128xf32, #tpu.memory_space<vmem>>
      tpu.enqueue_dma source(%dma_start3A_952 : memref<50x128xf32, #tpu.memory_space<vmem>>) target(%dma_start3A_948 : memref<50x128xf32, #tpu.memory_space<hbm>>) target_semaphore(%dma_start3A_944 : memref<!tpu.dma_semaphore, #tpu.memory_space<semaphore_mem>>)
      %dma_wait3A_953 = arith.constant 0 : i32
      %dma_wait3A_954 = arith.constant 7 : i32
      %dma_wait3A_955 = arith.constant 7 : i32
      %dma_wait3A_956 = arith.constant 0 : i32
      %dma_wait3A_957 = arith.constant 0 : i32
      %dma_wait3A_958 = tpu.memref_slice %arg6[%dma_wait3A_954, %dma_wait3A_956, %dma_wait3A_957] : memref<8x100x128xf32, #tpu.memory_space<vmem>> -> memref<1x100x128xf32, #tpu.memory_space<vmem>>
      %dma_wait3A_959 = tpu.memref_squeeze %dma_wait3A_958 : memref<1x100x128xf32, #tpu.memory_space<vmem>> -> memref<100x128xf32, #tpu.memory_space<vmem>>
      %dma_wait3A_960 = arith.constant 0 : i32
      %dma_wait3A_961 = tpu.memref_slice %arg5[%dma_wait3A_953, %dma_wait3A_960] : memref<64x100xi32, #tpu.memory_space<vmem>> -> memref<1x100xi32, #tpu.memory_space<vmem>>
      %dma_wait3A_962 = tpu.memref_squeeze %dma_wait3A_961 : memref<1x100xi32, #tpu.memory_space<vmem>> -> memref<100xi32, #tpu.memory_space<vmem>>
      %dma_wait3A_963 = arith.constant 0 : i32
      %dma_wait3A_964 = arith.constant 0 : i32
      %dma_wait3A_965 = tpu.memref_slice %arg3[%dma_wait3A_963, %dma_wait3A_964] : memref<100000x128xf32, #tpu.memory_space<hbm>> -> memref<100000x128xf32, #tpu.memory_space<hbm>>
      %dma_wait3A_966 = tpu.memref_slice %arg8[%dma_wait3A_955] : memref<8x!tpu.dma_semaphore, #tpu.memory_space<semaphore_mem>> -> memref<1x!tpu.dma_semaphore, #tpu.memory_space<semaphore_mem>>
      %dma_wait3A_967 = tpu.memref_squeeze %dma_wait3A_966 : memref<1x!tpu.dma_semaphore, #tpu.memory_space<semaphore_mem>> -> memref<!tpu.dma_semaphore, #tpu.memory_space<semaphore_mem>>
      tpu.wait_indirect_dma semaphore(%dma_wait3A_967 : memref<!tpu.dma_semaphore, #tpu.memory_space<semaphore_mem>>) src(%dma_wait3A_965 : memref<100000x128xf32, #tpu.memory_space<hbm>>) dst(%dma_wait3A_959 : memref<100x128xf32, #tpu.memory_space<vmem>>)
      %add3A_968 = arith.constant 7 : i32
      %add3A_969 = arith.addi %mul3A_483, %add3A_968 : i32
      %mul3A_970 = arith.constant 2 : i32
      %mul3A_971 = arith.muli %add3A_969, %mul3A_970 : i32
      %add3A_972 = arith.addi %mul3A_2, %mul3A_971 : i32
      %add3A_973 = arith.constant 0 : i32
      %add3A_974 = arith.addi %add3A_972, %add3A_973 : i32
      %dma_start3A_975 = arith.constant 7 : i32
      %dma_start3A_976 = arith.constant 7 : i32
      %dma_start3A_977 = arith.constant 0 : i32
      %dma_start3A_978 = arith.constant 0 : i32
      %dma_start3A_979 = tpu.memref_slice %arg6[%dma_start3A_975, %dma_start3A_977, %dma_start3A_978] : memref<8x100x128xf32, #tpu.memory_space<vmem>> -> memref<1x50x128xf32, #tpu.memory_space<vmem>>
      %dma_start3A_980 = tpu.memref_squeeze %dma_start3A_979 : memref<1x50x128xf32, #tpu.memory_space<vmem>> -> memref<50x128xf32, #tpu.memory_space<vmem>>
      %dma_start3A_981 = arith.constant 0 : i32
      %dma_start3A_982 = arith.constant 0 : i32
      %dma_start3A_983 = tpu.memref_slice %arg4[%add3A_974, %dma_start3A_981, %dma_start3A_982] : memref<4096x50x128xf32, #tpu.memory_space<hbm>> -> memref<1x50x128xf32, #tpu.memory_space<hbm>>
      %dma_start3A_984 = tpu.memref_squeeze %dma_start3A_983 : memref<1x50x128xf32, #tpu.memory_space<hbm>> -> memref<50x128xf32, #tpu.memory_space<hbm>>
      %dma_start3A_985 = tpu.memref_slice %arg9[%dma_start3A_976] : memref<8x!tpu.dma_semaphore, #tpu.memory_space<semaphore_mem>> -> memref<1x!tpu.dma_semaphore, #tpu.memory_space<semaphore_mem>>
      %dma_start3A_986 = tpu.memref_squeeze %dma_start3A_985 : memref<1x!tpu.dma_semaphore, #tpu.memory_space<semaphore_mem>> -> memref<!tpu.dma_semaphore, #tpu.memory_space<semaphore_mem>>
      %dma_start3A_987 = arith.constant 0 : i32
      %dma_start3A_988 = arith.constant 0 : i32
      %dma_start3A_989 = tpu.memref_slice %arg4[%add3A_974, %dma_start3A_987, %dma_start3A_988] : memref<4096x50x128xf32, #tpu.memory_space<hbm>> -> memref<1x50x128xf32, #tpu.memory_space<hbm>>
      %dma_start3A_990 = tpu.memref_squeeze %dma_start3A_989 : memref<1x50x128xf32, #tpu.memory_space<hbm>> -> memref<50x128xf32, #tpu.memory_space<hbm>>
      %dma_start3A_991 = arith.constant 0 : i32
      %dma_start3A_992 = arith.constant 0 : i32
      %dma_start3A_993 = tpu.memref_slice %arg6[%dma_start3A_975, %dma_start3A_991, %dma_start3A_992] : memref<8x100x128xf32, #tpu.memory_space<vmem>> -> memref<1x50x128xf32, #tpu.memory_space<vmem>>
      %dma_start3A_994 = tpu.memref_squeeze %dma_start3A_993 : memref<1x50x128xf32, #tpu.memory_space<vmem>> -> memref<50x128xf32, #tpu.memory_space<vmem>>
      tpu.enqueue_dma source(%dma_start3A_994 : memref<50x128xf32, #tpu.memory_space<vmem>>) target(%dma_start3A_990 : memref<50x128xf32, #tpu.memory_space<hbm>>) target_semaphore(%dma_start3A_986 : memref<!tpu.dma_semaphore, #tpu.memory_space<semaphore_mem>>)
      %mul3A_995 = arith.constant 2 : i32
      %mul3A_996 = arith.muli %add3A_969, %mul3A_995 : i32
      %add3A_997 = arith.addi %mul3A_2, %mul3A_996 : i32
      %add3A_998 = arith.constant 1 : i32
      %add3A_999 = arith.addi %add3A_997, %add3A_998 : i32
      %dma_start3A_1000 = arith.constant 7 : i32
      %dma_start3A_1001 = arith.constant 7 : i32
      %dma_start3A_1002 = arith.constant 50 : i32
      %dma_start3A_1003 = arith.constant 0 : i32
      %dma_start3A_1004 = tpu.memref_slice %arg6[%dma_start3A_1000, %dma_start3A_1002, %dma_start3A_1003] : memref<8x100x128xf32, #tpu.memory_space<vmem>> -> memref<1x50x128xf32, #tpu.memory_space<vmem>>
      %dma_start3A_1005 = tpu.memref_squeeze %dma_start3A_1004 : memref<1x50x128xf32, #tpu.memory_space<vmem>> -> memref<50x128xf32, #tpu.memory_space<vmem>>
      %dma_start3A_1006 = arith.constant 0 : i32
      %dma_start3A_1007 = arith.constant 0 : i32
      %dma_start3A_1008 = tpu.memref_slice %arg4[%add3A_999, %dma_start3A_1006, %dma_start3A_1007] : memref<4096x50x128xf32, #tpu.memory_space<hbm>> -> memref<1x50x128xf32, #tpu.memory_space<hbm>>
      %dma_start3A_1009 = tpu.memref_squeeze %dma_start3A_1008 : memref<1x50x128xf32, #tpu.memory_space<hbm>> -> memref<50x128xf32, #tpu.memory_space<hbm>>
      %dma_start3A_1010 = tpu.memref_slice %arg9[%dma_start3A_1001] : memref<8x!tpu.dma_semaphore, #tpu.memory_space<semaphore_mem>> -> memref<1x!tpu.dma_semaphore, #tpu.memory_space<semaphore_mem>>
      %dma_start3A_1011 = tpu.memref_squeeze %dma_start3A_1010 : memref<1x!tpu.dma_semaphore, #tpu.memory_space<semaphore_mem>> -> memref<!tpu.dma_semaphore, #tpu.memory_space<semaphore_mem>>
      %dma_start3A_1012 = arith.constant 0 : i32
      %dma_start3A_1013 = arith.constant 0 : i32
      %dma_start3A_1014 = tpu.memref_slice %arg4[%add3A_999, %dma_start3A_1012, %dma_start3A_1013] : memref<4096x50x128xf32, #tpu.memory_space<hbm>> -> memref<1x50x128xf32, #tpu.memory_space<hbm>>
      %dma_start3A_1015 = tpu.memref_squeeze %dma_start3A_1014 : memref<1x50x128xf32, #tpu.memory_space<hbm>> -> memref<50x128xf32, #tpu.memory_space<hbm>>
      %dma_start3A_1016 = arith.constant 50 : i32
      %dma_start3A_1017 = arith.constant 0 : i32
      %dma_start3A_1018 = tpu.memref_slice %arg6[%dma_start3A_1000, %dma_start3A_1016, %dma_start3A_1017] : memref<8x100x128xf32, #tpu.memory_space<vmem>> -> memref<1x50x128xf32, #tpu.memory_space<vmem>>
      %dma_start3A_1019 = tpu.memref_squeeze %dma_start3A_1018 : memref<1x50x128xf32, #tpu.memory_space<vmem>> -> memref<50x128xf32, #tpu.memory_space<vmem>>
      tpu.enqueue_dma source(%dma_start3A_1019 : memref<50x128xf32, #tpu.memory_space<vmem>>) target(%dma_start3A_1015 : memref<50x128xf32, #tpu.memory_space<hbm>>) target_semaphore(%dma_start3A_1011 : memref<!tpu.dma_semaphore, #tpu.memory_space<semaphore_mem>>)
      %lt3A = arith.constant 7 : i32
      %lt3A_1020 = arith.cmpi slt, %add3A_481, %lt3A : i32
      %convert_element_type3A = arith.extui %lt3A_1020 : i1 to i32
      %cond3A = arith.constant 0 : i32
      %cond3A_1021 = arith.cmpi ne, %convert_element_type3A, %cond3A : i32
      scf.if %cond3A_1021 {
        %dma_wait3A_1022 = arith.constant 0 : i32
        %dma_wait3A_1023 = arith.constant 0 : i32
        %dma_wait3A_1024 = arith.constant 0 : i32
        %dma_wait3A_1025 = arith.constant 0 : i32
        %dma_wait3A_1026 = arith.constant 0 : i32
        %dma_wait3A_1027 = tpu.memref_slice %arg6[%dma_wait3A_1022, %dma_wait3A_1025, %dma_wait3A_1026] : memref<8x100x128xf32, #tpu.memory_space<vmem>> -> memref<1x50x128xf32, #tpu.memory_space<vmem>>
        %dma_wait3A_1028 = tpu.memref_squeeze %dma_wait3A_1027 : memref<1x50x128xf32, #tpu.memory_space<vmem>> -> memref<50x128xf32, #tpu.memory_space<vmem>>
        %dma_wait3A_1029 = arith.constant 0 : i32
        %dma_wait3A_1030 = arith.constant 0 : i32
        %dma_wait3A_1031 = tpu.memref_slice %arg4[%dma_wait3A_1023, %dma_wait3A_1029, %dma_wait3A_1030] : memref<4096x50x128xf32, #tpu.memory_space<hbm>> -> memref<1x50x128xf32, #tpu.memory_space<hbm>>
        %dma_wait3A_1032 = tpu.memref_squeeze %dma_wait3A_1031 : memref<1x50x128xf32, #tpu.memory_space<hbm>> -> memref<50x128xf32, #tpu.memory_space<hbm>>
        %dma_wait3A_1033 = tpu.memref_slice %arg9[%dma_wait3A_1024] : memref<8x!tpu.dma_semaphore, #tpu.memory_space<semaphore_mem>> -> memref<1x!tpu.dma_semaphore, #tpu.memory_space<semaphore_mem>>
        %dma_wait3A_1034 = tpu.memref_squeeze %dma_wait3A_1033 : memref<1x!tpu.dma_semaphore, #tpu.memory_space<semaphore_mem>> -> memref<!tpu.dma_semaphore, #tpu.memory_space<semaphore_mem>>
        %dma_wait3A_1035 = arith.constant 0 : i32
        %dma_wait3A_1036 = arith.constant 0 : i32
        %dma_wait3A_1037 = tpu.memref_slice %arg4[%dma_wait3A_1023, %dma_wait3A_1035, %dma_wait3A_1036] : memref<4096x50x128xf32, #tpu.memory_space<hbm>> -> memref<1x50x128xf32, #tpu.memory_space<hbm>>
        %dma_wait3A_1038 = tpu.memref_squeeze %dma_wait3A_1037 : memref<1x50x128xf32, #tpu.memory_space<hbm>> -> memref<50x128xf32, #tpu.memory_space<hbm>>
        %dma_wait3A_1039 = arith.constant 0 : i32
        %dma_wait3A_1040 = arith.constant 0 : i32
        %dma_wait3A_1041 = tpu.memref_slice %arg6[%dma_wait3A_1022, %dma_wait3A_1039, %dma_wait3A_1040] : memref<8x100x128xf32, #tpu.memory_space<vmem>> -> memref<1x50x128xf32, #tpu.memory_space<vmem>>
        %dma_wait3A_1042 = tpu.memref_squeeze %dma_wait3A_1041 : memref<1x50x128xf32, #tpu.memory_space<vmem>> -> memref<50x128xf32, #tpu.memory_space<vmem>>
        tpu.wait_dma2 semaphore(%dma_wait3A_1034 : memref<!tpu.dma_semaphore, #tpu.memory_space<semaphore_mem>>) src(%dma_wait3A_1042 : memref<50x128xf32, #tpu.memory_space<vmem>>) dst(%dma_wait3A_1038 : memref<50x128xf32, #tpu.memory_space<hbm>>)
        %dma_wait3A_1043 = arith.constant 0 : i32
        %dma_wait3A_1044 = arith.constant 0 : i32
        %dma_wait3A_1045 = arith.constant 0 : i32
        %dma_wait3A_1046 = arith.constant 0 : i32
        %dma_wait3A_1047 = arith.constant 0 : i32
        %dma_wait3A_1048 = tpu.memref_slice %arg6[%dma_wait3A_1043, %dma_wait3A_1046, %dma_wait3A_1047] : memref<8x100x128xf32, #tpu.memory_space<vmem>> -> memref<1x50x128xf32, #tpu.memory_space<vmem>>
        %dma_wait3A_1049 = tpu.memref_squeeze %dma_wait3A_1048 : memref<1x50x128xf32, #tpu.memory_space<vmem>> -> memref<50x128xf32, #tpu.memory_space<vmem>>
        %dma_wait3A_1050 = arith.constant 0 : i32
        %dma_wait3A_1051 = arith.constant 0 : i32
        %dma_wait3A_1052 = tpu.memref_slice %arg4[%dma_wait3A_1044, %dma_wait3A_1050, %dma_wait3A_1051] : memref<4096x50x128xf32, #tpu.memory_space<hbm>> -> memref<1x50x128xf32, #tpu.memory_space<hbm>>
        %dma_wait3A_1053 = tpu.memref_squeeze %dma_wait3A_1052 : memref<1x50x128xf32, #tpu.memory_space<hbm>> -> memref<50x128xf32, #tpu.memory_space<hbm>>
        %dma_wait3A_1054 = tpu.memref_slice %arg9[%dma_wait3A_1045] : memref<8x!tpu.dma_semaphore, #tpu.memory_space<semaphore_mem>> -> memref<1x!tpu.dma_semaphore, #tpu.memory_space<semaphore_mem>>
        %dma_wait3A_1055 = tpu.memref_squeeze %dma_wait3A_1054 : memref<1x!tpu.dma_semaphore, #tpu.memory_space<semaphore_mem>> -> memref<!tpu.dma_semaphore, #tpu.memory_space<semaphore_mem>>
        %dma_wait3A_1056 = arith.constant 0 : i32
        %dma_wait3A_1057 = arith.constant 0 : i32
        %dma_wait3A_1058 = tpu.memref_slice %arg4[%dma_wait3A_1044, %dma_wait3A_1056, %dma_wait3A_1057] : memref<4096x50x128xf32, #tpu.memory_space<hbm>> -> memref<1x50x128xf32, #tpu.memory_space<hbm>>
        %dma_wait3A_1059 = tpu.memref_squeeze %dma_wait3A_1058 : memref<1x50x128xf32, #tpu.memory_space<hbm>> -> memref<50x128xf32, #tpu.memory_space<hbm>>
        %dma_wait3A_1060 = arith.constant 0 : i32
        %dma_wait3A_1061 = arith.constant 0 : i32
        %dma_wait3A_1062 = tpu.memref_slice %arg6[%dma_wait3A_1043, %dma_wait3A_1060, %dma_wait3A_1061] : memref<8x100x128xf32, #tpu.memory_space<vmem>> -> memref<1x50x128xf32, #tpu.memory_space<vmem>>
        %dma_wait3A_1063 = tpu.memref_squeeze %dma_wait3A_1062 : memref<1x50x128xf32, #tpu.memory_space<vmem>> -> memref<50x128xf32, #tpu.memory_space<vmem>>
        tpu.wait_dma2 semaphore(%dma_wait3A_1055 : memref<!tpu.dma_semaphore, #tpu.memory_space<semaphore_mem>>) src(%dma_wait3A_1063 : memref<50x128xf32, #tpu.memory_space<vmem>>) dst(%dma_wait3A_1059 : memref<50x128xf32, #tpu.memory_space<hbm>>)
        %add3A_1064 = arith.constant 8 : i32
        %add3A_1065 = arith.addi %mul3A_483, %add3A_1064 : i32
        %add3A_1066 = arith.constant 0 : i32
        %add3A_1067 = arith.addi %add3A_1065, %add3A_1066 : i32
        %dma_start3A_1068 = arith.constant 0 : i32
        %dma_start3A_1069 = arith.constant 0 : i32
        %dma_start3A_1070 = arith.constant 0 : i32
        %dma_start3A_1071 = arith.constant 0 : i32
        %dma_start3A_1072 = tpu.memref_slice %arg6[%dma_start3A_1068, %dma_start3A_1070, %dma_start3A_1071] : memref<8x100x128xf32, #tpu.memory_space<vmem>> -> memref<1x100x128xf32, #tpu.memory_space<vmem>>
        %dma_start3A_1073 = tpu.memref_squeeze %dma_start3A_1072 : memref<1x100x128xf32, #tpu.memory_space<vmem>> -> memref<100x128xf32, #tpu.memory_space<vmem>>
        %dma_start3A_1074 = arith.constant 0 : i32
        %dma_start3A_1075 = tpu.memref_slice %arg5[%add3A_1067, %dma_start3A_1074] : memref<64x100xi32, #tpu.memory_space<vmem>> -> memref<1x100xi32, #tpu.memory_space<vmem>>
        %dma_start3A_1076 = tpu.memref_squeeze %dma_start3A_1075 : memref<1x100xi32, #tpu.memory_space<vmem>> -> memref<100xi32, #tpu.memory_space<vmem>>
        %dma_start3A_1077 = arith.constant 0 : i32
        %dma_start3A_1078 = arith.constant 0 : i32
        %dma_start3A_1079 = tpu.memref_slice %arg3[%dma_start3A_1077, %dma_start3A_1078] : memref<100000x128xf32, #tpu.memory_space<hbm>> -> memref<100000x128xf32, #tpu.memory_space<hbm>>
        %dma_start3A_1080 = tpu.memref_slice %arg8[%dma_start3A_1069] : memref<8x!tpu.dma_semaphore, #tpu.memory_space<semaphore_mem>> -> memref<1x!tpu.dma_semaphore, #tpu.memory_space<semaphore_mem>>
        %dma_start3A_1081 = tpu.memref_squeeze %dma_start3A_1080 : memref<1x!tpu.dma_semaphore, #tpu.memory_space<semaphore_mem>> -> memref<!tpu.dma_semaphore, #tpu.memory_space<semaphore_mem>>
        tpu.enqueue_indirect_dma source(%dma_start3A_1079 : memref<100000x128xf32, #tpu.memory_space<hbm>>) target(%dma_start3A_1073 : memref<100x128xf32, #tpu.memory_space<vmem>>) offsets(%dma_start3A_1076 : memref<100xi32, #tpu.memory_space<vmem>>) semaphore(%dma_start3A_1081 : memref<!tpu.dma_semaphore, #tpu.memory_space<semaphore_mem>>)
        %dma_wait3A_1082 = arith.constant 1 : i32
        %dma_wait3A_1083 = arith.constant 0 : i32
        %dma_wait3A_1084 = arith.constant 1 : i32
        %dma_wait3A_1085 = arith.constant 0 : i32
        %dma_wait3A_1086 = arith.constant 0 : i32
        %dma_wait3A_1087 = tpu.memref_slice %arg6[%dma_wait3A_1082, %dma_wait3A_1085, %dma_wait3A_1086] : memref<8x100x128xf32, #tpu.memory_space<vmem>> -> memref<1x50x128xf32, #tpu.memory_space<vmem>>
        %dma_wait3A_1088 = tpu.memref_squeeze %dma_wait3A_1087 : memref<1x50x128xf32, #tpu.memory_space<vmem>> -> memref<50x128xf32, #tpu.memory_space<vmem>>
        %dma_wait3A_1089 = arith.constant 0 : i32
        %dma_wait3A_1090 = arith.constant 0 : i32
        %dma_wait3A_1091 = tpu.memref_slice %arg4[%dma_wait3A_1083, %dma_wait3A_1089, %dma_wait3A_1090] : memref<4096x50x128xf32, #tpu.memory_space<hbm>> -> memref<1x50x128xf32, #tpu.memory_space<hbm>>
        %dma_wait3A_1092 = tpu.memref_squeeze %dma_wait3A_1091 : memref<1x50x128xf32, #tpu.memory_space<hbm>> -> memref<50x128xf32, #tpu.memory_space<hbm>>
        %dma_wait3A_1093 = tpu.memref_slice %arg9[%dma_wait3A_1084] : memref<8x!tpu.dma_semaphore, #tpu.memory_space<semaphore_mem>> -> memref<1x!tpu.dma_semaphore, #tpu.memory_space<semaphore_mem>>
        %dma_wait3A_1094 = tpu.memref_squeeze %dma_wait3A_1093 : memref<1x!tpu.dma_semaphore, #tpu.memory_space<semaphore_mem>> -> memref<!tpu.dma_semaphore, #tpu.memory_space<semaphore_mem>>
        %dma_wait3A_1095 = arith.constant 0 : i32
        %dma_wait3A_1096 = arith.constant 0 : i32
        %dma_wait3A_1097 = tpu.memref_slice %arg4[%dma_wait3A_1083, %dma_wait3A_1095, %dma_wait3A_1096] : memref<4096x50x128xf32, #tpu.memory_space<hbm>> -> memref<1x50x128xf32, #tpu.memory_space<hbm>>
        %dma_wait3A_1098 = tpu.memref_squeeze %dma_wait3A_1097 : memref<1x50x128xf32, #tpu.memory_space<hbm>> -> memref<50x128xf32, #tpu.memory_space<hbm>>
        %dma_wait3A_1099 = arith.constant 0 : i32
        %dma_wait3A_1100 = arith.constant 0 : i32
        %dma_wait3A_1101 = tpu.memref_slice %arg6[%dma_wait3A_1082, %dma_wait3A_1099, %dma_wait3A_1100] : memref<8x100x128xf32, #tpu.memory_space<vmem>> -> memref<1x50x128xf32, #tpu.memory_space<vmem>>
        %dma_wait3A_1102 = tpu.memref_squeeze %dma_wait3A_1101 : memref<1x50x128xf32, #tpu.memory_space<vmem>> -> memref<50x128xf32, #tpu.memory_space<vmem>>
        tpu.wait_dma2 semaphore(%dma_wait3A_1094 : memref<!tpu.dma_semaphore, #tpu.memory_space<semaphore_mem>>) src(%dma_wait3A_1102 : memref<50x128xf32, #tpu.memory_space<vmem>>) dst(%dma_wait3A_1098 : memref<50x128xf32, #tpu.memory_space<hbm>>)
        %dma_wait3A_1103 = arith.constant 1 : i32
        %dma_wait3A_1104 = arith.constant 0 : i32
        %dma_wait3A_1105 = arith.constant 1 : i32
        %dma_wait3A_1106 = arith.constant 0 : i32
        %dma_wait3A_1107 = arith.constant 0 : i32
        %dma_wait3A_1108 = tpu.memref_slice %arg6[%dma_wait3A_1103, %dma_wait3A_1106, %dma_wait3A_1107] : memref<8x100x128xf32, #tpu.memory_space<vmem>> -> memref<1x50x128xf32, #tpu.memory_space<vmem>>
        %dma_wait3A_1109 = tpu.memref_squeeze %dma_wait3A_1108 : memref<1x50x128xf32, #tpu.memory_space<vmem>> -> memref<50x128xf32, #tpu.memory_space<vmem>>
        %dma_wait3A_1110 = arith.constant 0 : i32
        %dma_wait3A_1111 = arith.constant 0 : i32
        %dma_wait3A_1112 = tpu.memref_slice %arg4[%dma_wait3A_1104, %dma_wait3A_1110, %dma_wait3A_1111] : memref<4096x50x128xf32, #tpu.memory_space<hbm>> -> memref<1x50x128xf32, #tpu.memory_space<hbm>>
        %dma_wait3A_1113 = tpu.memref_squeeze %dma_wait3A_1112 : memref<1x50x128xf32, #tpu.memory_space<hbm>> -> memref<50x128xf32, #tpu.memory_space<hbm>>
        %dma_wait3A_1114 = tpu.memref_slice %arg9[%dma_wait3A_1105] : memref<8x!tpu.dma_semaphore, #tpu.memory_space<semaphore_mem>> -> memref<1x!tpu.dma_semaphore, #tpu.memory_space<semaphore_mem>>
        %dma_wait3A_1115 = tpu.memref_squeeze %dma_wait3A_1114 : memref<1x!tpu.dma_semaphore, #tpu.memory_space<semaphore_mem>> -> memref<!tpu.dma_semaphore, #tpu.memory_space<semaphore_mem>>
        %dma_wait3A_1116 = arith.constant 0 : i32
        %dma_wait3A_1117 = arith.constant 0 : i32
        %dma_wait3A_1118 = tpu.memref_slice %arg4[%dma_wait3A_1104, %dma_wait3A_1116, %dma_wait3A_1117] : memref<4096x50x128xf32, #tpu.memory_space<hbm>> -> memref<1x50x128xf32, #tpu.memory_space<hbm>>
        %dma_wait3A_1119 = tpu.memref_squeeze %dma_wait3A_1118 : memref<1x50x128xf32, #tpu.memory_space<hbm>> -> memref<50x128xf32, #tpu.memory_space<hbm>>
        %dma_wait3A_1120 = arith.constant 0 : i32
        %dma_wait3A_1121 = arith.constant 0 : i32
        %dma_wait3A_1122 = tpu.memref_slice %arg6[%dma_wait3A_1103, %dma_wait3A_1120, %dma_wait3A_1121] : memref<8x100x128xf32, #tpu.memory_space<vmem>> -> memref<1x50x128xf32, #tpu.memory_space<vmem>>
        %dma_wait3A_1123 = tpu.memref_squeeze %dma_wait3A_1122 : memref<1x50x128xf32, #tpu.memory_space<vmem>> -> memref<50x128xf32, #tpu.memory_space<vmem>>
        tpu.wait_dma2 semaphore(%dma_wait3A_1115 : memref<!tpu.dma_semaphore, #tpu.memory_space<semaphore_mem>>) src(%dma_wait3A_1123 : memref<50x128xf32, #tpu.memory_space<vmem>>) dst(%dma_wait3A_1119 : memref<50x128xf32, #tpu.memory_space<hbm>>)
        %add3A_1124 = arith.constant 8 : i32
        %add3A_1125 = arith.addi %mul3A_483, %add3A_1124 : i32
        %add3A_1126 = arith.constant 1 : i32
        %add3A_1127 = arith.addi %add3A_1125, %add3A_1126 : i32
        %dma_start3A_1128 = arith.constant 1 : i32
        %dma_start3A_1129 = arith.constant 1 : i32
        %dma_start3A_1130 = arith.constant 0 : i32
        %dma_start3A_1131 = arith.constant 0 : i32
        %dma_start3A_1132 = tpu.memref_slice %arg6[%dma_start3A_1128, %dma_start3A_1130, %dma_start3A_1131] : memref<8x100x128xf32, #tpu.memory_space<vmem>> -> memref<1x100x128xf32, #tpu.memory_space<vmem>>
        %dma_start3A_1133 = tpu.memref_squeeze %dma_start3A_1132 : memref<1x100x128xf32, #tpu.memory_space<vmem>> -> memref<100x128xf32, #tpu.memory_space<vmem>>
        %dma_start3A_1134 = arith.constant 0 : i32
        %dma_start3A_1135 = tpu.memref_slice %arg5[%add3A_1127, %dma_start3A_1134] : memref<64x100xi32, #tpu.memory_space<vmem>> -> memref<1x100xi32, #tpu.memory_space<vmem>>
        %dma_start3A_1136 = tpu.memref_squeeze %dma_start3A_1135 : memref<1x100xi32, #tpu.memory_space<vmem>> -> memref<100xi32, #tpu.memory_space<vmem>>
        %dma_start3A_1137 = arith.constant 0 : i32
        %dma_start3A_1138 = arith.constant 0 : i32
        %dma_start3A_1139 = tpu.memref_slice %arg3[%dma_start3A_1137, %dma_start3A_1138] : memref<100000x128xf32, #tpu.memory_space<hbm>> -> memref<100000x128xf32, #tpu.memory_space<hbm>>
        %dma_start3A_1140 = tpu.memref_slice %arg8[%dma_start3A_1129] : memref<8x!tpu.dma_semaphore, #tpu.memory_space<semaphore_mem>> -> memref<1x!tpu.dma_semaphore, #tpu.memory_space<semaphore_mem>>
        %dma_start3A_1141 = tpu.memref_squeeze %dma_start3A_1140 : memref<1x!tpu.dma_semaphore, #tpu.memory_space<semaphore_mem>> -> memref<!tpu.dma_semaphore, #tpu.memory_space<semaphore_mem>>
        tpu.enqueue_indirect_dma source(%dma_start3A_1139 : memref<100000x128xf32, #tpu.memory_space<hbm>>) target(%dma_start3A_1133 : memref<100x128xf32, #tpu.memory_space<vmem>>) offsets(%dma_start3A_1136 : memref<100xi32, #tpu.memory_space<vmem>>) semaphore(%dma_start3A_1141 : memref<!tpu.dma_semaphore, #tpu.memory_space<semaphore_mem>>)
        %dma_wait3A_1142 = arith.constant 2 : i32
        %dma_wait3A_1143 = arith.constant 0 : i32
        %dma_wait3A_1144 = arith.constant 2 : i32
        %dma_wait3A_1145 = arith.constant 0 : i32
        %dma_wait3A_1146 = arith.constant 0 : i32
        %dma_wait3A_1147 = tpu.memref_slice %arg6[%dma_wait3A_1142, %dma_wait3A_1145, %dma_wait3A_1146] : memref<8x100x128xf32, #tpu.memory_space<vmem>> -> memref<1x50x128xf32, #tpu.memory_space<vmem>>
        %dma_wait3A_1148 = tpu.memref_squeeze %dma_wait3A_1147 : memref<1x50x128xf32, #tpu.memory_space<vmem>> -> memref<50x128xf32, #tpu.memory_space<vmem>>
        %dma_wait3A_1149 = arith.constant 0 : i32
        %dma_wait3A_1150 = arith.constant 0 : i32
        %dma_wait3A_1151 = tpu.memref_slice %arg4[%dma_wait3A_1143, %dma_wait3A_1149, %dma_wait3A_1150] : memref<4096x50x128xf32, #tpu.memory_space<hbm>> -> memref<1x50x128xf32, #tpu.memory_space<hbm>>
        %dma_wait3A_1152 = tpu.memref_squeeze %dma_wait3A_1151 : memref<1x50x128xf32, #tpu.memory_space<hbm>> -> memref<50x128xf32, #tpu.memory_space<hbm>>
        %dma_wait3A_1153 = tpu.memref_slice %arg9[%dma_wait3A_1144] : memref<8x!tpu.dma_semaphore, #tpu.memory_space<semaphore_mem>> -> memref<1x!tpu.dma_semaphore, #tpu.memory_space<semaphore_mem>>
        %dma_wait3A_1154 = tpu.memref_squeeze %dma_wait3A_1153 : memref<1x!tpu.dma_semaphore, #tpu.memory_space<semaphore_mem>> -> memref<!tpu.dma_semaphore, #tpu.memory_space<semaphore_mem>>
        %dma_wait3A_1155 = arith.constant 0 : i32
        %dma_wait3A_1156 = arith.constant 0 : i32
        %dma_wait3A_1157 = tpu.memref_slice %arg4[%dma_wait3A_1143, %dma_wait3A_1155, %dma_wait3A_1156] : memref<4096x50x128xf32, #tpu.memory_space<hbm>> -> memref<1x50x128xf32, #tpu.memory_space<hbm>>
        %dma_wait3A_1158 = tpu.memref_squeeze %dma_wait3A_1157 : memref<1x50x128xf32, #tpu.memory_space<hbm>> -> memref<50x128xf32, #tpu.memory_space<hbm>>
        %dma_wait3A_1159 = arith.constant 0 : i32
        %dma_wait3A_1160 = arith.constant 0 : i32
        %dma_wait3A_1161 = tpu.memref_slice %arg6[%dma_wait3A_1142, %dma_wait3A_1159, %dma_wait3A_1160] : memref<8x100x128xf32, #tpu.memory_space<vmem>> -> memref<1x50x128xf32, #tpu.memory_space<vmem>>
        %dma_wait3A_1162 = tpu.memref_squeeze %dma_wait3A_1161 : memref<1x50x128xf32, #tpu.memory_space<vmem>> -> memref<50x128xf32, #tpu.memory_space<vmem>>
        tpu.wait_dma2 semaphore(%dma_wait3A_1154 : memref<!tpu.dma_semaphore, #tpu.memory_space<semaphore_mem>>) src(%dma_wait3A_1162 : memref<50x128xf32, #tpu.memory_space<vmem>>) dst(%dma_wait3A_1158 : memref<50x128xf32, #tpu.memory_space<hbm>>)
        %dma_wait3A_1163 = arith.constant 2 : i32
        %dma_wait3A_1164 = arith.constant 0 : i32
        %dma_wait3A_1165 = arith.constant 2 : i32
        %dma_wait3A_1166 = arith.constant 0 : i32
        %dma_wait3A_1167 = arith.constant 0 : i32
        %dma_wait3A_1168 = tpu.memref_slice %arg6[%dma_wait3A_1163, %dma_wait3A_1166, %dma_wait3A_1167] : memref<8x100x128xf32, #tpu.memory_space<vmem>> -> memref<1x50x128xf32, #tpu.memory_space<vmem>>
        %dma_wait3A_1169 = tpu.memref_squeeze %dma_wait3A_1168 : memref<1x50x128xf32, #tpu.memory_space<vmem>> -> memref<50x128xf32, #tpu.memory_space<vmem>>
        %dma_wait3A_1170 = arith.constant 0 : i32
        %dma_wait3A_1171 = arith.constant 0 : i32
        %dma_wait3A_1172 = tpu.memref_slice %arg4[%dma_wait3A_1164, %dma_wait3A_1170, %dma_wait3A_1171] : memref<4096x50x128xf32, #tpu.memory_space<hbm>> -> memref<1x50x128xf32, #tpu.memory_space<hbm>>
        %dma_wait3A_1173 = tpu.memref_squeeze %dma_wait3A_1172 : memref<1x50x128xf32, #tpu.memory_space<hbm>> -> memref<50x128xf32, #tpu.memory_space<hbm>>
        %dma_wait3A_1174 = tpu.memref_slice %arg9[%dma_wait3A_1165] : memref<8x!tpu.dma_semaphore, #tpu.memory_space<semaphore_mem>> -> memref<1x!tpu.dma_semaphore, #tpu.memory_space<semaphore_mem>>
        %dma_wait3A_1175 = tpu.memref_squeeze %dma_wait3A_1174 : memref<1x!tpu.dma_semaphore, #tpu.memory_space<semaphore_mem>> -> memref<!tpu.dma_semaphore, #tpu.memory_space<semaphore_mem>>
        %dma_wait3A_1176 = arith.constant 0 : i32
        %dma_wait3A_1177 = arith.constant 0 : i32
        %dma_wait3A_1178 = tpu.memref_slice %arg4[%dma_wait3A_1164, %dma_wait3A_1176, %dma_wait3A_1177] : memref<4096x50x128xf32, #tpu.memory_space<hbm>> -> memref<1x50x128xf32, #tpu.memory_space<hbm>>
        %dma_wait3A_1179 = tpu.memref_squeeze %dma_wait3A_1178 : memref<1x50x128xf32, #tpu.memory_space<hbm>> -> memref<50x128xf32, #tpu.memory_space<hbm>>
        %dma_wait3A_1180 = arith.constant 0 : i32
        %dma_wait3A_1181 = arith.constant 0 : i32
        %dma_wait3A_1182 = tpu.memref_slice %arg6[%dma_wait3A_1163, %dma_wait3A_1180, %dma_wait3A_1181] : memref<8x100x128xf32, #tpu.memory_space<vmem>> -> memref<1x50x128xf32, #tpu.memory_space<vmem>>
        %dma_wait3A_1183 = tpu.memref_squeeze %dma_wait3A_1182 : memref<1x50x128xf32, #tpu.memory_space<vmem>> -> memref<50x128xf32, #tpu.memory_space<vmem>>
        tpu.wait_dma2 semaphore(%dma_wait3A_1175 : memref<!tpu.dma_semaphore, #tpu.memory_space<semaphore_mem>>) src(%dma_wait3A_1183 : memref<50x128xf32, #tpu.memory_space<vmem>>) dst(%dma_wait3A_1179 : memref<50x128xf32, #tpu.memory_space<hbm>>)
        %add3A_1184 = arith.constant 8 : i32
        %add3A_1185 = arith.addi %mul3A_483, %add3A_1184 : i32
        %add3A_1186 = arith.constant 2 : i32
        %add3A_1187 = arith.addi %add3A_1185, %add3A_1186 : i32
        %dma_start3A_1188 = arith.constant 2 : i32
        %dma_start3A_1189 = arith.constant 2 : i32
        %dma_start3A_1190 = arith.constant 0 : i32
        %dma_start3A_1191 = arith.constant 0 : i32
        %dma_start3A_1192 = tpu.memref_slice %arg6[%dma_start3A_1188, %dma_start3A_1190, %dma_start3A_1191] : memref<8x100x128xf32, #tpu.memory_space<vmem>> -> memref<1x100x128xf32, #tpu.memory_space<vmem>>
        %dma_start3A_1193 = tpu.memref_squeeze %dma_start3A_1192 : memref<1x100x128xf32, #tpu.memory_space<vmem>> -> memref<100x128xf32, #tpu.memory_space<vmem>>
        %dma_start3A_1194 = arith.constant 0 : i32
        %dma_start3A_1195 = tpu.memref_slice %arg5[%add3A_1187, %dma_start3A_1194] : memref<64x100xi32, #tpu.memory_space<vmem>> -> memref<1x100xi32, #tpu.memory_space<vmem>>
        %dma_start3A_1196 = tpu.memref_squeeze %dma_start3A_1195 : memref<1x100xi32, #tpu.memory_space<vmem>> -> memref<100xi32, #tpu.memory_space<vmem>>
        %dma_start3A_1197 = arith.constant 0 : i32
        %dma_start3A_1198 = arith.constant 0 : i32
        %dma_start3A_1199 = tpu.memref_slice %arg3[%dma_start3A_1197, %dma_start3A_1198] : memref<100000x128xf32, #tpu.memory_space<hbm>> -> memref<100000x128xf32, #tpu.memory_space<hbm>>
        %dma_start3A_1200 = tpu.memref_slice %arg8[%dma_start3A_1189] : memref<8x!tpu.dma_semaphore, #tpu.memory_space<semaphore_mem>> -> memref<1x!tpu.dma_semaphore, #tpu.memory_space<semaphore_mem>>
        %dma_start3A_1201 = tpu.memref_squeeze %dma_start3A_1200 : memref<1x!tpu.dma_semaphore, #tpu.memory_space<semaphore_mem>> -> memref<!tpu.dma_semaphore, #tpu.memory_space<semaphore_mem>>
        tpu.enqueue_indirect_dma source(%dma_start3A_1199 : memref<100000x128xf32, #tpu.memory_space<hbm>>) target(%dma_start3A_1193 : memref<100x128xf32, #tpu.memory_space<vmem>>) offsets(%dma_start3A_1196 : memref<100xi32, #tpu.memory_space<vmem>>) semaphore(%dma_start3A_1201 : memref<!tpu.dma_semaphore, #tpu.memory_space<semaphore_mem>>)
        %dma_wait3A_1202 = arith.constant 3 : i32
        %dma_wait3A_1203 = arith.constant 0 : i32
        %dma_wait3A_1204 = arith.constant 3 : i32
        %dma_wait3A_1205 = arith.constant 0 : i32
        %dma_wait3A_1206 = arith.constant 0 : i32
        %dma_wait3A_1207 = tpu.memref_slice %arg6[%dma_wait3A_1202, %dma_wait3A_1205, %dma_wait3A_1206] : memref<8x100x128xf32, #tpu.memory_space<vmem>> -> memref<1x50x128xf32, #tpu.memory_space<vmem>>
        %dma_wait3A_1208 = tpu.memref_squeeze %dma_wait3A_1207 : memref<1x50x128xf32, #tpu.memory_space<vmem>> -> memref<50x128xf32, #tpu.memory_space<vmem>>
        %dma_wait3A_1209 = arith.constant 0 : i32
        %dma_wait3A_1210 = arith.constant 0 : i32
        %dma_wait3A_1211 = tpu.memref_slice %arg4[%dma_wait3A_1203, %dma_wait3A_1209, %dma_wait3A_1210] : memref<4096x50x128xf32, #tpu.memory_space<hbm>> -> memref<1x50x128xf32, #tpu.memory_space<hbm>>
        %dma_wait3A_1212 = tpu.memref_squeeze %dma_wait3A_1211 : memref<1x50x128xf32, #tpu.memory_space<hbm>> -> memref<50x128xf32, #tpu.memory_space<hbm>>
        %dma_wait3A_1213 = tpu.memref_slice %arg9[%dma_wait3A_1204] : memref<8x!tpu.dma_semaphore, #tpu.memory_space<semaphore_mem>> -> memref<1x!tpu.dma_semaphore, #tpu.memory_space<semaphore_mem>>
        %dma_wait3A_1214 = tpu.memref_squeeze %dma_wait3A_1213 : memref<1x!tpu.dma_semaphore, #tpu.memory_space<semaphore_mem>> -> memref<!tpu.dma_semaphore, #tpu.memory_space<semaphore_mem>>
        %dma_wait3A_1215 = arith.constant 0 : i32
        %dma_wait3A_1216 = arith.constant 0 : i32
        %dma_wait3A_1217 = tpu.memref_slice %arg4[%dma_wait3A_1203, %dma_wait3A_1215, %dma_wait3A_1216] : memref<4096x50x128xf32, #tpu.memory_space<hbm>> -> memref<1x50x128xf32, #tpu.memory_space<hbm>>
        %dma_wait3A_1218 = tpu.memref_squeeze %dma_wait3A_1217 : memref<1x50x128xf32, #tpu.memory_space<hbm>> -> memref<50x128xf32, #tpu.memory_space<hbm>>
        %dma_wait3A_1219 = arith.constant 0 : i32
        %dma_wait3A_1220 = arith.constant 0 : i32
        %dma_wait3A_1221 = tpu.memref_slice %arg6[%dma_wait3A_1202, %dma_wait3A_1219, %dma_wait3A_1220] : memref<8x100x128xf32, #tpu.memory_space<vmem>> -> memref<1x50x128xf32, #tpu.memory_space<vmem>>
        %dma_wait3A_1222 = tpu.memref_squeeze %dma_wait3A_1221 : memref<1x50x128xf32, #tpu.memory_space<vmem>> -> memref<50x128xf32, #tpu.memory_space<vmem>>
        tpu.wait_dma2 semaphore(%dma_wait3A_1214 : memref<!tpu.dma_semaphore, #tpu.memory_space<semaphore_mem>>) src(%dma_wait3A_1222 : memref<50x128xf32, #tpu.memory_space<vmem>>) dst(%dma_wait3A_1218 : memref<50x128xf32, #tpu.memory_space<hbm>>)
        %dma_wait3A_1223 = arith.constant 3 : i32
        %dma_wait3A_1224 = arith.constant 0 : i32
        %dma_wait3A_1225 = arith.constant 3 : i32
        %dma_wait3A_1226 = arith.constant 0 : i32
        %dma_wait3A_1227 = arith.constant 0 : i32
        %dma_wait3A_1228 = tpu.memref_slice %arg6[%dma_wait3A_1223, %dma_wait3A_1226, %dma_wait3A_1227] : memref<8x100x128xf32, #tpu.memory_space<vmem>> -> memref<1x50x128xf32, #tpu.memory_space<vmem>>
        %dma_wait3A_1229 = tpu.memref_squeeze %dma_wait3A_1228 : memref<1x50x128xf32, #tpu.memory_space<vmem>> -> memref<50x128xf32, #tpu.memory_space<vmem>>
        %dma_wait3A_1230 = arith.constant 0 : i32
        %dma_wait3A_1231 = arith.constant 0 : i32
        %dma_wait3A_1232 = tpu.memref_slice %arg4[%dma_wait3A_1224, %dma_wait3A_1230, %dma_wait3A_1231] : memref<4096x50x128xf32, #tpu.memory_space<hbm>> -> memref<1x50x128xf32, #tpu.memory_space<hbm>>
        %dma_wait3A_1233 = tpu.memref_squeeze %dma_wait3A_1232 : memref<1x50x128xf32, #tpu.memory_space<hbm>> -> memref<50x128xf32, #tpu.memory_space<hbm>>
        %dma_wait3A_1234 = tpu.memref_slice %arg9[%dma_wait3A_1225] : memref<8x!tpu.dma_semaphore, #tpu.memory_space<semaphore_mem>> -> memref<1x!tpu.dma_semaphore, #tpu.memory_space<semaphore_mem>>
        %dma_wait3A_1235 = tpu.memref_squeeze %dma_wait3A_1234 : memref<1x!tpu.dma_semaphore, #tpu.memory_space<semaphore_mem>> -> memref<!tpu.dma_semaphore, #tpu.memory_space<semaphore_mem>>
        %dma_wait3A_1236 = arith.constant 0 : i32
        %dma_wait3A_1237 = arith.constant 0 : i32
        %dma_wait3A_1238 = tpu.memref_slice %arg4[%dma_wait3A_1224, %dma_wait3A_1236, %dma_wait3A_1237] : memref<4096x50x128xf32, #tpu.memory_space<hbm>> -> memref<1x50x128xf32, #tpu.memory_space<hbm>>
        %dma_wait3A_1239 = tpu.memref_squeeze %dma_wait3A_1238 : memref<1x50x128xf32, #tpu.memory_space<hbm>> -> memref<50x128xf32, #tpu.memory_space<hbm>>
        %dma_wait3A_1240 = arith.constant 0 : i32
        %dma_wait3A_1241 = arith.constant 0 : i32
        %dma_wait3A_1242 = tpu.memref_slice %arg6[%dma_wait3A_1223, %dma_wait3A_1240, %dma_wait3A_1241] : memref<8x100x128xf32, #tpu.memory_space<vmem>> -> memref<1x50x128xf32, #tpu.memory_space<vmem>>
        %dma_wait3A_1243 = tpu.memref_squeeze %dma_wait3A_1242 : memref<1x50x128xf32, #tpu.memory_space<vmem>> -> memref<50x128xf32, #tpu.memory_space<vmem>>
        tpu.wait_dma2 semaphore(%dma_wait3A_1235 : memref<!tpu.dma_semaphore, #tpu.memory_space<semaphore_mem>>) src(%dma_wait3A_1243 : memref<50x128xf32, #tpu.memory_space<vmem>>) dst(%dma_wait3A_1239 : memref<50x128xf32, #tpu.memory_space<hbm>>)
        %add3A_1244 = arith.constant 8 : i32
        %add3A_1245 = arith.addi %mul3A_483, %add3A_1244 : i32
        %add3A_1246 = arith.constant 3 : i32
        %add3A_1247 = arith.addi %add3A_1245, %add3A_1246 : i32
        %dma_start3A_1248 = arith.constant 3 : i32
        %dma_start3A_1249 = arith.constant 3 : i32
        %dma_start3A_1250 = arith.constant 0 : i32
        %dma_start3A_1251 = arith.constant 0 : i32
        %dma_start3A_1252 = tpu.memref_slice %arg6[%dma_start3A_1248, %dma_start3A_1250, %dma_start3A_1251] : memref<8x100x128xf32, #tpu.memory_space<vmem>> -> memref<1x100x128xf32, #tpu.memory_space<vmem>>
        %dma_start3A_1253 = tpu.memref_squeeze %dma_start3A_1252 : memref<1x100x128xf32, #tpu.memory_space<vmem>> -> memref<100x128xf32, #tpu.memory_space<vmem>>
        %dma_start3A_1254 = arith.constant 0 : i32
        %dma_start3A_1255 = tpu.memref_slice %arg5[%add3A_1247, %dma_start3A_1254] : memref<64x100xi32, #tpu.memory_space<vmem>> -> memref<1x100xi32, #tpu.memory_space<vmem>>
        %dma_start3A_1256 = tpu.memref_squeeze %dma_start3A_1255 : memref<1x100xi32, #tpu.memory_space<vmem>> -> memref<100xi32, #tpu.memory_space<vmem>>
        %dma_start3A_1257 = arith.constant 0 : i32
        %dma_start3A_1258 = arith.constant 0 : i32
        %dma_start3A_1259 = tpu.memref_slice %arg3[%dma_start3A_1257, %dma_start3A_1258] : memref<100000x128xf32, #tpu.memory_space<hbm>> -> memref<100000x128xf32, #tpu.memory_space<hbm>>
        %dma_start3A_1260 = tpu.memref_slice %arg8[%dma_start3A_1249] : memref<8x!tpu.dma_semaphore, #tpu.memory_space<semaphore_mem>> -> memref<1x!tpu.dma_semaphore, #tpu.memory_space<semaphore_mem>>
        %dma_start3A_1261 = tpu.memref_squeeze %dma_start3A_1260 : memref<1x!tpu.dma_semaphore, #tpu.memory_space<semaphore_mem>> -> memref<!tpu.dma_semaphore, #tpu.memory_space<semaphore_mem>>
        tpu.enqueue_indirect_dma source(%dma_start3A_1259 : memref<100000x128xf32, #tpu.memory_space<hbm>>) target(%dma_start3A_1253 : memref<100x128xf32, #tpu.memory_space<vmem>>) offsets(%dma_start3A_1256 : memref<100xi32, #tpu.memory_space<vmem>>) semaphore(%dma_start3A_1261 : memref<!tpu.dma_semaphore, #tpu.memory_space<semaphore_mem>>)
        %dma_wait3A_1262 = arith.constant 4 : i32
        %dma_wait3A_1263 = arith.constant 0 : i32
        %dma_wait3A_1264 = arith.constant 4 : i32
        %dma_wait3A_1265 = arith.constant 0 : i32
        %dma_wait3A_1266 = arith.constant 0 : i32
        %dma_wait3A_1267 = tpu.memref_slice %arg6[%dma_wait3A_1262, %dma_wait3A_1265, %dma_wait3A_1266] : memref<8x100x128xf32, #tpu.memory_space<vmem>> -> memref<1x50x128xf32, #tpu.memory_space<vmem>>
        %dma_wait3A_1268 = tpu.memref_squeeze %dma_wait3A_1267 : memref<1x50x128xf32, #tpu.memory_space<vmem>> -> memref<50x128xf32, #tpu.memory_space<vmem>>
        %dma_wait3A_1269 = arith.constant 0 : i32
        %dma_wait3A_1270 = arith.constant 0 : i32
        %dma_wait3A_1271 = tpu.memref_slice %arg4[%dma_wait3A_1263, %dma_wait3A_1269, %dma_wait3A_1270] : memref<4096x50x128xf32, #tpu.memory_space<hbm>> -> memref<1x50x128xf32, #tpu.memory_space<hbm>>
        %dma_wait3A_1272 = tpu.memref_squeeze %dma_wait3A_1271 : memref<1x50x128xf32, #tpu.memory_space<hbm>> -> memref<50x128xf32, #tpu.memory_space<hbm>>
        %dma_wait3A_1273 = tpu.memref_slice %arg9[%dma_wait3A_1264] : memref<8x!tpu.dma_semaphore, #tpu.memory_space<semaphore_mem>> -> memref<1x!tpu.dma_semaphore, #tpu.memory_space<semaphore_mem>>
        %dma_wait3A_1274 = tpu.memref_squeeze %dma_wait3A_1273 : memref<1x!tpu.dma_semaphore, #tpu.memory_space<semaphore_mem>> -> memref<!tpu.dma_semaphore, #tpu.memory_space<semaphore_mem>>
        %dma_wait3A_1275 = arith.constant 0 : i32
        %dma_wait3A_1276 = arith.constant 0 : i32
        %dma_wait3A_1277 = tpu.memref_slice %arg4[%dma_wait3A_1263, %dma_wait3A_1275, %dma_wait3A_1276] : memref<4096x50x128xf32, #tpu.memory_space<hbm>> -> memref<1x50x128xf32, #tpu.memory_space<hbm>>
        %dma_wait3A_1278 = tpu.memref_squeeze %dma_wait3A_1277 : memref<1x50x128xf32, #tpu.memory_space<hbm>> -> memref<50x128xf32, #tpu.memory_space<hbm>>
        %dma_wait3A_1279 = arith.constant 0 : i32
        %dma_wait3A_1280 = arith.constant 0 : i32
        %dma_wait3A_1281 = tpu.memref_slice %arg6[%dma_wait3A_1262, %dma_wait3A_1279, %dma_wait3A_1280] : memref<8x100x128xf32, #tpu.memory_space<vmem>> -> memref<1x50x128xf32, #tpu.memory_space<vmem>>
        %dma_wait3A_1282 = tpu.memref_squeeze %dma_wait3A_1281 : memref<1x50x128xf32, #tpu.memory_space<vmem>> -> memref<50x128xf32, #tpu.memory_space<vmem>>
        tpu.wait_dma2 semaphore(%dma_wait3A_1274 : memref<!tpu.dma_semaphore, #tpu.memory_space<semaphore_mem>>) src(%dma_wait3A_1282 : memref<50x128xf32, #tpu.memory_space<vmem>>) dst(%dma_wait3A_1278 : memref<50x128xf32, #tpu.memory_space<hbm>>)
        %dma_wait3A_1283 = arith.constant 4 : i32
        %dma_wait3A_1284 = arith.constant 0 : i32
        %dma_wait3A_1285 = arith.constant 4 : i32
        %dma_wait3A_1286 = arith.constant 0 : i32
        %dma_wait3A_1287 = arith.constant 0 : i32
        %dma_wait3A_1288 = tpu.memref_slice %arg6[%dma_wait3A_1283, %dma_wait3A_1286, %dma_wait3A_1287] : memref<8x100x128xf32, #tpu.memory_space<vmem>> -> memref<1x50x128xf32, #tpu.memory_space<vmem>>
        %dma_wait3A_1289 = tpu.memref_squeeze %dma_wait3A_1288 : memref<1x50x128xf32, #tpu.memory_space<vmem>> -> memref<50x128xf32, #tpu.memory_space<vmem>>
        %dma_wait3A_1290 = arith.constant 0 : i32
        %dma_wait3A_1291 = arith.constant 0 : i32
        %dma_wait3A_1292 = tpu.memref_slice %arg4[%dma_wait3A_1284, %dma_wait3A_1290, %dma_wait3A_1291] : memref<4096x50x128xf32, #tpu.memory_space<hbm>> -> memref<1x50x128xf32, #tpu.memory_space<hbm>>
        %dma_wait3A_1293 = tpu.memref_squeeze %dma_wait3A_1292 : memref<1x50x128xf32, #tpu.memory_space<hbm>> -> memref<50x128xf32, #tpu.memory_space<hbm>>
        %dma_wait3A_1294 = tpu.memref_slice %arg9[%dma_wait3A_1285] : memref<8x!tpu.dma_semaphore, #tpu.memory_space<semaphore_mem>> -> memref<1x!tpu.dma_semaphore, #tpu.memory_space<semaphore_mem>>
        %dma_wait3A_1295 = tpu.memref_squeeze %dma_wait3A_1294 : memref<1x!tpu.dma_semaphore, #tpu.memory_space<semaphore_mem>> -> memref<!tpu.dma_semaphore, #tpu.memory_space<semaphore_mem>>
        %dma_wait3A_1296 = arith.constant 0 : i32
        %dma_wait3A_1297 = arith.constant 0 : i32
        %dma_wait3A_1298 = tpu.memref_slice %arg4[%dma_wait3A_1284, %dma_wait3A_1296, %dma_wait3A_1297] : memref<4096x50x128xf32, #tpu.memory_space<hbm>> -> memref<1x50x128xf32, #tpu.memory_space<hbm>>
        %dma_wait3A_1299 = tpu.memref_squeeze %dma_wait3A_1298 : memref<1x50x128xf32, #tpu.memory_space<hbm>> -> memref<50x128xf32, #tpu.memory_space<hbm>>
        %dma_wait3A_1300 = arith.constant 0 : i32
        %dma_wait3A_1301 = arith.constant 0 : i32
        %dma_wait3A_1302 = tpu.memref_slice %arg6[%dma_wait3A_1283, %dma_wait3A_1300, %dma_wait3A_1301] : memref<8x100x128xf32, #tpu.memory_space<vmem>> -> memref<1x50x128xf32, #tpu.memory_space<vmem>>
        %dma_wait3A_1303 = tpu.memref_squeeze %dma_wait3A_1302 : memref<1x50x128xf32, #tpu.memory_space<vmem>> -> memref<50x128xf32, #tpu.memory_space<vmem>>
        tpu.wait_dma2 semaphore(%dma_wait3A_1295 : memref<!tpu.dma_semaphore, #tpu.memory_space<semaphore_mem>>) src(%dma_wait3A_1303 : memref<50x128xf32, #tpu.memory_space<vmem>>) dst(%dma_wait3A_1299 : memref<50x128xf32, #tpu.memory_space<hbm>>)
        %add3A_1304 = arith.constant 8 : i32
        %add3A_1305 = arith.addi %mul3A_483, %add3A_1304 : i32
        %add3A_1306 = arith.constant 4 : i32
        %add3A_1307 = arith.addi %add3A_1305, %add3A_1306 : i32
        %dma_start3A_1308 = arith.constant 4 : i32
        %dma_start3A_1309 = arith.constant 4 : i32
        %dma_start3A_1310 = arith.constant 0 : i32
        %dma_start3A_1311 = arith.constant 0 : i32
        %dma_start3A_1312 = tpu.memref_slice %arg6[%dma_start3A_1308, %dma_start3A_1310, %dma_start3A_1311] : memref<8x100x128xf32, #tpu.memory_space<vmem>> -> memref<1x100x128xf32, #tpu.memory_space<vmem>>
        %dma_start3A_1313 = tpu.memref_squeeze %dma_start3A_1312 : memref<1x100x128xf32, #tpu.memory_space<vmem>> -> memref<100x128xf32, #tpu.memory_space<vmem>>
        %dma_start3A_1314 = arith.constant 0 : i32
        %dma_start3A_1315 = tpu.memref_slice %arg5[%add3A_1307, %dma_start3A_1314] : memref<64x100xi32, #tpu.memory_space<vmem>> -> memref<1x100xi32, #tpu.memory_space<vmem>>
        %dma_start3A_1316 = tpu.memref_squeeze %dma_start3A_1315 : memref<1x100xi32, #tpu.memory_space<vmem>> -> memref<100xi32, #tpu.memory_space<vmem>>
        %dma_start3A_1317 = arith.constant 0 : i32
        %dma_start3A_1318 = arith.constant 0 : i32
        %dma_start3A_1319 = tpu.memref_slice %arg3[%dma_start3A_1317, %dma_start3A_1318] : memref<100000x128xf32, #tpu.memory_space<hbm>> -> memref<100000x128xf32, #tpu.memory_space<hbm>>
        %dma_start3A_1320 = tpu.memref_slice %arg8[%dma_start3A_1309] : memref<8x!tpu.dma_semaphore, #tpu.memory_space<semaphore_mem>> -> memref<1x!tpu.dma_semaphore, #tpu.memory_space<semaphore_mem>>
        %dma_start3A_1321 = tpu.memref_squeeze %dma_start3A_1320 : memref<1x!tpu.dma_semaphore, #tpu.memory_space<semaphore_mem>> -> memref<!tpu.dma_semaphore, #tpu.memory_space<semaphore_mem>>
        tpu.enqueue_indirect_dma source(%dma_start3A_1319 : memref<100000x128xf32, #tpu.memory_space<hbm>>) target(%dma_start3A_1313 : memref<100x128xf32, #tpu.memory_space<vmem>>) offsets(%dma_start3A_1316 : memref<100xi32, #tpu.memory_space<vmem>>) semaphore(%dma_start3A_1321 : memref<!tpu.dma_semaphore, #tpu.memory_space<semaphore_mem>>)
        %dma_wait3A_1322 = arith.constant 5 : i32
        %dma_wait3A_1323 = arith.constant 0 : i32
        %dma_wait3A_1324 = arith.constant 5 : i32
        %dma_wait3A_1325 = arith.constant 0 : i32
        %dma_wait3A_1326 = arith.constant 0 : i32
        %dma_wait3A_1327 = tpu.memref_slice %arg6[%dma_wait3A_1322, %dma_wait3A_1325, %dma_wait3A_1326] : memref<8x100x128xf32, #tpu.memory_space<vmem>> -> memref<1x50x128xf32, #tpu.memory_space<vmem>>
        %dma_wait3A_1328 = tpu.memref_squeeze %dma_wait3A_1327 : memref<1x50x128xf32, #tpu.memory_space<vmem>> -> memref<50x128xf32, #tpu.memory_space<vmem>>
        %dma_wait3A_1329 = arith.constant 0 : i32
        %dma_wait3A_1330 = arith.constant 0 : i32
        %dma_wait3A_1331 = tpu.memref_slice %arg4[%dma_wait3A_1323, %dma_wait3A_1329, %dma_wait3A_1330] : memref<4096x50x128xf32, #tpu.memory_space<hbm>> -> memref<1x50x128xf32, #tpu.memory_space<hbm>>
        %dma_wait3A_1332 = tpu.memref_squeeze %dma_wait3A_1331 : memref<1x50x128xf32, #tpu.memory_space<hbm>> -> memref<50x128xf32, #tpu.memory_space<hbm>>
        %dma_wait3A_1333 = tpu.memref_slice %arg9[%dma_wait3A_1324] : memref<8x!tpu.dma_semaphore, #tpu.memory_space<semaphore_mem>> -> memref<1x!tpu.dma_semaphore, #tpu.memory_space<semaphore_mem>>
        %dma_wait3A_1334 = tpu.memref_squeeze %dma_wait3A_1333 : memref<1x!tpu.dma_semaphore, #tpu.memory_space<semaphore_mem>> -> memref<!tpu.dma_semaphore, #tpu.memory_space<semaphore_mem>>
        %dma_wait3A_1335 = arith.constant 0 : i32
        %dma_wait3A_1336 = arith.constant 0 : i32
        %dma_wait3A_1337 = tpu.memref_slice %arg4[%dma_wait3A_1323, %dma_wait3A_1335, %dma_wait3A_1336] : memref<4096x50x128xf32, #tpu.memory_space<hbm>> -> memref<1x50x128xf32, #tpu.memory_space<hbm>>
        %dma_wait3A_1338 = tpu.memref_squeeze %dma_wait3A_1337 : memref<1x50x128xf32, #tpu.memory_space<hbm>> -> memref<50x128xf32, #tpu.memory_space<hbm>>
        %dma_wait3A_1339 = arith.constant 0 : i32
        %dma_wait3A_1340 = arith.constant 0 : i32
        %dma_wait3A_1341 = tpu.memref_slice %arg6[%dma_wait3A_1322, %dma_wait3A_1339, %dma_wait3A_1340] : memref<8x100x128xf32, #tpu.memory_space<vmem>> -> memref<1x50x128xf32, #tpu.memory_space<vmem>>
        %dma_wait3A_1342 = tpu.memref_squeeze %dma_wait3A_1341 : memref<1x50x128xf32, #tpu.memory_space<vmem>> -> memref<50x128xf32, #tpu.memory_space<vmem>>
        tpu.wait_dma2 semaphore(%dma_wait3A_1334 : memref<!tpu.dma_semaphore, #tpu.memory_space<semaphore_mem>>) src(%dma_wait3A_1342 : memref<50x128xf32, #tpu.memory_space<vmem>>) dst(%dma_wait3A_1338 : memref<50x128xf32, #tpu.memory_space<hbm>>)
        %dma_wait3A_1343 = arith.constant 5 : i32
        %dma_wait3A_1344 = arith.constant 0 : i32
        %dma_wait3A_1345 = arith.constant 5 : i32
        %dma_wait3A_1346 = arith.constant 0 : i32
        %dma_wait3A_1347 = arith.constant 0 : i32
        %dma_wait3A_1348 = tpu.memref_slice %arg6[%dma_wait3A_1343, %dma_wait3A_1346, %dma_wait3A_1347] : memref<8x100x128xf32, #tpu.memory_space<vmem>> -> memref<1x50x128xf32, #tpu.memory_space<vmem>>
        %dma_wait3A_1349 = tpu.memref_squeeze %dma_wait3A_1348 : memref<1x50x128xf32, #tpu.memory_space<vmem>> -> memref<50x128xf32, #tpu.memory_space<vmem>>
        %dma_wait3A_1350 = arith.constant 0 : i32
        %dma_wait3A_1351 = arith.constant 0 : i32
        %dma_wait3A_1352 = tpu.memref_slice %arg4[%dma_wait3A_1344, %dma_wait3A_1350, %dma_wait3A_1351] : memref<4096x50x128xf32, #tpu.memory_space<hbm>> -> memref<1x50x128xf32, #tpu.memory_space<hbm>>
        %dma_wait3A_1353 = tpu.memref_squeeze %dma_wait3A_1352 : memref<1x50x128xf32, #tpu.memory_space<hbm>> -> memref<50x128xf32, #tpu.memory_space<hbm>>
        %dma_wait3A_1354 = tpu.memref_slice %arg9[%dma_wait3A_1345] : memref<8x!tpu.dma_semaphore, #tpu.memory_space<semaphore_mem>> -> memref<1x!tpu.dma_semaphore, #tpu.memory_space<semaphore_mem>>
        %dma_wait3A_1355 = tpu.memref_squeeze %dma_wait3A_1354 : memref<1x!tpu.dma_semaphore, #tpu.memory_space<semaphore_mem>> -> memref<!tpu.dma_semaphore, #tpu.memory_space<semaphore_mem>>
        %dma_wait3A_1356 = arith.constant 0 : i32
        %dma_wait3A_1357 = arith.constant 0 : i32
        %dma_wait3A_1358 = tpu.memref_slice %arg4[%dma_wait3A_1344, %dma_wait3A_1356, %dma_wait3A_1357] : memref<4096x50x128xf32, #tpu.memory_space<hbm>> -> memref<1x50x128xf32, #tpu.memory_space<hbm>>
        %dma_wait3A_1359 = tpu.memref_squeeze %dma_wait3A_1358 : memref<1x50x128xf32, #tpu.memory_space<hbm>> -> memref<50x128xf32, #tpu.memory_space<hbm>>
        %dma_wait3A_1360 = arith.constant 0 : i32
        %dma_wait3A_1361 = arith.constant 0 : i32
        %dma_wait3A_1362 = tpu.memref_slice %arg6[%dma_wait3A_1343, %dma_wait3A_1360, %dma_wait3A_1361] : memref<8x100x128xf32, #tpu.memory_space<vmem>> -> memref<1x50x128xf32, #tpu.memory_space<vmem>>
        %dma_wait3A_1363 = tpu.memref_squeeze %dma_wait3A_1362 : memref<1x50x128xf32, #tpu.memory_space<vmem>> -> memref<50x128xf32, #tpu.memory_space<vmem>>
        tpu.wait_dma2 semaphore(%dma_wait3A_1355 : memref<!tpu.dma_semaphore, #tpu.memory_space<semaphore_mem>>) src(%dma_wait3A_1363 : memref<50x128xf32, #tpu.memory_space<vmem>>) dst(%dma_wait3A_1359 : memref<50x128xf32, #tpu.memory_space<hbm>>)
        %add3A_1364 = arith.constant 8 : i32
        %add3A_1365 = arith.addi %mul3A_483, %add3A_1364 : i32
        %add3A_1366 = arith.constant 5 : i32
        %add3A_1367 = arith.addi %add3A_1365, %add3A_1366 : i32
        %dma_start3A_1368 = arith.constant 5 : i32
        %dma_start3A_1369 = arith.constant 5 : i32
        %dma_start3A_1370 = arith.constant 0 : i32
        %dma_start3A_1371 = arith.constant 0 : i32
        %dma_start3A_1372 = tpu.memref_slice %arg6[%dma_start3A_1368, %dma_start3A_1370, %dma_start3A_1371] : memref<8x100x128xf32, #tpu.memory_space<vmem>> -> memref<1x100x128xf32, #tpu.memory_space<vmem>>
        %dma_start3A_1373 = tpu.memref_squeeze %dma_start3A_1372 : memref<1x100x128xf32, #tpu.memory_space<vmem>> -> memref<100x128xf32, #tpu.memory_space<vmem>>
        %dma_start3A_1374 = arith.constant 0 : i32
        %dma_start3A_1375 = tpu.memref_slice %arg5[%add3A_1367, %dma_start3A_1374] : memref<64x100xi32, #tpu.memory_space<vmem>> -> memref<1x100xi32, #tpu.memory_space<vmem>>
        %dma_start3A_1376 = tpu.memref_squeeze %dma_start3A_1375 : memref<1x100xi32, #tpu.memory_space<vmem>> -> memref<100xi32, #tpu.memory_space<vmem>>
        %dma_start3A_1377 = arith.constant 0 : i32
        %dma_start3A_1378 = arith.constant 0 : i32
        %dma_start3A_1379 = tpu.memref_slice %arg3[%dma_start3A_1377, %dma_start3A_1378] : memref<100000x128xf32, #tpu.memory_space<hbm>> -> memref<100000x128xf32, #tpu.memory_space<hbm>>
        %dma_start3A_1380 = tpu.memref_slice %arg8[%dma_start3A_1369] : memref<8x!tpu.dma_semaphore, #tpu.memory_space<semaphore_mem>> -> memref<1x!tpu.dma_semaphore, #tpu.memory_space<semaphore_mem>>
        %dma_start3A_1381 = tpu.memref_squeeze %dma_start3A_1380 : memref<1x!tpu.dma_semaphore, #tpu.memory_space<semaphore_mem>> -> memref<!tpu.dma_semaphore, #tpu.memory_space<semaphore_mem>>
        tpu.enqueue_indirect_dma source(%dma_start3A_1379 : memref<100000x128xf32, #tpu.memory_space<hbm>>) target(%dma_start3A_1373 : memref<100x128xf32, #tpu.memory_space<vmem>>) offsets(%dma_start3A_1376 : memref<100xi32, #tpu.memory_space<vmem>>) semaphore(%dma_start3A_1381 : memref<!tpu.dma_semaphore, #tpu.memory_space<semaphore_mem>>)
        %dma_wait3A_1382 = arith.constant 6 : i32
        %dma_wait3A_1383 = arith.constant 0 : i32
        %dma_wait3A_1384 = arith.constant 6 : i32
        %dma_wait3A_1385 = arith.constant 0 : i32
        %dma_wait3A_1386 = arith.constant 0 : i32
        %dma_wait3A_1387 = tpu.memref_slice %arg6[%dma_wait3A_1382, %dma_wait3A_1385, %dma_wait3A_1386] : memref<8x100x128xf32, #tpu.memory_space<vmem>> -> memref<1x50x128xf32, #tpu.memory_space<vmem>>
        %dma_wait3A_1388 = tpu.memref_squeeze %dma_wait3A_1387 : memref<1x50x128xf32, #tpu.memory_space<vmem>> -> memref<50x128xf32, #tpu.memory_space<vmem>>
        %dma_wait3A_1389 = arith.constant 0 : i32
        %dma_wait3A_1390 = arith.constant 0 : i32
        %dma_wait3A_1391 = tpu.memref_slice %arg4[%dma_wait3A_1383, %dma_wait3A_1389, %dma_wait3A_1390] : memref<4096x50x128xf32, #tpu.memory_space<hbm>> -> memref<1x50x128xf32, #tpu.memory_space<hbm>>
        %dma_wait3A_1392 = tpu.memref_squeeze %dma_wait3A_1391 : memref<1x50x128xf32, #tpu.memory_space<hbm>> -> memref<50x128xf32, #tpu.memory_space<hbm>>
        %dma_wait3A_1393 = tpu.memref_slice %arg9[%dma_wait3A_1384] : memref<8x!tpu.dma_semaphore, #tpu.memory_space<semaphore_mem>> -> memref<1x!tpu.dma_semaphore, #tpu.memory_space<semaphore_mem>>
        %dma_wait3A_1394 = tpu.memref_squeeze %dma_wait3A_1393 : memref<1x!tpu.dma_semaphore, #tpu.memory_space<semaphore_mem>> -> memref<!tpu.dma_semaphore, #tpu.memory_space<semaphore_mem>>
        %dma_wait3A_1395 = arith.constant 0 : i32
        %dma_wait3A_1396 = arith.constant 0 : i32
        %dma_wait3A_1397 = tpu.memref_slice %arg4[%dma_wait3A_1383, %dma_wait3A_1395, %dma_wait3A_1396] : memref<4096x50x128xf32, #tpu.memory_space<hbm>> -> memref<1x50x128xf32, #tpu.memory_space<hbm>>
        %dma_wait3A_1398 = tpu.memref_squeeze %dma_wait3A_1397 : memref<1x50x128xf32, #tpu.memory_space<hbm>> -> memref<50x128xf32, #tpu.memory_space<hbm>>
        %dma_wait3A_1399 = arith.constant 0 : i32
        %dma_wait3A_1400 = arith.constant 0 : i32
        %dma_wait3A_1401 = tpu.memref_slice %arg6[%dma_wait3A_1382, %dma_wait3A_1399, %dma_wait3A_1400] : memref<8x100x128xf32, #tpu.memory_space<vmem>> -> memref<1x50x128xf32, #tpu.memory_space<vmem>>
        %dma_wait3A_1402 = tpu.memref_squeeze %dma_wait3A_1401 : memref<1x50x128xf32, #tpu.memory_space<vmem>> -> memref<50x128xf32, #tpu.memory_space<vmem>>
        tpu.wait_dma2 semaphore(%dma_wait3A_1394 : memref<!tpu.dma_semaphore, #tpu.memory_space<semaphore_mem>>) src(%dma_wait3A_1402 : memref<50x128xf32, #tpu.memory_space<vmem>>) dst(%dma_wait3A_1398 : memref<50x128xf32, #tpu.memory_space<hbm>>)
        %dma_wait3A_1403 = arith.constant 6 : i32
        %dma_wait3A_1404 = arith.constant 0 : i32
        %dma_wait3A_1405 = arith.constant 6 : i32
        %dma_wait3A_1406 = arith.constant 0 : i32
        %dma_wait3A_1407 = arith.constant 0 : i32
        %dma_wait3A_1408 = tpu.memref_slice %arg6[%dma_wait3A_1403, %dma_wait3A_1406, %dma_wait3A_1407] : memref<8x100x128xf32, #tpu.memory_space<vmem>> -> memref<1x50x128xf32, #tpu.memory_space<vmem>>
        %dma_wait3A_1409 = tpu.memref_squeeze %dma_wait3A_1408 : memref<1x50x128xf32, #tpu.memory_space<vmem>> -> memref<50x128xf32, #tpu.memory_space<vmem>>
        %dma_wait3A_1410 = arith.constant 0 : i32
        %dma_wait3A_1411 = arith.constant 0 : i32
        %dma_wait3A_1412 = tpu.memref_slice %arg4[%dma_wait3A_1404, %dma_wait3A_1410, %dma_wait3A_1411] : memref<4096x50x128xf32, #tpu.memory_space<hbm>> -> memref<1x50x128xf32, #tpu.memory_space<hbm>>
        %dma_wait3A_1413 = tpu.memref_squeeze %dma_wait3A_1412 : memref<1x50x128xf32, #tpu.memory_space<hbm>> -> memref<50x128xf32, #tpu.memory_space<hbm>>
        %dma_wait3A_1414 = tpu.memref_slice %arg9[%dma_wait3A_1405] : memref<8x!tpu.dma_semaphore, #tpu.memory_space<semaphore_mem>> -> memref<1x!tpu.dma_semaphore, #tpu.memory_space<semaphore_mem>>
        %dma_wait3A_1415 = tpu.memref_squeeze %dma_wait3A_1414 : memref<1x!tpu.dma_semaphore, #tpu.memory_space<semaphore_mem>> -> memref<!tpu.dma_semaphore, #tpu.memory_space<semaphore_mem>>
        %dma_wait3A_1416 = arith.constant 0 : i32
        %dma_wait3A_1417 = arith.constant 0 : i32
        %dma_wait3A_1418 = tpu.memref_slice %arg4[%dma_wait3A_1404, %dma_wait3A_1416, %dma_wait3A_1417] : memref<4096x50x128xf32, #tpu.memory_space<hbm>> -> memref<1x50x128xf32, #tpu.memory_space<hbm>>
        %dma_wait3A_1419 = tpu.memref_squeeze %dma_wait3A_1418 : memref<1x50x128xf32, #tpu.memory_space<hbm>> -> memref<50x128xf32, #tpu.memory_space<hbm>>
        %dma_wait3A_1420 = arith.constant 0 : i32
        %dma_wait3A_1421 = arith.constant 0 : i32
        %dma_wait3A_1422 = tpu.memref_slice %arg6[%dma_wait3A_1403, %dma_wait3A_1420, %dma_wait3A_1421] : memref<8x100x128xf32, #tpu.memory_space<vmem>> -> memref<1x50x128xf32, #tpu.memory_space<vmem>>
        %dma_wait3A_1423 = tpu.memref_squeeze %dma_wait3A_1422 : memref<1x50x128xf32, #tpu.memory_space<vmem>> -> memref<50x128xf32, #tpu.memory_space<vmem>>
        tpu.wait_dma2 semaphore(%dma_wait3A_1415 : memref<!tpu.dma_semaphore, #tpu.memory_space<semaphore_mem>>) src(%dma_wait3A_1423 : memref<50x128xf32, #tpu.memory_space<vmem>>) dst(%dma_wait3A_1419 : memref<50x128xf32, #tpu.memory_space<hbm>>)
        %add3A_1424 = arith.constant 8 : i32
        %add3A_1425 = arith.addi %mul3A_483, %add3A_1424 : i32
        %add3A_1426 = arith.constant 6 : i32
        %add3A_1427 = arith.addi %add3A_1425, %add3A_1426 : i32
        %dma_start3A_1428 = arith.constant 6 : i32
        %dma_start3A_1429 = arith.constant 6 : i32
        %dma_start3A_1430 = arith.constant 0 : i32
        %dma_start3A_1431 = arith.constant 0 : i32
        %dma_start3A_1432 = tpu.memref_slice %arg6[%dma_start3A_1428, %dma_start3A_1430, %dma_start3A_1431] : memref<8x100x128xf32, #tpu.memory_space<vmem>> -> memref<1x100x128xf32, #tpu.memory_space<vmem>>
        %dma_start3A_1433 = tpu.memref_squeeze %dma_start3A_1432 : memref<1x100x128xf32, #tpu.memory_space<vmem>> -> memref<100x128xf32, #tpu.memory_space<vmem>>
        %dma_start3A_1434 = arith.constant 0 : i32
        %dma_start3A_1435 = tpu.memref_slice %arg5[%add3A_1427, %dma_start3A_1434] : memref<64x100xi32, #tpu.memory_space<vmem>> -> memref<1x100xi32, #tpu.memory_space<vmem>>
        %dma_start3A_1436 = tpu.memref_squeeze %dma_start3A_1435 : memref<1x100xi32, #tpu.memory_space<vmem>> -> memref<100xi32, #tpu.memory_space<vmem>>
        %dma_start3A_1437 = arith.constant 0 : i32
        %dma_start3A_1438 = arith.constant 0 : i32
        %dma_start3A_1439 = tpu.memref_slice %arg3[%dma_start3A_1437, %dma_start3A_1438] : memref<100000x128xf32, #tpu.memory_space<hbm>> -> memref<100000x128xf32, #tpu.memory_space<hbm>>
        %dma_start3A_1440 = tpu.memref_slice %arg8[%dma_start3A_1429] : memref<8x!tpu.dma_semaphore, #tpu.memory_space<semaphore_mem>> -> memref<1x!tpu.dma_semaphore, #tpu.memory_space<semaphore_mem>>
        %dma_start3A_1441 = tpu.memref_squeeze %dma_start3A_1440 : memref<1x!tpu.dma_semaphore, #tpu.memory_space<semaphore_mem>> -> memref<!tpu.dma_semaphore, #tpu.memory_space<semaphore_mem>>
        tpu.enqueue_indirect_dma source(%dma_start3A_1439 : memref<100000x128xf32, #tpu.memory_space<hbm>>) target(%dma_start3A_1433 : memref<100x128xf32, #tpu.memory_space<vmem>>) offsets(%dma_start3A_1436 : memref<100xi32, #tpu.memory_space<vmem>>) semaphore(%dma_start3A_1441 : memref<!tpu.dma_semaphore, #tpu.memory_space<semaphore_mem>>)
        %dma_wait3A_1442 = arith.constant 7 : i32
        %dma_wait3A_1443 = arith.constant 0 : i32
        %dma_wait3A_1444 = arith.constant 7 : i32
        %dma_wait3A_1445 = arith.constant 0 : i32
        %dma_wait3A_1446 = arith.constant 0 : i32
        %dma_wait3A_1447 = tpu.memref_slice %arg6[%dma_wait3A_1442, %dma_wait3A_1445, %dma_wait3A_1446] : memref<8x100x128xf32, #tpu.memory_space<vmem>> -> memref<1x50x128xf32, #tpu.memory_space<vmem>>
        %dma_wait3A_1448 = tpu.memref_squeeze %dma_wait3A_1447 : memref<1x50x128xf32, #tpu.memory_space<vmem>> -> memref<50x128xf32, #tpu.memory_space<vmem>>
        %dma_wait3A_1449 = arith.constant 0 : i32
        %dma_wait3A_1450 = arith.constant 0 : i32
        %dma_wait3A_1451 = tpu.memref_slice %arg4[%dma_wait3A_1443, %dma_wait3A_1449, %dma_wait3A_1450] : memref<4096x50x128xf32, #tpu.memory_space<hbm>> -> memref<1x50x128xf32, #tpu.memory_space<hbm>>
        %dma_wait3A_1452 = tpu.memref_squeeze %dma_wait3A_1451 : memref<1x50x128xf32, #tpu.memory_space<hbm>> -> memref<50x128xf32, #tpu.memory_space<hbm>>
        %dma_wait3A_1453 = tpu.memref_slice %arg9[%dma_wait3A_1444] : memref<8x!tpu.dma_semaphore, #tpu.memory_space<semaphore_mem>> -> memref<1x!tpu.dma_semaphore, #tpu.memory_space<semaphore_mem>>
        %dma_wait3A_1454 = tpu.memref_squeeze %dma_wait3A_1453 : memref<1x!tpu.dma_semaphore, #tpu.memory_space<semaphore_mem>> -> memref<!tpu.dma_semaphore, #tpu.memory_space<semaphore_mem>>
        %dma_wait3A_1455 = arith.constant 0 : i32
        %dma_wait3A_1456 = arith.constant 0 : i32
        %dma_wait3A_1457 = tpu.memref_slice %arg4[%dma_wait3A_1443, %dma_wait3A_1455, %dma_wait3A_1456] : memref<4096x50x128xf32, #tpu.memory_space<hbm>> -> memref<1x50x128xf32, #tpu.memory_space<hbm>>
        %dma_wait3A_1458 = tpu.memref_squeeze %dma_wait3A_1457 : memref<1x50x128xf32, #tpu.memory_space<hbm>> -> memref<50x128xf32, #tpu.memory_space<hbm>>
        %dma_wait3A_1459 = arith.constant 0 : i32
        %dma_wait3A_1460 = arith.constant 0 : i32
        %dma_wait3A_1461 = tpu.memref_slice %arg6[%dma_wait3A_1442, %dma_wait3A_1459, %dma_wait3A_1460] : memref<8x100x128xf32, #tpu.memory_space<vmem>> -> memref<1x50x128xf32, #tpu.memory_space<vmem>>
        %dma_wait3A_1462 = tpu.memref_squeeze %dma_wait3A_1461 : memref<1x50x128xf32, #tpu.memory_space<vmem>> -> memref<50x128xf32, #tpu.memory_space<vmem>>
        tpu.wait_dma2 semaphore(%dma_wait3A_1454 : memref<!tpu.dma_semaphore, #tpu.memory_space<semaphore_mem>>) src(%dma_wait3A_1462 : memref<50x128xf32, #tpu.memory_space<vmem>>) dst(%dma_wait3A_1458 : memref<50x128xf32, #tpu.memory_space<hbm>>)
        %dma_wait3A_1463 = arith.constant 7 : i32
        %dma_wait3A_1464 = arith.constant 0 : i32
        %dma_wait3A_1465 = arith.constant 7 : i32
        %dma_wait3A_1466 = arith.constant 0 : i32
        %dma_wait3A_1467 = arith.constant 0 : i32
        %dma_wait3A_1468 = tpu.memref_slice %arg6[%dma_wait3A_1463, %dma_wait3A_1466, %dma_wait3A_1467] : memref<8x100x128xf32, #tpu.memory_space<vmem>> -> memref<1x50x128xf32, #tpu.memory_space<vmem>>
        %dma_wait3A_1469 = tpu.memref_squeeze %dma_wait3A_1468 : memref<1x50x128xf32, #tpu.memory_space<vmem>> -> memref<50x128xf32, #tpu.memory_space<vmem>>
        %dma_wait3A_1470 = arith.constant 0 : i32
        %dma_wait3A_1471 = arith.constant 0 : i32
        %dma_wait3A_1472 = tpu.memref_slice %arg4[%dma_wait3A_1464, %dma_wait3A_1470, %dma_wait3A_1471] : memref<4096x50x128xf32, #tpu.memory_space<hbm>> -> memref<1x50x128xf32, #tpu.memory_space<hbm>>
        %dma_wait3A_1473 = tpu.memref_squeeze %dma_wait3A_1472 : memref<1x50x128xf32, #tpu.memory_space<hbm>> -> memref<50x128xf32, #tpu.memory_space<hbm>>
        %dma_wait3A_1474 = tpu.memref_slice %arg9[%dma_wait3A_1465] : memref<8x!tpu.dma_semaphore, #tpu.memory_space<semaphore_mem>> -> memref<1x!tpu.dma_semaphore, #tpu.memory_space<semaphore_mem>>
        %dma_wait3A_1475 = tpu.memref_squeeze %dma_wait3A_1474 : memref<1x!tpu.dma_semaphore, #tpu.memory_space<semaphore_mem>> -> memref<!tpu.dma_semaphore, #tpu.memory_space<semaphore_mem>>
        %dma_wait3A_1476 = arith.constant 0 : i32
        %dma_wait3A_1477 = arith.constant 0 : i32
        %dma_wait3A_1478 = tpu.memref_slice %arg4[%dma_wait3A_1464, %dma_wait3A_1476, %dma_wait3A_1477] : memref<4096x50x128xf32, #tpu.memory_space<hbm>> -> memref<1x50x128xf32, #tpu.memory_space<hbm>>
        %dma_wait3A_1479 = tpu.memref_squeeze %dma_wait3A_1478 : memref<1x50x128xf32, #tpu.memory_space<hbm>> -> memref<50x128xf32, #tpu.memory_space<hbm>>
        %dma_wait3A_1480 = arith.constant 0 : i32
        %dma_wait3A_1481 = arith.constant 0 : i32
        %dma_wait3A_1482 = tpu.memref_slice %arg6[%dma_wait3A_1463, %dma_wait3A_1480, %dma_wait3A_1481] : memref<8x100x128xf32, #tpu.memory_space<vmem>> -> memref<1x50x128xf32, #tpu.memory_space<vmem>>
        %dma_wait3A_1483 = tpu.memref_squeeze %dma_wait3A_1482 : memref<1x50x128xf32, #tpu.memory_space<vmem>> -> memref<50x128xf32, #tpu.memory_space<vmem>>
        tpu.wait_dma2 semaphore(%dma_wait3A_1475 : memref<!tpu.dma_semaphore, #tpu.memory_space<semaphore_mem>>) src(%dma_wait3A_1483 : memref<50x128xf32, #tpu.memory_space<vmem>>) dst(%dma_wait3A_1479 : memref<50x128xf32, #tpu.memory_space<hbm>>)
        %add3A_1484 = arith.constant 8 : i32
        %add3A_1485 = arith.addi %mul3A_483, %add3A_1484 : i32
        %add3A_1486 = arith.constant 7 : i32
        %add3A_1487 = arith.addi %add3A_1485, %add3A_1486 : i32
        %dma_start3A_1488 = arith.constant 7 : i32
        %dma_start3A_1489 = arith.constant 7 : i32
        %dma_start3A_1490 = arith.constant 0 : i32
        %dma_start3A_1491 = arith.constant 0 : i32
        %dma_start3A_1492 = tpu.memref_slice %arg6[%dma_start3A_1488, %dma_start3A_1490, %dma_start3A_1491] : memref<8x100x128xf32, #tpu.memory_space<vmem>> -> memref<1x100x128xf32, #tpu.memory_space<vmem>>
        %dma_start3A_1493 = tpu.memref_squeeze %dma_start3A_1492 : memref<1x100x128xf32, #tpu.memory_space<vmem>> -> memref<100x128xf32, #tpu.memory_space<vmem>>
        %dma_start3A_1494 = arith.constant 0 : i32
        %dma_start3A_1495 = tpu.memref_slice %arg5[%add3A_1487, %dma_start3A_1494] : memref<64x100xi32, #tpu.memory_space<vmem>> -> memref<1x100xi32, #tpu.memory_space<vmem>>
        %dma_start3A_1496 = tpu.memref_squeeze %dma_start3A_1495 : memref<1x100xi32, #tpu.memory_space<vmem>> -> memref<100xi32, #tpu.memory_space<vmem>>
        %dma_start3A_1497 = arith.constant 0 : i32
        %dma_start3A_1498 = arith.constant 0 : i32
        %dma_start3A_1499 = tpu.memref_slice %arg3[%dma_start3A_1497, %dma_start3A_1498] : memref<100000x128xf32, #tpu.memory_space<hbm>> -> memref<100000x128xf32, #tpu.memory_space<hbm>>
        %dma_start3A_1500 = tpu.memref_slice %arg8[%dma_start3A_1489] : memref<8x!tpu.dma_semaphore, #tpu.memory_space<semaphore_mem>> -> memref<1x!tpu.dma_semaphore, #tpu.memory_space<semaphore_mem>>
        %dma_start3A_1501 = tpu.memref_squeeze %dma_start3A_1500 : memref<1x!tpu.dma_semaphore, #tpu.memory_space<semaphore_mem>> -> memref<!tpu.dma_semaphore, #tpu.memory_space<semaphore_mem>>
        tpu.enqueue_indirect_dma source(%dma_start3A_1499 : memref<100000x128xf32, #tpu.memory_space<hbm>>) target(%dma_start3A_1493 : memref<100x128xf32, #tpu.memory_space<vmem>>) offsets(%dma_start3A_1496 : memref<100xi32, #tpu.memory_space<vmem>>) semaphore(%dma_start3A_1501 : memref<!tpu.dma_semaphore, #tpu.memory_space<semaphore_mem>>)
      } else {
      }
    }
    %scan3A_140 = arith.constant 8 : i32
    %dma_wait3A_141 = arith.constant 0 : i32
    %dma_wait3A_142 = arith.constant 0 : i32
    %dma_wait3A_143 = arith.constant 0 : i32
    %dma_wait3A_144 = arith.constant 0 : i32
    %dma_wait3A_145 = arith.constant 0 : i32
    %dma_wait3A_146 = tpu.memref_slice %arg6[%dma_wait3A_141, %dma_wait3A_144, %dma_wait3A_145] : memref<8x100x128xf32, #tpu.memory_space<vmem>> -> memref<1x50x128xf32, #tpu.memory_space<vmem>>
    %dma_wait3A_147 = tpu.memref_squeeze %dma_wait3A_146 : memref<1x50x128xf32, #tpu.memory_space<vmem>> -> memref<50x128xf32, #tpu.memory_space<vmem>>
    %dma_wait3A_148 = arith.constant 0 : i32
    %dma_wait3A_149 = arith.constant 0 : i32
    %dma_wait3A_150 = tpu.memref_slice %arg4[%dma_wait3A_142, %dma_wait3A_148, %dma_wait3A_149] : memref<4096x50x128xf32, #tpu.memory_space<hbm>> -> memref<1x50x128xf32, #tpu.memory_space<hbm>>
    %dma_wait3A_151 = tpu.memref_squeeze %dma_wait3A_150 : memref<1x50x128xf32, #tpu.memory_space<hbm>> -> memref<50x128xf32, #tpu.memory_space<hbm>>
    %dma_wait3A_152 = tpu.memref_slice %arg9[%dma_wait3A_143] : memref<8x!tpu.dma_semaphore, #tpu.memory_space<semaphore_mem>> -> memref<1x!tpu.dma_semaphore, #tpu.memory_space<semaphore_mem>>
    %dma_wait3A_153 = tpu.memref_squeeze %dma_wait3A_152 : memref<1x!tpu.dma_semaphore, #tpu.memory_space<semaphore_mem>> -> memref<!tpu.dma_semaphore, #tpu.memory_space<semaphore_mem>>
    %dma_wait3A_154 = arith.constant 0 : i32
    %dma_wait3A_155 = arith.constant 0 : i32
    %dma_wait3A_156 = tpu.memref_slice %arg4[%dma_wait3A_142, %dma_wait3A_154, %dma_wait3A_155] : memref<4096x50x128xf32, #tpu.memory_space<hbm>> -> memref<1x50x128xf32, #tpu.memory_space<hbm>>
    %dma_wait3A_157 = tpu.memref_squeeze %dma_wait3A_156 : memref<1x50x128xf32, #tpu.memory_space<hbm>> -> memref<50x128xf32, #tpu.memory_space<hbm>>
    %dma_wait3A_158 = arith.constant 0 : i32
    %dma_wait3A_159 = arith.constant 0 : i32
    %dma_wait3A_160 = tpu.memref_slice %arg6[%dma_wait3A_141, %dma_wait3A_158, %dma_wait3A_159] : memref<8x100x128xf32, #tpu.memory_space<vmem>> -> memref<1x50x128xf32, #tpu.memory_space<vmem>>
    %dma_wait3A_161 = tpu.memref_squeeze %dma_wait3A_160 : memref<1x50x128xf32, #tpu.memory_space<vmem>> -> memref<50x128xf32, #tpu.memory_space<vmem>>
    tpu.wait_dma2 semaphore(%dma_wait3A_153 : memref<!tpu.dma_semaphore, #tpu.memory_space<semaphore_mem>>) src(%dma_wait3A_161 : memref<50x128xf32, #tpu.memory_space<vmem>>) dst(%dma_wait3A_157 : memref<50x128xf32, #tpu.memory_space<hbm>>)
    %dma_wait3A_162 = arith.constant 0 : i32
    %dma_wait3A_163 = arith.constant 0 : i32
    %dma_wait3A_164 = arith.constant 0 : i32
    %dma_wait3A_165 = arith.constant 0 : i32
    %dma_wait3A_166 = arith.constant 0 : i32
    %dma_wait3A_167 = tpu.memref_slice %arg6[%dma_wait3A_162, %dma_wait3A_165, %dma_wait3A_166] : memref<8x100x128xf32, #tpu.memory_space<vmem>> -> memref<1x50x128xf32, #tpu.memory_space<vmem>>
    %dma_wait3A_168 = tpu.memref_squeeze %dma_wait3A_167 : memref<1x50x128xf32, #tpu.memory_space<vmem>> -> memref<50x128xf32, #tpu.memory_space<vmem>>
    %dma_wait3A_169 = arith.constant 0 : i32
    %dma_wait3A_170 = arith.constant 0 : i32
    %dma_wait3A_171 = tpu.memref_slice %arg4[%dma_wait3A_163, %dma_wait3A_169, %dma_wait3A_170] : memref<4096x50x128xf32, #tpu.memory_space<hbm>> -> memref<1x50x128xf32, #tpu.memory_space<hbm>>
    %dma_wait3A_172 = tpu.memref_squeeze %dma_wait3A_171 : memref<1x50x128xf32, #tpu.memory_space<hbm>> -> memref<50x128xf32, #tpu.memory_space<hbm>>
    %dma_wait3A_173 = tpu.memref_slice %arg9[%dma_wait3A_164] : memref<8x!tpu.dma_semaphore, #tpu.memory_space<semaphore_mem>> -> memref<1x!tpu.dma_semaphore, #tpu.memory_space<semaphore_mem>>
    %dma_wait3A_174 = tpu.memref_squeeze %dma_wait3A_173 : memref<1x!tpu.dma_semaphore, #tpu.memory_space<semaphore_mem>> -> memref<!tpu.dma_semaphore, #tpu.memory_space<semaphore_mem>>
    %dma_wait3A_175 = arith.constant 0 : i32
    %dma_wait3A_176 = arith.constant 0 : i32
    %dma_wait3A_177 = tpu.memref_slice %arg4[%dma_wait3A_163, %dma_wait3A_175, %dma_wait3A_176] : memref<4096x50x128xf32, #tpu.memory_space<hbm>> -> memref<1x50x128xf32, #tpu.memory_space<hbm>>
    %dma_wait3A_178 = tpu.memref_squeeze %dma_wait3A_177 : memref<1x50x128xf32, #tpu.memory_space<hbm>> -> memref<50x128xf32, #tpu.memory_space<hbm>>
    %dma_wait3A_179 = arith.constant 0 : i32
    %dma_wait3A_180 = arith.constant 0 : i32
    %dma_wait3A_181 = tpu.memref_slice %arg6[%dma_wait3A_162, %dma_wait3A_179, %dma_wait3A_180] : memref<8x100x128xf32, #tpu.memory_space<vmem>> -> memref<1x50x128xf32, #tpu.memory_space<vmem>>
    %dma_wait3A_182 = tpu.memref_squeeze %dma_wait3A_181 : memref<1x50x128xf32, #tpu.memory_space<vmem>> -> memref<50x128xf32, #tpu.memory_space<vmem>>
    tpu.wait_dma2 semaphore(%dma_wait3A_174 : memref<!tpu.dma_semaphore, #tpu.memory_space<semaphore_mem>>) src(%dma_wait3A_182 : memref<50x128xf32, #tpu.memory_space<vmem>>) dst(%dma_wait3A_178 : memref<50x128xf32, #tpu.memory_space<hbm>>)
    %dma_wait3A_183 = arith.constant 1 : i32
    %dma_wait3A_184 = arith.constant 0 : i32
    %dma_wait3A_185 = arith.constant 1 : i32
    %dma_wait3A_186 = arith.constant 0 : i32
    %dma_wait3A_187 = arith.constant 0 : i32
    %dma_wait3A_188 = tpu.memref_slice %arg6[%dma_wait3A_183, %dma_wait3A_186, %dma_wait3A_187] : memref<8x100x128xf32, #tpu.memory_space<vmem>> -> memref<1x50x128xf32, #tpu.memory_space<vmem>>
    %dma_wait3A_189 = tpu.memref_squeeze %dma_wait3A_188 : memref<1x50x128xf32, #tpu.memory_space<vmem>> -> memref<50x128xf32, #tpu.memory_space<vmem>>
    %dma_wait3A_190 = arith.constant 0 : i32
    %dma_wait3A_191 = arith.constant 0 : i32
    %dma_wait3A_192 = tpu.memref_slice %arg4[%dma_wait3A_184, %dma_wait3A_190, %dma_wait3A_191] : memref<4096x50x128xf32, #tpu.memory_space<hbm>> -> memref<1x50x128xf32, #tpu.memory_space<hbm>>
    %dma_wait3A_193 = tpu.memref_squeeze %dma_wait3A_192 : memref<1x50x128xf32, #tpu.memory_space<hbm>> -> memref<50x128xf32, #tpu.memory_space<hbm>>
    %dma_wait3A_194 = tpu.memref_slice %arg9[%dma_wait3A_185] : memref<8x!tpu.dma_semaphore, #tpu.memory_space<semaphore_mem>> -> memref<1x!tpu.dma_semaphore, #tpu.memory_space<semaphore_mem>>
    %dma_wait3A_195 = tpu.memref_squeeze %dma_wait3A_194 : memref<1x!tpu.dma_semaphore, #tpu.memory_space<semaphore_mem>> -> memref<!tpu.dma_semaphore, #tpu.memory_space<semaphore_mem>>
    %dma_wait3A_196 = arith.constant 0 : i32
    %dma_wait3A_197 = arith.constant 0 : i32
    %dma_wait3A_198 = tpu.memref_slice %arg4[%dma_wait3A_184, %dma_wait3A_196, %dma_wait3A_197] : memref<4096x50x128xf32, #tpu.memory_space<hbm>> -> memref<1x50x128xf32, #tpu.memory_space<hbm>>
    %dma_wait3A_199 = tpu.memref_squeeze %dma_wait3A_198 : memref<1x50x128xf32, #tpu.memory_space<hbm>> -> memref<50x128xf32, #tpu.memory_space<hbm>>
    %dma_wait3A_200 = arith.constant 0 : i32
    %dma_wait3A_201 = arith.constant 0 : i32
    %dma_wait3A_202 = tpu.memref_slice %arg6[%dma_wait3A_183, %dma_wait3A_200, %dma_wait3A_201] : memref<8x100x128xf32, #tpu.memory_space<vmem>> -> memref<1x50x128xf32, #tpu.memory_space<vmem>>
    %dma_wait3A_203 = tpu.memref_squeeze %dma_wait3A_202 : memref<1x50x128xf32, #tpu.memory_space<vmem>> -> memref<50x128xf32, #tpu.memory_space<vmem>>
    tpu.wait_dma2 semaphore(%dma_wait3A_195 : memref<!tpu.dma_semaphore, #tpu.memory_space<semaphore_mem>>) src(%dma_wait3A_203 : memref<50x128xf32, #tpu.memory_space<vmem>>) dst(%dma_wait3A_199 : memref<50x128xf32, #tpu.memory_space<hbm>>)
    %dma_wait3A_204 = arith.constant 1 : i32
    %dma_wait3A_205 = arith.constant 0 : i32
    %dma_wait3A_206 = arith.constant 1 : i32
    %dma_wait3A_207 = arith.constant 0 : i32
    %dma_wait3A_208 = arith.constant 0 : i32
    %dma_wait3A_209 = tpu.memref_slice %arg6[%dma_wait3A_204, %dma_wait3A_207, %dma_wait3A_208] : memref<8x100x128xf32, #tpu.memory_space<vmem>> -> memref<1x50x128xf32, #tpu.memory_space<vmem>>
    %dma_wait3A_210 = tpu.memref_squeeze %dma_wait3A_209 : memref<1x50x128xf32, #tpu.memory_space<vmem>> -> memref<50x128xf32, #tpu.memory_space<vmem>>
    %dma_wait3A_211 = arith.constant 0 : i32
    %dma_wait3A_212 = arith.constant 0 : i32
    %dma_wait3A_213 = tpu.memref_slice %arg4[%dma_wait3A_205, %dma_wait3A_211, %dma_wait3A_212] : memref<4096x50x128xf32, #tpu.memory_space<hbm>> -> memref<1x50x128xf32, #tpu.memory_space<hbm>>
    %dma_wait3A_214 = tpu.memref_squeeze %dma_wait3A_213 : memref<1x50x128xf32, #tpu.memory_space<hbm>> -> memref<50x128xf32, #tpu.memory_space<hbm>>
    %dma_wait3A_215 = tpu.memref_slice %arg9[%dma_wait3A_206] : memref<8x!tpu.dma_semaphore, #tpu.memory_space<semaphore_mem>> -> memref<1x!tpu.dma_semaphore, #tpu.memory_space<semaphore_mem>>
    %dma_wait3A_216 = tpu.memref_squeeze %dma_wait3A_215 : memref<1x!tpu.dma_semaphore, #tpu.memory_space<semaphore_mem>> -> memref<!tpu.dma_semaphore, #tpu.memory_space<semaphore_mem>>
    %dma_wait3A_217 = arith.constant 0 : i32
    %dma_wait3A_218 = arith.constant 0 : i32
    %dma_wait3A_219 = tpu.memref_slice %arg4[%dma_wait3A_205, %dma_wait3A_217, %dma_wait3A_218] : memref<4096x50x128xf32, #tpu.memory_space<hbm>> -> memref<1x50x128xf32, #tpu.memory_space<hbm>>
    %dma_wait3A_220 = tpu.memref_squeeze %dma_wait3A_219 : memref<1x50x128xf32, #tpu.memory_space<hbm>> -> memref<50x128xf32, #tpu.memory_space<hbm>>
    %dma_wait3A_221 = arith.constant 0 : i32
    %dma_wait3A_222 = arith.constant 0 : i32
    %dma_wait3A_223 = tpu.memref_slice %arg6[%dma_wait3A_204, %dma_wait3A_221, %dma_wait3A_222] : memref<8x100x128xf32, #tpu.memory_space<vmem>> -> memref<1x50x128xf32, #tpu.memory_space<vmem>>
    %dma_wait3A_224 = tpu.memref_squeeze %dma_wait3A_223 : memref<1x50x128xf32, #tpu.memory_space<vmem>> -> memref<50x128xf32, #tpu.memory_space<vmem>>
    tpu.wait_dma2 semaphore(%dma_wait3A_216 : memref<!tpu.dma_semaphore, #tpu.memory_space<semaphore_mem>>) src(%dma_wait3A_224 : memref<50x128xf32, #tpu.memory_space<vmem>>) dst(%dma_wait3A_220 : memref<50x128xf32, #tpu.memory_space<hbm>>)
    %dma_wait3A_225 = arith.constant 2 : i32
    %dma_wait3A_226 = arith.constant 0 : i32
    %dma_wait3A_227 = arith.constant 2 : i32
    %dma_wait3A_228 = arith.constant 0 : i32
    %dma_wait3A_229 = arith.constant 0 : i32
    %dma_wait3A_230 = tpu.memref_slice %arg6[%dma_wait3A_225, %dma_wait3A_228, %dma_wait3A_229] : memref<8x100x128xf32, #tpu.memory_space<vmem>> -> memref<1x50x128xf32, #tpu.memory_space<vmem>>
    %dma_wait3A_231 = tpu.memref_squeeze %dma_wait3A_230 : memref<1x50x128xf32, #tpu.memory_space<vmem>> -> memref<50x128xf32, #tpu.memory_space<vmem>>
    %dma_wait3A_232 = arith.constant 0 : i32
    %dma_wait3A_233 = arith.constant 0 : i32
    %dma_wait3A_234 = tpu.memref_slice %arg4[%dma_wait3A_226, %dma_wait3A_232, %dma_wait3A_233] : memref<4096x50x128xf32, #tpu.memory_space<hbm>> -> memref<1x50x128xf32, #tpu.memory_space<hbm>>
    %dma_wait3A_235 = tpu.memref_squeeze %dma_wait3A_234 : memref<1x50x128xf32, #tpu.memory_space<hbm>> -> memref<50x128xf32, #tpu.memory_space<hbm>>
    %dma_wait3A_236 = tpu.memref_slice %arg9[%dma_wait3A_227] : memref<8x!tpu.dma_semaphore, #tpu.memory_space<semaphore_mem>> -> memref<1x!tpu.dma_semaphore, #tpu.memory_space<semaphore_mem>>
    %dma_wait3A_237 = tpu.memref_squeeze %dma_wait3A_236 : memref<1x!tpu.dma_semaphore, #tpu.memory_space<semaphore_mem>> -> memref<!tpu.dma_semaphore, #tpu.memory_space<semaphore_mem>>
    %dma_wait3A_238 = arith.constant 0 : i32
    %dma_wait3A_239 = arith.constant 0 : i32
    %dma_wait3A_240 = tpu.memref_slice %arg4[%dma_wait3A_226, %dma_wait3A_238, %dma_wait3A_239] : memref<4096x50x128xf32, #tpu.memory_space<hbm>> -> memref<1x50x128xf32, #tpu.memory_space<hbm>>
    %dma_wait3A_241 = tpu.memref_squeeze %dma_wait3A_240 : memref<1x50x128xf32, #tpu.memory_space<hbm>> -> memref<50x128xf32, #tpu.memory_space<hbm>>
    %dma_wait3A_242 = arith.constant 0 : i32
    %dma_wait3A_243 = arith.constant 0 : i32
    %dma_wait3A_244 = tpu.memref_slice %arg6[%dma_wait3A_225, %dma_wait3A_242, %dma_wait3A_243] : memref<8x100x128xf32, #tpu.memory_space<vmem>> -> memref<1x50x128xf32, #tpu.memory_space<vmem>>
    %dma_wait3A_245 = tpu.memref_squeeze %dma_wait3A_244 : memref<1x50x128xf32, #tpu.memory_space<vmem>> -> memref<50x128xf32, #tpu.memory_space<vmem>>
    tpu.wait_dma2 semaphore(%dma_wait3A_237 : memref<!tpu.dma_semaphore, #tpu.memory_space<semaphore_mem>>) src(%dma_wait3A_245 : memref<50x128xf32, #tpu.memory_space<vmem>>) dst(%dma_wait3A_241 : memref<50x128xf32, #tpu.memory_space<hbm>>)
    %dma_wait3A_246 = arith.constant 2 : i32
    %dma_wait3A_247 = arith.constant 0 : i32
    %dma_wait3A_248 = arith.constant 2 : i32
    %dma_wait3A_249 = arith.constant 0 : i32
    %dma_wait3A_250 = arith.constant 0 : i32
    %dma_wait3A_251 = tpu.memref_slice %arg6[%dma_wait3A_246, %dma_wait3A_249, %dma_wait3A_250] : memref<8x100x128xf32, #tpu.memory_space<vmem>> -> memref<1x50x128xf32, #tpu.memory_space<vmem>>
    %dma_wait3A_252 = tpu.memref_squeeze %dma_wait3A_251 : memref<1x50x128xf32, #tpu.memory_space<vmem>> -> memref<50x128xf32, #tpu.memory_space<vmem>>
    %dma_wait3A_253 = arith.constant 0 : i32
    %dma_wait3A_254 = arith.constant 0 : i32
    %dma_wait3A_255 = tpu.memref_slice %arg4[%dma_wait3A_247, %dma_wait3A_253, %dma_wait3A_254] : memref<4096x50x128xf32, #tpu.memory_space<hbm>> -> memref<1x50x128xf32, #tpu.memory_space<hbm>>
    %dma_wait3A_256 = tpu.memref_squeeze %dma_wait3A_255 : memref<1x50x128xf32, #tpu.memory_space<hbm>> -> memref<50x128xf32, #tpu.memory_space<hbm>>
    %dma_wait3A_257 = tpu.memref_slice %arg9[%dma_wait3A_248] : memref<8x!tpu.dma_semaphore, #tpu.memory_space<semaphore_mem>> -> memref<1x!tpu.dma_semaphore, #tpu.memory_space<semaphore_mem>>
    %dma_wait3A_258 = tpu.memref_squeeze %dma_wait3A_257 : memref<1x!tpu.dma_semaphore, #tpu.memory_space<semaphore_mem>> -> memref<!tpu.dma_semaphore, #tpu.memory_space<semaphore_mem>>
    %dma_wait3A_259 = arith.constant 0 : i32
    %dma_wait3A_260 = arith.constant 0 : i32
    %dma_wait3A_261 = tpu.memref_slice %arg4[%dma_wait3A_247, %dma_wait3A_259, %dma_wait3A_260] : memref<4096x50x128xf32, #tpu.memory_space<hbm>> -> memref<1x50x128xf32, #tpu.memory_space<hbm>>
    %dma_wait3A_262 = tpu.memref_squeeze %dma_wait3A_261 : memref<1x50x128xf32, #tpu.memory_space<hbm>> -> memref<50x128xf32, #tpu.memory_space<hbm>>
    %dma_wait3A_263 = arith.constant 0 : i32
    %dma_wait3A_264 = arith.constant 0 : i32
    %dma_wait3A_265 = tpu.memref_slice %arg6[%dma_wait3A_246, %dma_wait3A_263, %dma_wait3A_264] : memref<8x100x128xf32, #tpu.memory_space<vmem>> -> memref<1x50x128xf32, #tpu.memory_space<vmem>>
    %dma_wait3A_266 = tpu.memref_squeeze %dma_wait3A_265 : memref<1x50x128xf32, #tpu.memory_space<vmem>> -> memref<50x128xf32, #tpu.memory_space<vmem>>
    tpu.wait_dma2 semaphore(%dma_wait3A_258 : memref<!tpu.dma_semaphore, #tpu.memory_space<semaphore_mem>>) src(%dma_wait3A_266 : memref<50x128xf32, #tpu.memory_space<vmem>>) dst(%dma_wait3A_262 : memref<50x128xf32, #tpu.memory_space<hbm>>)
    %dma_wait3A_267 = arith.constant 3 : i32
    %dma_wait3A_268 = arith.constant 0 : i32
    %dma_wait3A_269 = arith.constant 3 : i32
    %dma_wait3A_270 = arith.constant 0 : i32
    %dma_wait3A_271 = arith.constant 0 : i32
    %dma_wait3A_272 = tpu.memref_slice %arg6[%dma_wait3A_267, %dma_wait3A_270, %dma_wait3A_271] : memref<8x100x128xf32, #tpu.memory_space<vmem>> -> memref<1x50x128xf32, #tpu.memory_space<vmem>>
    %dma_wait3A_273 = tpu.memref_squeeze %dma_wait3A_272 : memref<1x50x128xf32, #tpu.memory_space<vmem>> -> memref<50x128xf32, #tpu.memory_space<vmem>>
    %dma_wait3A_274 = arith.constant 0 : i32
    %dma_wait3A_275 = arith.constant 0 : i32
    %dma_wait3A_276 = tpu.memref_slice %arg4[%dma_wait3A_268, %dma_wait3A_274, %dma_wait3A_275] : memref<4096x50x128xf32, #tpu.memory_space<hbm>> -> memref<1x50x128xf32, #tpu.memory_space<hbm>>
    %dma_wait3A_277 = tpu.memref_squeeze %dma_wait3A_276 : memref<1x50x128xf32, #tpu.memory_space<hbm>> -> memref<50x128xf32, #tpu.memory_space<hbm>>
    %dma_wait3A_278 = tpu.memref_slice %arg9[%dma_wait3A_269] : memref<8x!tpu.dma_semaphore, #tpu.memory_space<semaphore_mem>> -> memref<1x!tpu.dma_semaphore, #tpu.memory_space<semaphore_mem>>
    %dma_wait3A_279 = tpu.memref_squeeze %dma_wait3A_278 : memref<1x!tpu.dma_semaphore, #tpu.memory_space<semaphore_mem>> -> memref<!tpu.dma_semaphore, #tpu.memory_space<semaphore_mem>>
    %dma_wait3A_280 = arith.constant 0 : i32
    %dma_wait3A_281 = arith.constant 0 : i32
    %dma_wait3A_282 = tpu.memref_slice %arg4[%dma_wait3A_268, %dma_wait3A_280, %dma_wait3A_281] : memref<4096x50x128xf32, #tpu.memory_space<hbm>> -> memref<1x50x128xf32, #tpu.memory_space<hbm>>
    %dma_wait3A_283 = tpu.memref_squeeze %dma_wait3A_282 : memref<1x50x128xf32, #tpu.memory_space<hbm>> -> memref<50x128xf32, #tpu.memory_space<hbm>>
    %dma_wait3A_284 = arith.constant 0 : i32
    %dma_wait3A_285 = arith.constant 0 : i32
    %dma_wait3A_286 = tpu.memref_slice %arg6[%dma_wait3A_267, %dma_wait3A_284, %dma_wait3A_285] : memref<8x100x128xf32, #tpu.memory_space<vmem>> -> memref<1x50x128xf32, #tpu.memory_space<vmem>>
    %dma_wait3A_287 = tpu.memref_squeeze %dma_wait3A_286 : memref<1x50x128xf32, #tpu.memory_space<vmem>> -> memref<50x128xf32, #tpu.memory_space<vmem>>
    tpu.wait_dma2 semaphore(%dma_wait3A_279 : memref<!tpu.dma_semaphore, #tpu.memory_space<semaphore_mem>>) src(%dma_wait3A_287 : memref<50x128xf32, #tpu.memory_space<vmem>>) dst(%dma_wait3A_283 : memref<50x128xf32, #tpu.memory_space<hbm>>)
    %dma_wait3A_288 = arith.constant 3 : i32
    %dma_wait3A_289 = arith.constant 0 : i32
    %dma_wait3A_290 = arith.constant 3 : i32
    %dma_wait3A_291 = arith.constant 0 : i32
    %dma_wait3A_292 = arith.constant 0 : i32
    %dma_wait3A_293 = tpu.memref_slice %arg6[%dma_wait3A_288, %dma_wait3A_291, %dma_wait3A_292] : memref<8x100x128xf32, #tpu.memory_space<vmem>> -> memref<1x50x128xf32, #tpu.memory_space<vmem>>
    %dma_wait3A_294 = tpu.memref_squeeze %dma_wait3A_293 : memref<1x50x128xf32, #tpu.memory_space<vmem>> -> memref<50x128xf32, #tpu.memory_space<vmem>>
    %dma_wait3A_295 = arith.constant 0 : i32
    %dma_wait3A_296 = arith.constant 0 : i32
    %dma_wait3A_297 = tpu.memref_slice %arg4[%dma_wait3A_289, %dma_wait3A_295, %dma_wait3A_296] : memref<4096x50x128xf32, #tpu.memory_space<hbm>> -> memref<1x50x128xf32, #tpu.memory_space<hbm>>
    %dma_wait3A_298 = tpu.memref_squeeze %dma_wait3A_297 : memref<1x50x128xf32, #tpu.memory_space<hbm>> -> memref<50x128xf32, #tpu.memory_space<hbm>>
    %dma_wait3A_299 = tpu.memref_slice %arg9[%dma_wait3A_290] : memref<8x!tpu.dma_semaphore, #tpu.memory_space<semaphore_mem>> -> memref<1x!tpu.dma_semaphore, #tpu.memory_space<semaphore_mem>>
    %dma_wait3A_300 = tpu.memref_squeeze %dma_wait3A_299 : memref<1x!tpu.dma_semaphore, #tpu.memory_space<semaphore_mem>> -> memref<!tpu.dma_semaphore, #tpu.memory_space<semaphore_mem>>
    %dma_wait3A_301 = arith.constant 0 : i32
    %dma_wait3A_302 = arith.constant 0 : i32
    %dma_wait3A_303 = tpu.memref_slice %arg4[%dma_wait3A_289, %dma_wait3A_301, %dma_wait3A_302] : memref<4096x50x128xf32, #tpu.memory_space<hbm>> -> memref<1x50x128xf32, #tpu.memory_space<hbm>>
    %dma_wait3A_304 = tpu.memref_squeeze %dma_wait3A_303 : memref<1x50x128xf32, #tpu.memory_space<hbm>> -> memref<50x128xf32, #tpu.memory_space<hbm>>
    %dma_wait3A_305 = arith.constant 0 : i32
    %dma_wait3A_306 = arith.constant 0 : i32
    %dma_wait3A_307 = tpu.memref_slice %arg6[%dma_wait3A_288, %dma_wait3A_305, %dma_wait3A_306] : memref<8x100x128xf32, #tpu.memory_space<vmem>> -> memref<1x50x128xf32, #tpu.memory_space<vmem>>
    %dma_wait3A_308 = tpu.memref_squeeze %dma_wait3A_307 : memref<1x50x128xf32, #tpu.memory_space<vmem>> -> memref<50x128xf32, #tpu.memory_space<vmem>>
    tpu.wait_dma2 semaphore(%dma_wait3A_300 : memref<!tpu.dma_semaphore, #tpu.memory_space<semaphore_mem>>) src(%dma_wait3A_308 : memref<50x128xf32, #tpu.memory_space<vmem>>) dst(%dma_wait3A_304 : memref<50x128xf32, #tpu.memory_space<hbm>>)
    %dma_wait3A_309 = arith.constant 4 : i32
    %dma_wait3A_310 = arith.constant 0 : i32
    %dma_wait3A_311 = arith.constant 4 : i32
    %dma_wait3A_312 = arith.constant 0 : i32
    %dma_wait3A_313 = arith.constant 0 : i32
    %dma_wait3A_314 = tpu.memref_slice %arg6[%dma_wait3A_309, %dma_wait3A_312, %dma_wait3A_313] : memref<8x100x128xf32, #tpu.memory_space<vmem>> -> memref<1x50x128xf32, #tpu.memory_space<vmem>>
    %dma_wait3A_315 = tpu.memref_squeeze %dma_wait3A_314 : memref<1x50x128xf32, #tpu.memory_space<vmem>> -> memref<50x128xf32, #tpu.memory_space<vmem>>
    %dma_wait3A_316 = arith.constant 0 : i32
    %dma_wait3A_317 = arith.constant 0 : i32
    %dma_wait3A_318 = tpu.memref_slice %arg4[%dma_wait3A_310, %dma_wait3A_316, %dma_wait3A_317] : memref<4096x50x128xf32, #tpu.memory_space<hbm>> -> memref<1x50x128xf32, #tpu.memory_space<hbm>>
    %dma_wait3A_319 = tpu.memref_squeeze %dma_wait3A_318 : memref<1x50x128xf32, #tpu.memory_space<hbm>> -> memref<50x128xf32, #tpu.memory_space<hbm>>
    %dma_wait3A_320 = tpu.memref_slice %arg9[%dma_wait3A_311] : memref<8x!tpu.dma_semaphore, #tpu.memory_space<semaphore_mem>> -> memref<1x!tpu.dma_semaphore, #tpu.memory_space<semaphore_mem>>
    %dma_wait3A_321 = tpu.memref_squeeze %dma_wait3A_320 : memref<1x!tpu.dma_semaphore, #tpu.memory_space<semaphore_mem>> -> memref<!tpu.dma_semaphore, #tpu.memory_space<semaphore_mem>>
    %dma_wait3A_322 = arith.constant 0 : i32
    %dma_wait3A_323 = arith.constant 0 : i32
    %dma_wait3A_324 = tpu.memref_slice %arg4[%dma_wait3A_310, %dma_wait3A_322, %dma_wait3A_323] : memref<4096x50x128xf32, #tpu.memory_space<hbm>> -> memref<1x50x128xf32, #tpu.memory_space<hbm>>
    %dma_wait3A_325 = tpu.memref_squeeze %dma_wait3A_324 : memref<1x50x128xf32, #tpu.memory_space<hbm>> -> memref<50x128xf32, #tpu.memory_space<hbm>>
    %dma_wait3A_326 = arith.constant 0 : i32
    %dma_wait3A_327 = arith.constant 0 : i32
    %dma_wait3A_328 = tpu.memref_slice %arg6[%dma_wait3A_309, %dma_wait3A_326, %dma_wait3A_327] : memref<8x100x128xf32, #tpu.memory_space<vmem>> -> memref<1x50x128xf32, #tpu.memory_space<vmem>>
    %dma_wait3A_329 = tpu.memref_squeeze %dma_wait3A_328 : memref<1x50x128xf32, #tpu.memory_space<vmem>> -> memref<50x128xf32, #tpu.memory_space<vmem>>
    tpu.wait_dma2 semaphore(%dma_wait3A_321 : memref<!tpu.dma_semaphore, #tpu.memory_space<semaphore_mem>>) src(%dma_wait3A_329 : memref<50x128xf32, #tpu.memory_space<vmem>>) dst(%dma_wait3A_325 : memref<50x128xf32, #tpu.memory_space<hbm>>)
    %dma_wait3A_330 = arith.constant 4 : i32
    %dma_wait3A_331 = arith.constant 0 : i32
    %dma_wait3A_332 = arith.constant 4 : i32
    %dma_wait3A_333 = arith.constant 0 : i32
    %dma_wait3A_334 = arith.constant 0 : i32
    %dma_wait3A_335 = tpu.memref_slice %arg6[%dma_wait3A_330, %dma_wait3A_333, %dma_wait3A_334] : memref<8x100x128xf32, #tpu.memory_space<vmem>> -> memref<1x50x128xf32, #tpu.memory_space<vmem>>
    %dma_wait3A_336 = tpu.memref_squeeze %dma_wait3A_335 : memref<1x50x128xf32, #tpu.memory_space<vmem>> -> memref<50x128xf32, #tpu.memory_space<vmem>>
    %dma_wait3A_337 = arith.constant 0 : i32
    %dma_wait3A_338 = arith.constant 0 : i32
    %dma_wait3A_339 = tpu.memref_slice %arg4[%dma_wait3A_331, %dma_wait3A_337, %dma_wait3A_338] : memref<4096x50x128xf32, #tpu.memory_space<hbm>> -> memref<1x50x128xf32, #tpu.memory_space<hbm>>
    %dma_wait3A_340 = tpu.memref_squeeze %dma_wait3A_339 : memref<1x50x128xf32, #tpu.memory_space<hbm>> -> memref<50x128xf32, #tpu.memory_space<hbm>>
    %dma_wait3A_341 = tpu.memref_slice %arg9[%dma_wait3A_332] : memref<8x!tpu.dma_semaphore, #tpu.memory_space<semaphore_mem>> -> memref<1x!tpu.dma_semaphore, #tpu.memory_space<semaphore_mem>>
    %dma_wait3A_342 = tpu.memref_squeeze %dma_wait3A_341 : memref<1x!tpu.dma_semaphore, #tpu.memory_space<semaphore_mem>> -> memref<!tpu.dma_semaphore, #tpu.memory_space<semaphore_mem>>
    %dma_wait3A_343 = arith.constant 0 : i32
    %dma_wait3A_344 = arith.constant 0 : i32
    %dma_wait3A_345 = tpu.memref_slice %arg4[%dma_wait3A_331, %dma_wait3A_343, %dma_wait3A_344] : memref<4096x50x128xf32, #tpu.memory_space<hbm>> -> memref<1x50x128xf32, #tpu.memory_space<hbm>>
    %dma_wait3A_346 = tpu.memref_squeeze %dma_wait3A_345 : memref<1x50x128xf32, #tpu.memory_space<hbm>> -> memref<50x128xf32, #tpu.memory_space<hbm>>
    %dma_wait3A_347 = arith.constant 0 : i32
    %dma_wait3A_348 = arith.constant 0 : i32
    %dma_wait3A_349 = tpu.memref_slice %arg6[%dma_wait3A_330, %dma_wait3A_347, %dma_wait3A_348] : memref<8x100x128xf32, #tpu.memory_space<vmem>> -> memref<1x50x128xf32, #tpu.memory_space<vmem>>
    %dma_wait3A_350 = tpu.memref_squeeze %dma_wait3A_349 : memref<1x50x128xf32, #tpu.memory_space<vmem>> -> memref<50x128xf32, #tpu.memory_space<vmem>>
    tpu.wait_dma2 semaphore(%dma_wait3A_342 : memref<!tpu.dma_semaphore, #tpu.memory_space<semaphore_mem>>) src(%dma_wait3A_350 : memref<50x128xf32, #tpu.memory_space<vmem>>) dst(%dma_wait3A_346 : memref<50x128xf32, #tpu.memory_space<hbm>>)
    %dma_wait3A_351 = arith.constant 5 : i32
    %dma_wait3A_352 = arith.constant 0 : i32
    %dma_wait3A_353 = arith.constant 5 : i32
    %dma_wait3A_354 = arith.constant 0 : i32
    %dma_wait3A_355 = arith.constant 0 : i32
    %dma_wait3A_356 = tpu.memref_slice %arg6[%dma_wait3A_351, %dma_wait3A_354, %dma_wait3A_355] : memref<8x100x128xf32, #tpu.memory_space<vmem>> -> memref<1x50x128xf32, #tpu.memory_space<vmem>>
    %dma_wait3A_357 = tpu.memref_squeeze %dma_wait3A_356 : memref<1x50x128xf32, #tpu.memory_space<vmem>> -> memref<50x128xf32, #tpu.memory_space<vmem>>
    %dma_wait3A_358 = arith.constant 0 : i32
    %dma_wait3A_359 = arith.constant 0 : i32
    %dma_wait3A_360 = tpu.memref_slice %arg4[%dma_wait3A_352, %dma_wait3A_358, %dma_wait3A_359] : memref<4096x50x128xf32, #tpu.memory_space<hbm>> -> memref<1x50x128xf32, #tpu.memory_space<hbm>>
    %dma_wait3A_361 = tpu.memref_squeeze %dma_wait3A_360 : memref<1x50x128xf32, #tpu.memory_space<hbm>> -> memref<50x128xf32, #tpu.memory_space<hbm>>
    %dma_wait3A_362 = tpu.memref_slice %arg9[%dma_wait3A_353] : memref<8x!tpu.dma_semaphore, #tpu.memory_space<semaphore_mem>> -> memref<1x!tpu.dma_semaphore, #tpu.memory_space<semaphore_mem>>
    %dma_wait3A_363 = tpu.memref_squeeze %dma_wait3A_362 : memref<1x!tpu.dma_semaphore, #tpu.memory_space<semaphore_mem>> -> memref<!tpu.dma_semaphore, #tpu.memory_space<semaphore_mem>>
    %dma_wait3A_364 = arith.constant 0 : i32
    %dma_wait3A_365 = arith.constant 0 : i32
    %dma_wait3A_366 = tpu.memref_slice %arg4[%dma_wait3A_352, %dma_wait3A_364, %dma_wait3A_365] : memref<4096x50x128xf32, #tpu.memory_space<hbm>> -> memref<1x50x128xf32, #tpu.memory_space<hbm>>
    %dma_wait3A_367 = tpu.memref_squeeze %dma_wait3A_366 : memref<1x50x128xf32, #tpu.memory_space<hbm>> -> memref<50x128xf32, #tpu.memory_space<hbm>>
    %dma_wait3A_368 = arith.constant 0 : i32
    %dma_wait3A_369 = arith.constant 0 : i32
    %dma_wait3A_370 = tpu.memref_slice %arg6[%dma_wait3A_351, %dma_wait3A_368, %dma_wait3A_369] : memref<8x100x128xf32, #tpu.memory_space<vmem>> -> memref<1x50x128xf32, #tpu.memory_space<vmem>>
    %dma_wait3A_371 = tpu.memref_squeeze %dma_wait3A_370 : memref<1x50x128xf32, #tpu.memory_space<vmem>> -> memref<50x128xf32, #tpu.memory_space<vmem>>
    tpu.wait_dma2 semaphore(%dma_wait3A_363 : memref<!tpu.dma_semaphore, #tpu.memory_space<semaphore_mem>>) src(%dma_wait3A_371 : memref<50x128xf32, #tpu.memory_space<vmem>>) dst(%dma_wait3A_367 : memref<50x128xf32, #tpu.memory_space<hbm>>)
    %dma_wait3A_372 = arith.constant 5 : i32
    %dma_wait3A_373 = arith.constant 0 : i32
    %dma_wait3A_374 = arith.constant 5 : i32
    %dma_wait3A_375 = arith.constant 0 : i32
    %dma_wait3A_376 = arith.constant 0 : i32
    %dma_wait3A_377 = tpu.memref_slice %arg6[%dma_wait3A_372, %dma_wait3A_375, %dma_wait3A_376] : memref<8x100x128xf32, #tpu.memory_space<vmem>> -> memref<1x50x128xf32, #tpu.memory_space<vmem>>
    %dma_wait3A_378 = tpu.memref_squeeze %dma_wait3A_377 : memref<1x50x128xf32, #tpu.memory_space<vmem>> -> memref<50x128xf32, #tpu.memory_space<vmem>>
    %dma_wait3A_379 = arith.constant 0 : i32
    %dma_wait3A_380 = arith.constant 0 : i32
    %dma_wait3A_381 = tpu.memref_slice %arg4[%dma_wait3A_373, %dma_wait3A_379, %dma_wait3A_380] : memref<4096x50x128xf32, #tpu.memory_space<hbm>> -> memref<1x50x128xf32, #tpu.memory_space<hbm>>
    %dma_wait3A_382 = tpu.memref_squeeze %dma_wait3A_381 : memref<1x50x128xf32, #tpu.memory_space<hbm>> -> memref<50x128xf32, #tpu.memory_space<hbm>>
    %dma_wait3A_383 = tpu.memref_slice %arg9[%dma_wait3A_374] : memref<8x!tpu.dma_semaphore, #tpu.memory_space<semaphore_mem>> -> memref<1x!tpu.dma_semaphore, #tpu.memory_space<semaphore_mem>>
    %dma_wait3A_384 = tpu.memref_squeeze %dma_wait3A_383 : memref<1x!tpu.dma_semaphore, #tpu.memory_space<semaphore_mem>> -> memref<!tpu.dma_semaphore, #tpu.memory_space<semaphore_mem>>
    %dma_wait3A_385 = arith.constant 0 : i32
    %dma_wait3A_386 = arith.constant 0 : i32
    %dma_wait3A_387 = tpu.memref_slice %arg4[%dma_wait3A_373, %dma_wait3A_385, %dma_wait3A_386] : memref<4096x50x128xf32, #tpu.memory_space<hbm>> -> memref<1x50x128xf32, #tpu.memory_space<hbm>>
    %dma_wait3A_388 = tpu.memref_squeeze %dma_wait3A_387 : memref<1x50x128xf32, #tpu.memory_space<hbm>> -> memref<50x128xf32, #tpu.memory_space<hbm>>
    %dma_wait3A_389 = arith.constant 0 : i32
    %dma_wait3A_390 = arith.constant 0 : i32
    %dma_wait3A_391 = tpu.memref_slice %arg6[%dma_wait3A_372, %dma_wait3A_389, %dma_wait3A_390] : memref<8x100x128xf32, #tpu.memory_space<vmem>> -> memref<1x50x128xf32, #tpu.memory_space<vmem>>
    %dma_wait3A_392 = tpu.memref_squeeze %dma_wait3A_391 : memref<1x50x128xf32, #tpu.memory_space<vmem>> -> memref<50x128xf32, #tpu.memory_space<vmem>>
    tpu.wait_dma2 semaphore(%dma_wait3A_384 : memref<!tpu.dma_semaphore, #tpu.memory_space<semaphore_mem>>) src(%dma_wait3A_392 : memref<50x128xf32, #tpu.memory_space<vmem>>) dst(%dma_wait3A_388 : memref<50x128xf32, #tpu.memory_space<hbm>>)
    %dma_wait3A_393 = arith.constant 6 : i32
    %dma_wait3A_394 = arith.constant 0 : i32
    %dma_wait3A_395 = arith.constant 6 : i32
    %dma_wait3A_396 = arith.constant 0 : i32
    %dma_wait3A_397 = arith.constant 0 : i32
    %dma_wait3A_398 = tpu.memref_slice %arg6[%dma_wait3A_393, %dma_wait3A_396, %dma_wait3A_397] : memref<8x100x128xf32, #tpu.memory_space<vmem>> -> memref<1x50x128xf32, #tpu.memory_space<vmem>>
    %dma_wait3A_399 = tpu.memref_squeeze %dma_wait3A_398 : memref<1x50x128xf32, #tpu.memory_space<vmem>> -> memref<50x128xf32, #tpu.memory_space<vmem>>
    %dma_wait3A_400 = arith.constant 0 : i32
    %dma_wait3A_401 = arith.constant 0 : i32
    %dma_wait3A_402 = tpu.memref_slice %arg4[%dma_wait3A_394, %dma_wait3A_400, %dma_wait3A_401] : memref<4096x50x128xf32, #tpu.memory_space<hbm>> -> memref<1x50x128xf32, #tpu.memory_space<hbm>>
    %dma_wait3A_403 = tpu.memref_squeeze %dma_wait3A_402 : memref<1x50x128xf32, #tpu.memory_space<hbm>> -> memref<50x128xf32, #tpu.memory_space<hbm>>
    %dma_wait3A_404 = tpu.memref_slice %arg9[%dma_wait3A_395] : memref<8x!tpu.dma_semaphore, #tpu.memory_space<semaphore_mem>> -> memref<1x!tpu.dma_semaphore, #tpu.memory_space<semaphore_mem>>
    %dma_wait3A_405 = tpu.memref_squeeze %dma_wait3A_404 : memref<1x!tpu.dma_semaphore, #tpu.memory_space<semaphore_mem>> -> memref<!tpu.dma_semaphore, #tpu.memory_space<semaphore_mem>>
    %dma_wait3A_406 = arith.constant 0 : i32
    %dma_wait3A_407 = arith.constant 0 : i32
    %dma_wait3A_408 = tpu.memref_slice %arg4[%dma_wait3A_394, %dma_wait3A_406, %dma_wait3A_407] : memref<4096x50x128xf32, #tpu.memory_space<hbm>> -> memref<1x50x128xf32, #tpu.memory_space<hbm>>
    %dma_wait3A_409 = tpu.memref_squeeze %dma_wait3A_408 : memref<1x50x128xf32, #tpu.memory_space<hbm>> -> memref<50x128xf32, #tpu.memory_space<hbm>>
    %dma_wait3A_410 = arith.constant 0 : i32
    %dma_wait3A_411 = arith.constant 0 : i32
    %dma_wait3A_412 = tpu.memref_slice %arg6[%dma_wait3A_393, %dma_wait3A_410, %dma_wait3A_411] : memref<8x100x128xf32, #tpu.memory_space<vmem>> -> memref<1x50x128xf32, #tpu.memory_space<vmem>>
    %dma_wait3A_413 = tpu.memref_squeeze %dma_wait3A_412 : memref<1x50x128xf32, #tpu.memory_space<vmem>> -> memref<50x128xf32, #tpu.memory_space<vmem>>
    tpu.wait_dma2 semaphore(%dma_wait3A_405 : memref<!tpu.dma_semaphore, #tpu.memory_space<semaphore_mem>>) src(%dma_wait3A_413 : memref<50x128xf32, #tpu.memory_space<vmem>>) dst(%dma_wait3A_409 : memref<50x128xf32, #tpu.memory_space<hbm>>)
    %dma_wait3A_414 = arith.constant 6 : i32
    %dma_wait3A_415 = arith.constant 0 : i32
    %dma_wait3A_416 = arith.constant 6 : i32
    %dma_wait3A_417 = arith.constant 0 : i32
    %dma_wait3A_418 = arith.constant 0 : i32
    %dma_wait3A_419 = tpu.memref_slice %arg6[%dma_wait3A_414, %dma_wait3A_417, %dma_wait3A_418] : memref<8x100x128xf32, #tpu.memory_space<vmem>> -> memref<1x50x128xf32, #tpu.memory_space<vmem>>
    %dma_wait3A_420 = tpu.memref_squeeze %dma_wait3A_419 : memref<1x50x128xf32, #tpu.memory_space<vmem>> -> memref<50x128xf32, #tpu.memory_space<vmem>>
    %dma_wait3A_421 = arith.constant 0 : i32
    %dma_wait3A_422 = arith.constant 0 : i32
    %dma_wait3A_423 = tpu.memref_slice %arg4[%dma_wait3A_415, %dma_wait3A_421, %dma_wait3A_422] : memref<4096x50x128xf32, #tpu.memory_space<hbm>> -> memref<1x50x128xf32, #tpu.memory_space<hbm>>
    %dma_wait3A_424 = tpu.memref_squeeze %dma_wait3A_423 : memref<1x50x128xf32, #tpu.memory_space<hbm>> -> memref<50x128xf32, #tpu.memory_space<hbm>>
    %dma_wait3A_425 = tpu.memref_slice %arg9[%dma_wait3A_416] : memref<8x!tpu.dma_semaphore, #tpu.memory_space<semaphore_mem>> -> memref<1x!tpu.dma_semaphore, #tpu.memory_space<semaphore_mem>>
    %dma_wait3A_426 = tpu.memref_squeeze %dma_wait3A_425 : memref<1x!tpu.dma_semaphore, #tpu.memory_space<semaphore_mem>> -> memref<!tpu.dma_semaphore, #tpu.memory_space<semaphore_mem>>
    %dma_wait3A_427 = arith.constant 0 : i32
    %dma_wait3A_428 = arith.constant 0 : i32
    %dma_wait3A_429 = tpu.memref_slice %arg4[%dma_wait3A_415, %dma_wait3A_427, %dma_wait3A_428] : memref<4096x50x128xf32, #tpu.memory_space<hbm>> -> memref<1x50x128xf32, #tpu.memory_space<hbm>>
    %dma_wait3A_430 = tpu.memref_squeeze %dma_wait3A_429 : memref<1x50x128xf32, #tpu.memory_space<hbm>> -> memref<50x128xf32, #tpu.memory_space<hbm>>
    %dma_wait3A_431 = arith.constant 0 : i32
    %dma_wait3A_432 = arith.constant 0 : i32
    %dma_wait3A_433 = tpu.memref_slice %arg6[%dma_wait3A_414, %dma_wait3A_431, %dma_wait3A_432] : memref<8x100x128xf32, #tpu.memory_space<vmem>> -> memref<1x50x128xf32, #tpu.memory_space<vmem>>
    %dma_wait3A_434 = tpu.memref_squeeze %dma_wait3A_433 : memref<1x50x128xf32, #tpu.memory_space<vmem>> -> memref<50x128xf32, #tpu.memory_space<vmem>>
    tpu.wait_dma2 semaphore(%dma_wait3A_426 : memref<!tpu.dma_semaphore, #tpu.memory_space<semaphore_mem>>) src(%dma_wait3A_434 : memref<50x128xf32, #tpu.memory_space<vmem>>) dst(%dma_wait3A_430 : memref<50x128xf32, #tpu.memory_space<hbm>>)
    %dma_wait3A_435 = arith.constant 7 : i32
    %dma_wait3A_436 = arith.constant 0 : i32
    %dma_wait3A_437 = arith.constant 7 : i32
    %dma_wait3A_438 = arith.constant 0 : i32
    %dma_wait3A_439 = arith.constant 0 : i32
    %dma_wait3A_440 = tpu.memref_slice %arg6[%dma_wait3A_435, %dma_wait3A_438, %dma_wait3A_439] : memref<8x100x128xf32, #tpu.memory_space<vmem>> -> memref<1x50x128xf32, #tpu.memory_space<vmem>>
    %dma_wait3A_441 = tpu.memref_squeeze %dma_wait3A_440 : memref<1x50x128xf32, #tpu.memory_space<vmem>> -> memref<50x128xf32, #tpu.memory_space<vmem>>
    %dma_wait3A_442 = arith.constant 0 : i32
    %dma_wait3A_443 = arith.constant 0 : i32
    %dma_wait3A_444 = tpu.memref_slice %arg4[%dma_wait3A_436, %dma_wait3A_442, %dma_wait3A_443] : memref<4096x50x128xf32, #tpu.memory_space<hbm>> -> memref<1x50x128xf32, #tpu.memory_space<hbm>>
    %dma_wait3A_445 = tpu.memref_squeeze %dma_wait3A_444 : memref<1x50x128xf32, #tpu.memory_space<hbm>> -> memref<50x128xf32, #tpu.memory_space<hbm>>
    %dma_wait3A_446 = tpu.memref_slice %arg9[%dma_wait3A_437] : memref<8x!tpu.dma_semaphore, #tpu.memory_space<semaphore_mem>> -> memref<1x!tpu.dma_semaphore, #tpu.memory_space<semaphore_mem>>
    %dma_wait3A_447 = tpu.memref_squeeze %dma_wait3A_446 : memref<1x!tpu.dma_semaphore, #tpu.memory_space<semaphore_mem>> -> memref<!tpu.dma_semaphore, #tpu.memory_space<semaphore_mem>>
    %dma_wait3A_448 = arith.constant 0 : i32
    %dma_wait3A_449 = arith.constant 0 : i32
    %dma_wait3A_450 = tpu.memref_slice %arg4[%dma_wait3A_436, %dma_wait3A_448, %dma_wait3A_449] : memref<4096x50x128xf32, #tpu.memory_space<hbm>> -> memref<1x50x128xf32, #tpu.memory_space<hbm>>
    %dma_wait3A_451 = tpu.memref_squeeze %dma_wait3A_450 : memref<1x50x128xf32, #tpu.memory_space<hbm>> -> memref<50x128xf32, #tpu.memory_space<hbm>>
    %dma_wait3A_452 = arith.constant 0 : i32
    %dma_wait3A_453 = arith.constant 0 : i32
    %dma_wait3A_454 = tpu.memref_slice %arg6[%dma_wait3A_435, %dma_wait3A_452, %dma_wait3A_453] : memref<8x100x128xf32, #tpu.memory_space<vmem>> -> memref<1x50x128xf32, #tpu.memory_space<vmem>>
    %dma_wait3A_455 = tpu.memref_squeeze %dma_wait3A_454 : memref<1x50x128xf32, #tpu.memory_space<vmem>> -> memref<50x128xf32, #tpu.memory_space<vmem>>
    tpu.wait_dma2 semaphore(%dma_wait3A_447 : memref<!tpu.dma_semaphore, #tpu.memory_space<semaphore_mem>>) src(%dma_wait3A_455 : memref<50x128xf32, #tpu.memory_space<vmem>>) dst(%dma_wait3A_451 : memref<50x128xf32, #tpu.memory_space<hbm>>)
    %dma_wait3A_456 = arith.constant 7 : i32
    %dma_wait3A_457 = arith.constant 0 : i32
    %dma_wait3A_458 = arith.constant 7 : i32
    %dma_wait3A_459 = arith.constant 0 : i32
    %dma_wait3A_460 = arith.constant 0 : i32
    %dma_wait3A_461 = tpu.memref_slice %arg6[%dma_wait3A_456, %dma_wait3A_459, %dma_wait3A_460] : memref<8x100x128xf32, #tpu.memory_space<vmem>> -> memref<1x50x128xf32, #tpu.memory_space<vmem>>
    %dma_wait3A_462 = tpu.memref_squeeze %dma_wait3A_461 : memref<1x50x128xf32, #tpu.memory_space<vmem>> -> memref<50x128xf32, #tpu.memory_space<vmem>>
    %dma_wait3A_463 = arith.constant 0 : i32
    %dma_wait3A_464 = arith.constant 0 : i32
    %dma_wait3A_465 = tpu.memref_slice %arg4[%dma_wait3A_457, %dma_wait3A_463, %dma_wait3A_464] : memref<4096x50x128xf32, #tpu.memory_space<hbm>> -> memref<1x50x128xf32, #tpu.memory_space<hbm>>
    %dma_wait3A_466 = tpu.memref_squeeze %dma_wait3A_465 : memref<1x50x128xf32, #tpu.memory_space<hbm>> -> memref<50x128xf32, #tpu.memory_space<hbm>>
    %dma_wait3A_467 = tpu.memref_slice %arg9[%dma_wait3A_458] : memref<8x!tpu.dma_semaphore, #tpu.memory_space<semaphore_mem>> -> memref<1x!tpu.dma_semaphore, #tpu.memory_space<semaphore_mem>>
    %dma_wait3A_468 = tpu.memref_squeeze %dma_wait3A_467 : memref<1x!tpu.dma_semaphore, #tpu.memory_space<semaphore_mem>> -> memref<!tpu.dma_semaphore, #tpu.memory_space<semaphore_mem>>
    %dma_wait3A_469 = arith.constant 0 : i32
    %dma_wait3A_470 = arith.constant 0 : i32
    %dma_wait3A_471 = tpu.memref_slice %arg4[%dma_wait3A_457, %dma_wait3A_469, %dma_wait3A_470] : memref<4096x50x128xf32, #tpu.memory_space<hbm>> -> memref<1x50x128xf32, #tpu.memory_space<hbm>>
    %dma_wait3A_472 = tpu.memref_squeeze %dma_wait3A_471 : memref<1x50x128xf32, #tpu.memory_space<hbm>> -> memref<50x128xf32, #tpu.memory_space<hbm>>
    %dma_wait3A_473 = arith.constant 0 : i32
    %dma_wait3A_474 = arith.constant 0 : i32
    %dma_wait3A_475 = tpu.memref_slice %arg6[%dma_wait3A_456, %dma_wait3A_473, %dma_wait3A_474] : memref<8x100x128xf32, #tpu.memory_space<vmem>> -> memref<1x50x128xf32, #tpu.memory_space<vmem>>
    %dma_wait3A_476 = tpu.memref_squeeze %dma_wait3A_475 : memref<1x50x128xf32, #tpu.memory_space<vmem>> -> memref<50x128xf32, #tpu.memory_space<vmem>>
    tpu.wait_dma2 semaphore(%dma_wait3A_468 : memref<!tpu.dma_semaphore, #tpu.memory_space<semaphore_mem>>) src(%dma_wait3A_476 : memref<50x128xf32, #tpu.memory_space<vmem>>) dst(%dma_wait3A_472 : memref<50x128xf32, #tpu.memory_space<hbm>>)
    return
  }
}

</mosaic_0001>

<sc_bundles>
// kernel: kernel.3.cloned.1.call-start
scs
__scs_entry_jumppad:
0x0: {  	(pc) =	sbr.rel $0x88, $3  }
0x1: {  	(tag) =	ssettag $0x0;
	lr =	simm.s32 $0x1  }
0x2: {  	[smem:$0x3F9F] =	sst lr;
	_ =	strace $0xD0000000  }
0x3: {  	_ = 	snop  }
0x4: {  	_ = 	snop  }
0x5: {  	_ = 	snop  }
0x6: {  	_ = 	snop  }
0x7: {  	_ = 	snop  }
__scs_overlays_trampoline_lowered:
0x8: {  	[smem:$0x3FAE] =	sst s0  }
0x9: {  	[smem:$0x3FAF] =	sst s1  }
0xa: {  	[smem:$0x3FB0] =	sst s2  }
0xb: {  	[smem:$0x3FB1] =	sst s3  }
0xc: {  	[smem:$0x3FB2] =	sst s4  }
0xd: {  	[smem:$0x3FB3] =	sst s5  }
0xe: {  	[smem:$0x3FB4] =	sst s6  }
0xf: {  	[smem:$0x3FB5] =	sst s7  }
0x10: {  	[smem:$0x3FB6] =	sst s8  }
0x11: {  	[smem:$0x3FB7] =	sst s9;
	s0 =	simm.s32 @!p0 $0x0  }
0x12: {  	s1 =	sld [smem:$0x3F9D];
	s0 =	simm.s32 @p0 $0x1  }
0x13: {  	[smem:$0x3FB8] =	sst s0;
	s0 =	simm.s32 @!p1 $0x0  }
0x14: {  	s2 =	sld [smem:$0x3F9C];
	s0 =	simm.s32 @p1 $0x1  }
0x15: {  	[smem:$0x3FB9] =	sst s0;
	s0 =	simm.s32 @!p2 $0x0  }
0x16: {  	s3 =	sld [smem:$0x3FDB];
	s0 =	simm.s32 @p2 $0x1  }
0x17: {  	s4 =	simm.s32 $0x1BF5;
	[smem:$0x3FBB] =	sst s0  }
0x18: {  	s0 =	sld [smem:$0x3F9E];
	_ =	swait.ge [sflag:s4], $0x0  }
0x19: {  	s7 =	sld [smem:$0x3F9F]  }
0x1a: {  	s8 =	sadd.s32 $0xFFFFE003, lr  }
0x1b: {  	s9 =	sadd.s32 $0xFFFFFEF7, lr;
	s5 =	simm.s32 $0xFFFFFFFF;
	p2 =	slt.u32 s8, $0xFFFFF086  }
0x1c: {  	p1 =	slt.u32 s9, $0xF7A;
	s5 =	simm.s32 @!p2 $0x0  }
0x1d: {  	s5 =	simm.s32 @p1 $0x1;
	p0 =	seq.s32 s7, s2  }
0x1e: {  	s7 =	smul.u32 @!p0 $0xF7A, s2;
	p2 =	seq.s32 @!p0 s5, $0x0  }
0x1f: {  	s9 =	smul.u32 $0xF7A, s1;
	s8 =	simm.s32 @!p0 $0x1BF5;
	p2 =	por !p2, p0  }
0x20: {  	[sflag:s8] =	ssyncset.s32 @!p0 $0xFFFFF086;
	s6 =	sadd.s32 @!p0 s3, s7;
	s7 =	simm.s32 @!p0 $0x108  }
0x21: {  	s3 =	sadd.s32 s3, s9;
	s6 =	sadd.s32 @!p0 $0x88, s6;
	s7 =	simm.s32 @p2 $0x1082  }
0x22: {  	[simem:s7], [sflag:s8] =	dma.local @!p0 [hbm:s6], $0xF7A  }
0x23: {  	s9 =	sor.u32 $0xD0000000, s2;
	s6 =	simm.s32 $0x108;
	_ =	swait.ge @!p0 [sflag:s8], $0x0  }
0x24: {  	s3 =	sadd.s32 $0x88, s3;
	s6 =	simm.s32 @!p1 $0x1082;
	[sflag:s4] =	ssyncset.s32 $0xFFFFF086  }
0x25: {  	[simem:s6], [sflag:s4] =	dma.local [hbm:s3], $0xF7A  }
0x26: {  	[smem:$0x3F9F] =	sst s1;
	(tag) =	ssettag s2;
	_ =	strace s9  }
0x27: {  	s1 =	sld [smem:$0x3FAF]  }
0x28: {  	s2 =	sld [smem:$0x3FB0]  }
0x29: {  	s4 =	sld [smem:$0x3FB2]  }
0x2a: {  	p0 =	seq.s32 s5, $0x0;
	s5 =	sld [smem:$0x3FB3]  }
0x2b: {  	s6 =	sld [smem:$0x3FB4]  }
0x2c: {  	s7 =	sld [smem:$0x3FB5]  }
0x2d: {  	s3 =	simm.s32 $0x108;
	s8 =	sld [smem:$0x3FB6]  }
0x2e: {  	s3 =	simm.s32 @!p0 $0x1082;
	s9 =	sld [smem:$0x3FB7]  }
0x2f: {  	lr =	sadd.s32 s0, s3;
	s0 =	sld [smem:$0x3FAE]  }
0x30: {  	s3 =	sld [smem:$0x3FB1]  }
0x31: {  	[smem:$0x3FBA] =	sst s10  }
0x32: {  	s10 =	sld [smem:$0x3FB8];
	_ =	sdelay $0x3  }
0x33: {  	p0 =	seq.s32 s10, $0x1;
	s10 =	sld [smem:$0x3FBA];
	_ =	sdelay $0x3  }
0x34: {  	[smem:$0x3FBA] =	sst s10  }
0x35: {  	s10 =	sld [smem:$0x3FB9];
	_ =	sdelay $0x3  }
0x36: {  	p1 =	seq.s32 s10, $0x1;
	s10 =	sld [smem:$0x3FBA];
	_ =	sdelay $0x3  }
0x37: {  	[smem:$0x3FBA] =	sst s10  }
0x38: {  	s10 =	sld [smem:$0x3FBB]  }
0x39: {  	_ = 	snop;
	(pc) =	sbr.ind lr, $3  }
0x3a: {  	_ = 	snop  }
0x3b: {  	_ = 	snop  }
0x3c: {  	p2 =	seq.s32 s10, $0x1;
	s10 =	sld [smem:$0x3FBA]  }
0x3d: {  	_ =	shalt  }
0x3e: {  	_ =	shalt  }
0x3f: {  	_ =	shalt  }
0x40: {  	_ =	shalt  }
0x41: {  	_ =	shalt  }
0x42: {  	_ =	shalt  }
0x43: {  	_ =	shalt  }
0x44: {  	_ =	shalt  }
0x45: {  	_ =	shalt  }
0x46: {  	_ =	shalt  }
0x47: {  	_ =	shalt  }
0x48: {  	_ =	shalt  }
0x49: {  	_ =	shalt  }
0x4a: {  	_ =	shalt  }
0x4b: {  	_ =	shalt  }
0x4c: {  	_ =	shalt  }
0x4d: {  	_ =	shalt  }
0x4e: {  	_ =	shalt  }
0x4f: {  	_ =	shalt  }
0x50: {  	_ =	shalt  }
0x51: {  	_ =	shalt  }
0x52: {  	_ =	shalt  }
0x53: {  	_ =	shalt  }
0x54: {  	_ =	shalt  }
0x55: {  	_ =	shalt  }
0x56: {  	_ =	shalt  }
0x57: {  	_ =	shalt  }
0x58: {  	_ =	shalt  }
0x59: {  	_ =	shalt  }
0x5a: {  	_ =	shalt  }
0x5b: {  	_ =	shalt  }
0x5c: {  	_ =	shalt  }
0x5d: {  	_ =	shalt  }
0x5e: {  	_ =	shalt  }
0x5f: {  	_ =	shalt  }
0x60: {  	_ =	shalt  }
0x61: {  	_ =	shalt  }
0x62: {  	_ =	shalt  }
0x63: {  	_ =	shalt  }
0x64: {  	_ =	shalt  }
0x65: {  	_ =	shalt  }
0x66: {  	_ =	shalt  }
0x67: {  	_ =	shalt  }
0x68: {  	_ =	shalt  }
0x69: {  	_ =	shalt  }
0x6a: {  	_ =	shalt  }
0x6b: {  	_ =	shalt  }
0x6c: {  	_ =	shalt  }
0x6d: {  	_ =	shalt  }
0x6e: {  	_ =	shalt  }
0x6f: {  	_ =	shalt  }
0x70: {  	_ =	shalt  }
0x71: {  	_ =	shalt  }
0x72: {  	_ =	shalt  }
0x73: {  	_ =	shalt  }
0x74: {  	_ =	shalt  }
0x75: {  	_ =	shalt  }
0x76: {  	_ =	shalt  }
0x77: {  	_ =	shalt  }
0x78: {  	_ =	shalt  }
0x79: {  	_ =	shalt  }
0x7a: {  	_ =	shalt  }
0x7b: {  	_ =	shalt  }
0x7c: {  	_ =	shalt  }
0x7d: {  	_ =	shalt  }
0x7e: {  	_ =	shalt  }
0x7f: {  	_ =	shalt  }
0x80: {  	_ =	shalt  }
0x81: {  	_ =	shalt  }
0x82: {  	_ =	shalt  }
0x83: {  	_ =	shalt  }
0x84: {  	_ =	shalt  }
0x85: {  	_ =	shalt  }
0x86: {  	_ =	shalt  }
0x87: {  	_ =	shalt  }
.Lfunc_end0:
.L_simem_size_0:
called_computation_lowered:
.L_overlay_start_0:
0x88: {  	s2 =	sld [smem:$0x3FD9]  }
0x89: {  	s3 =	sld [smem:$0x3FFE];
	_ =	sdelay $0x1  }
0x8a: {  	s1 =	srdreg.scid  }
0x8b: {  	s0 =	sand.u32 $0x1, s1  }
0x8c: {  	s17 =	sshll.u32 s0, $0xA;
	s2 =	sadd.s32 s3, s2  }
0x8d: {  	s2 =	sadd.s32 s2, s17  }
0x8e: {  	[smem:$0x3FC6] =	sst s2  }
0x8f: {  	_ = 	snop  }
0x90: {  	s2 =	sld [smem:$0x3FC8]  }
0x91: {  	s18 =	sld [smem:$0x3FD0];
	(tm) =	ssettm $0x1  }
0x92: {  	s4 =	sld [smem:$0x3FFB];
	_ =	sdelay $0x3  }
0x93: {  	_ =	strace s4  }
0x94: {  	s4 =	sld [smem:$0x3FFC];
	_ =	sdelay $0x3  }
0x95: {  	_ =	strace s4  }
0x96: {  	s4 =	sld [smem:$0x3FFD];
	_ =	sdelay $0x3  }
0x97: {  	_ =	strace s4  }
0x98: {  	_ =	strace $0x8FFFFFFF  }
0x99: {  	s19 =	sld [smem:$0x3FDB];
	_ =	sdelay $0x1  }
0x9a: {  	s5 =	simm.s32 $_scs_section_size  }
0x9b: {  	s6 =	simm.s32 $_size__tile_overlayer_lowered;
	s7 =	simm.s32 $_tile_overlayer_lowered  }
0x9c: {  	s22 =	simm.s32 $0x1BFF;
	s21 =	sshll.u32 s7, $0x1;
	s4 =	sadd.s32 s5, s19  }
0x9d: {  	s8 =	simm.s32 $0x0;
	s20 =	sshll.u32 s6, $0x1;
	s6 =	sadd.s32 s21, s4  }
0x9e: {  	[timem:s8], [sflag:s22] =	dma.local [hbm:s6], s20  }
0x9f: {  	_ =	swait.ge [sflag:s22], s20  }
0xa0: {  	s5 =	ssub.s32 $0x0, s20;
	[sflag:s22] =	ssyncset.done $0x0  }
0xa1: {  	[sflag:s22] =	ssyncadd.s32 s5;
	_ =	sdelay $0x1  }
0xa2: {  	s23 =	simm.s32 $0x1B8B  }
0xa3: {  	_ =	swait.ge [sflag:s23], $0x1  }
0xa4: {  	[sflag:s23] =	ssyncset.done $0x0  }
0xa5: {  	s25 =	simm.s32 $0x1B8E;
	s24 =	sld [smem:$0x3FFE];
	[sflag:s23] =	ssyncadd.s32 $0xFFFFFFFF  }
0xa6: {  	s26 =	simm.s32 $execute0_lowered;
	[smem:$0x3FD2] =	sst s25  }
0xa7: {  	s6 =	sshll.u32 s26, $0x1;
	_ =	strace $0x80000046;
	[dreg:$0x1] =	wrdreg $0xFFFFFFFF  }
0xa8: {  	s28 =	simm.s32 $_size_execute0_lowered;
	s4 =	sadd.s32 s4, s6;
	[dreg:$0x0] =	wrdreg $0x0  }
0xa9: {  	s6 =	sshll.u32 s28, $0x1;
	[dreg:$0x2] =	wrdreg s4  }
0xaa: {  	[dreg:$0x3] =	wrdreg s6  }
0xab: {  	[dreg:$0x4] =	wrdreg $0xC0  }
0xac: {  	_ =	task [dreg:s8], $0x5FFFF  }
0xad: {  	[dreg:$0x1] =	wrdreg $0xFFFFFFFF  }
0xae: {  	[dreg:$0x0] =	wrdreg $0x60  }
0xaf: {  	[dreg:$0x2] =	wrdreg s18  }
0xb0: {  	[dreg:$0x3] =	wrdreg s2  }
0xb1: {  	[dreg:$0x4] =	wrdreg s24  }
0xb2: {  	[dreg:$0x5] =	wrdreg $0x9  }
0xb3: {  	_ =	task.clear_ibuf [dreg:s8], $0x6FFFF;
	_ =	strace $0x90000046  }
0xb4: {  	s29 =	simm.s32 $0x9;
	_ =	strace $0x80000048  }
0xb5: {  	_ =	swait.ge [sflag:s29], $0x1  }
0xb6: {  	[sflag:s29] =	ssyncadd.s32 $0xFFFFFFFF  }
0xb7: {  	_ =	strace $0x90000048  }
0xb8: {  	_ =	sfence  }
0xb9: {  	s30 =	sld [smem:$0x0];
	_ =	sdelay $0x2  }
0xba: {  	s31 =	sshll.u32 s1, $0xD;
	s1 =	sshrl.u32 s1, $0x2  }
0xbb: {  	s3 =	sand.u32 $0x4000, s31;
	s1 =	sadd.s32 s1, s30  }
0xbc: {  	s0 =	sor.u32 s3, s0;
	s1 =	sshll.u32 s1, $0x11  }
0xbd: {  	s0 =	sor.u32 s1, s0  }
0xbe: {  	s0 =	sadd.s32 $0x8F2B, s0  }
0xbf: {  	[sflag:s0] =	ssyncadd.remote.s32 $0x1  }
0xc0: {  	_ =	sfence.sel $0xFFFF  }
0xc1: {  	[dreg:$0x0] =	wrdreg $0xFFFFFFFF;
	(pc) =	sbr.abs _section_cstart, $3  }
0xc2: {  	[dreg:$0x1] =	wrdreg $0xFFFFFFFF  }
0xc3: {  	_ =	task.clear_ibuf [dreg:s8], $0x2FFFF;
	_ =	strace $0x9FFFFFFF  }
0xc4: {  	(tm) =	ssettm $0x7FFFFFFF  }
0xc5: {  	_ =	shalt  }
tec
execute0_lowered:
.L_overlay_start_1:
0x0: {  	(tag) =	ssettag $0x1  }
0x1: {  	s0 =	rddreg [dreg:$0x0]  }
0x2: {  	s2 =	rddreg [dreg:$0x1]  }
0x3: {  	s1 =	rddreg [dreg:$0x2];
	s4 =	srdreg.scid  }
0x4: {  	s10 =	stileid.u32;
	s3 =	simm.s32 $0x0;
	s14 =	simm.s32 $0x64  }
0x5: {  	s12 =	simm.s32 $0x2000;
	s15 =	simm.s32 $0x5400;
	s28 =	simm.s32 $0x15800  }
0x6: {  	s30 =	simm.s32 $0x18C00;
	s13 =	simm.s32 $0x8;
	s29 =	simm.s32 $0xB  }
0x7: {  	s4 =	sand.u32 $0x1, s4;
	s5 =	smul.u32 $0x1C0000, s10;
	[smem:$0x7FF] =	sst s3  }
0x8: {  	s1 =	sadd.s32 $0x400, s1;
	s8 =	sshll.u32 s10, $0xB;
	s19 =	smul.u32 $0x38000, s10  }
0x9: {  	s10 =	simm.s32 $0x0;
	s6 =	smul.u32 $0xE0000, s4;
	_ =	strace $0x80000047  }
0xa: {  	s7 =	ssub.s32 $0x2, s4;
	s9 =	sshll.u32 s4, $0xA;
	s4 =	smul.u32 $0x1C000, s4  }
0xb: {  	s16 =	sshrl.u32 s7, $0x1;
	s8 =	sor.u32 s9, s8;
	s5 =	sadd.s32 s6, s5  }
0xc: {  	s6 =	ssub.s32 s7, s16;
	s0 =	sadd.s32 s0, s8;
	s16 =	simm.s32 $0x9  }
0xd: {  	s8 =	simm.s32 $0x11;
	s17 =	sor.u32 $0x1A400, s5;
	[dreg:$0x4] =	wrdreg s0  }
0xe: {  	s6 =	smax.u32 s6, $0x1;
	s20 =	sor.u32 $0x16C00, s5;
	s21 =	sor.u32 $0x13400, s5  }
0xf: {  	s24 =	sor.u32 $0xC400, s5;
	s25 =	sor.u32 $0x8C00, s5;
	s5 =	sor.u32 $0x5400, s5  }
0x10: {  	s18 =	sshrl.u32 s17, $0x3;
	[dreg:$0x5] =	wrdreg s6;
	s6 =	sshrl.u32 s20, $0x3  }
0x11: {  	s7 =	sshrl.u32 s21, $0x3;
	s5 =	sshrl.u32 s5, $0x3;
	s21 =	simm.s32 $0xBC00  }
0x12: {  	s20 =	simm.s32 $0xE;
	s17 =	simm.s32 $0x2000;
	s0 =	sadd.s32 s18, s1  }
0x13: {  	s22 =	sadd.s32 s6, s1;
	s23 =	sadd.s32 s7, s1;
	[dreg:$0x6] =	wrdreg s0  }
0x14: {  	s31 =	sadd.s32 s5, s1;
	s18 =	simm.s32 $0x4;
	[dreg:$0x8] =	wrdreg s22  }
0x15: {  	s5 =	simm.s32 $0xC;
	s6 =	simm.s32 $0xF;
	[dreg:$0x9] =	wrdreg s23  }
0x16: {  	s7 =	simm.s32 $0x10;
	s0 =	sadd.s32 s19, s1;
	[dreg:$0xc] =	wrdreg s31  }
0x17: {  	s19 =	simm.s32 $0x8800;
	s23 =	simm.s32 $0xF000;
	s22 =	simm.s32 $0x5  }
.Ltmp0:
0x18: {  	s0 =	sadd.s32 s4, s0;
	s4 =	sshrl.u32 s25, $0x3;
	(pc) =	sbr.rel .LBB2_1-.Ltmp0, $4  }
0x19: {  	s25 =	simm.s32 $0x12400;
	[dreg:$0x7] =	wrdreg s0;
	s0 =	sshrl.u32 s24, $0x3  }
0x1a: {  	s26 =	sadd.s32 s4, s1;
	s4 =	simm.s32 $0x7;
	s24 =	simm.s32 $0xA  }
0x1b: {  	s0 =	sadd.s32 s0, s1;
	[dreg:$0xb] =	wrdreg s26;
	s1 =	simm.s32 $0x3  }
0x1c: {  	s26 =	simm.s32 $0x6;
	[dreg:$0xa] =	wrdreg s0;
	s0 =	simm.s32 $0xD  }
.LBB2_4:
0x1d: {  	_ =	swait.ge [sflag:s29], $0x1900  }
0x1e: {  	[sflag:s29] =	ssyncset.done $0x0  }
0x1f: {  	[sflag:s29] =	ssyncadd.s32 $0xFFFFE700  }
0x20: {  	_ =	swait.ge [sflag:s29], $0x1900  }
0x21: {  	[sflag:s29] =	ssyncset.done $0x0  }
0x22: {  	[sflag:s29] =	ssyncadd.s32 $0xFFFFE700  }
0x23: {  	_ =	swait.ge [sflag:s5], $0x1900  }
0x24: {  	[sflag:s5] =	ssyncset.done $0x0  }
0x25: {  	[sflag:s5] =	ssyncadd.s32 $0xFFFFE700  }
0x26: {  	_ =	swait.ge [sflag:s5], $0x1900  }
0x27: {  	[sflag:s5] =	ssyncset.done $0x0  }
0x28: {  	[sflag:s5] =	ssyncadd.s32 $0xFFFFE700  }
0x29: {  	_ =	swait.ge [sflag:s0], $0x1900  }
0x2a: {  	[sflag:s0] =	ssyncset.done $0x0  }
0x2b: {  	[sflag:s0] =	ssyncadd.s32 $0xFFFFE700  }
0x2c: {  	_ =	swait.ge [sflag:s0], $0x1900  }
0x2d: {  	[sflag:s0] =	ssyncset.done $0x0  }
0x2e: {  	[sflag:s0] =	ssyncadd.s32 $0xFFFFE700  }
0x2f: {  	_ =	swait.ge [sflag:s20], $0x1900  }
0x30: {  	[sflag:s20] =	ssyncset.done $0x0  }
0x31: {  	[sflag:s20] =	ssyncadd.s32 $0xFFFFE700  }
0x32: {  	_ =	swait.ge [sflag:s20], $0x1900  }
0x33: {  	[sflag:s20] =	ssyncset.done $0x0  }
0x34: {  	[sflag:s20] =	ssyncadd.s32 $0xFFFFE700  }
0x35: {  	_ =	swait.ge [sflag:s6], $0x1900  }
0x36: {  	[sflag:s6] =	ssyncset.done $0x0  }
0x37: {  	[sflag:s6] =	ssyncadd.s32 $0xFFFFE700  }
0x38: {  	_ =	swait.ge [sflag:s6], $0x1900  }
0x39: {  	[sflag:s6] =	ssyncset.done $0x0  }
0x3a: {  	[sflag:s6] =	ssyncadd.s32 $0xFFFFE700  }
0x3b: {  	_ =	swait.ge [sflag:s7], $0x1900  }
0x3c: {  	[sflag:s7] =	ssyncset.done $0x0  }
0x3d: {  	[sflag:s7] =	ssyncadd.s32 $0xFFFFE700  }
0x3e: {  	_ =	swait.ge [sflag:s7], $0x1900  }
0x3f: {  	[sflag:s7] =	ssyncset.done $0x0  }
0x40: {  	[sflag:s7] =	ssyncadd.s32 $0xFFFFE700  }
0x41: {  	_ =	swait.ge [sflag:s8], $0x1900  }
0x42: {  	[sflag:s8] =	ssyncset.done $0x0  }
0x43: {  	[sflag:s8] =	ssyncadd.s32 $0xFFFFE700  }
0x44: {  	_ =	swait.ge [sflag:s8], $0x1900  }
0x45: {  	s10 =	rddreg [dreg:$0xd]  }
0x46: {  	s9 =	rddreg [dreg:$0x5];
	s10 =	sadd.s32 $0x1, s10  }
0x47: {  	p0 =	sne.s32 s10, s9  }
.Ltmp1:
0x48: {  	_ = 	snop;
	(pc) =	sbr.rel @!p0 .LBB2_5-.Ltmp1, $3  }
0x49: {  	_ =	sdelay $0x1  }
0x4a: {  	[sflag:s8] =	ssyncset.done $0x0  }
0x4b: {  	s12 =	simm.s32 $0x2000;
	[sflag:s8] =	ssyncadd.s32 $0xFFFFE700  }
.LBB2_1:
0x4c: {  	[dreg:$0xd] =	wrdreg s10  }
0x4d: {  	s9 =	rddreg [dreg:$0x4];
	s11 =	simm.s32 $0x1  }
0x4e: {  	[tilespmem:s3], [sflag:$0x1] =	stream.linear.gather [hbm4b:s9+s3], $0x2000, $0x38;
	[tilespmem:$0x1C000] =	vst v63  }
0x4f: {  	_ =	swait.ge [sflag:s11], $0x2000  }
0x50: {  	[sflag:s11] =	ssyncset.done $0x0  }
0x51: {  	[sflag:s11] =	ssyncadd.s32 $0xFFFFE000  }
0x52: {  	[tilespmem:s12], [sflag:$0x2] =	stream.indirect.gather [hbm4b:s2+s14], $0x80, s3, s14, $0xb8;
	[tilespmem:$0x1C000] =	vst v63  }
0x53: {  	s10 =	simm.s32 $0x80  }
0x54: {  	[tilespmem:s15], [sflag:$0x3] =	stream.indirect.gather [hbm4b:s2+s14], $0x80, s10, s14, $0xb8;
	[tilespmem:$0x1C000] =	vst v63  }
0x55: {  	s11 =	simm.s32 $0x100  }
0x56: {  	[tilespmem:s19], [sflag:$0x4] =	stream.indirect.gather [hbm4b:s2+s14], $0x80, s11, s14, $0xb8;
	[tilespmem:$0x1C000] =	vst v63  }
0x57: {  	s15 =	simm.s32 $0x180  }
0x58: {  	[tilespmem:s21], [sflag:$0x5] =	stream.indirect.gather [hbm4b:s2+s14], $0x80, s15, s14, $0xb8;
	[tilespmem:$0x1C000] =	vst v63  }
0x59: {  	s19 =	simm.s32 $0x200  }
0x5a: {  	[tilespmem:s23], [sflag:$0x6] =	stream.indirect.gather [hbm4b:s2+s14], $0x80, s19, s14, $0xb8;
	[tilespmem:$0x1C000] =	vst v63  }
0x5b: {  	s31 =	simm.s32 $0x18C00;
	s9 =	simm.s32 $0x780;
	s21 =	simm.s32 $0x280  }
0x5c: {  	[tilespmem:s25], [sflag:$0x7] =	stream.indirect.gather [hbm4b:s2+s14], $0x80, s21, s14, $0xb8;
	[tilespmem:$0x1C000] =	vst v63  }
0x5d: {  	s10 =	simm.s32 $0x0;
	s23 =	simm.s32 $0x300;
	s19 =	simm.s32 $0x5400  }
0x5e: {  	[tilespmem:s28], [sflag:$0x8] =	stream.indirect.gather [hbm4b:s2+s14], $0x80, s23, s14, $0xb8;
	[tilespmem:$0x1C000] =	vst v63  }
0x5f: {  	s25 =	simm.s32 $0x380;
	s21 =	simm.s32 $0x8800;
	s28 =	simm.s32 $0x12400  }
0x60: {  	[tilespmem:s30], [sflag:$0x9] =	stream.indirect.gather [hbm4b:s2+s14], $0x80, s25, s14, $0xb8;
	[tilespmem:$0x1C000] =	vst v63  }
0x61: {  	s23 =	simm.s32 $0xBC00;
	s30 =	simm.s32 $0x15800;
	s25 =	simm.s32 $0xF000  }
.LBB2_2:
0x62: {  	s11 =	simm.s32 $0x2  }
0x63: {  	_ =	swait.ge [sflag:s11], $0x3200  }
0x64: {  	[sflag:s11] =	ssyncset.done $0x0;
	s15 =	rddreg [dreg:$0x7]  }
0x65: {  	[sflag:s11] =	ssyncadd.s32 $0xFFFFCE00;
	s11 =	sadd.s32 s10, s15  }
0x66: {  	[hbm4b:s11+s3] =	stream.linear.scatter [tilespmem:s12], [sflag:$0xA], $0x1900, $0x38;
	[tilespmem:$0x1C000] =	vst v63  }
0x67: {  	s15 =	simm.s32 $0x3900;
	s12 =	sadd.s32 $0x380, s11  }
0x68: {  	[hbm4b:s12+s3] =	stream.linear.scatter [tilespmem:s15], [sflag:$0xA], $0x1900, $0x38;
	[tilespmem:$0x1C000] =	vst v63  }
0x69: {  	_ =	swait.ge [sflag:s1], $0x3200  }
0x6a: {  	[sflag:s1] =	ssyncset.done $0x0  }
0x6b: {  	s15 =	sadd.s32 $0x700, s11;
	[sflag:s1] =	ssyncadd.s32 $0xFFFFCE00  }
0x6c: {  	[hbm4b:s15+s3] =	stream.linear.scatter [tilespmem:s19], [sflag:$0xB], $0x1900, $0x38;
	[tilespmem:$0x1C000] =	vst v63  }
0x6d: {  	s15 =	rddreg [dreg:$0xc]  }
0x6e: {  	s19 =	simm.s32 $0x6D00;
	s12 =	sadd.s32 s10, s15  }
0x6f: {  	[hbm4b:s12+s3] =	stream.linear.scatter [tilespmem:s19], [sflag:$0xB], $0x1900, $0x38;
	[tilespmem:$0x1C000] =	vst v63  }
0x70: {  	_ =	swait.ge [sflag:s18], $0x3200  }
0x71: {  	[sflag:s18] =	ssyncset.done $0x0  }
0x72: {  	s15 =	sadd.s32 $0xE00, s11;
	s19 =	rddreg [dreg:$0xb];
	[sflag:s18] =	ssyncadd.s32 $0xFFFFCE00  }
0x73: {  	[hbm4b:s15+s3] =	stream.linear.scatter [tilespmem:s21], [sflag:$0xC], $0x1900, $0x38;
	[tilespmem:$0x1C000] =	vst v63  }
0x74: {  	s12 =	sadd.s32 s10, s19;
	s21 =	simm.s32 $0xA100  }
0x75: {  	[hbm4b:s12+s3] =	stream.linear.scatter [tilespmem:s21], [sflag:$0xC], $0x1900, $0x38;
	[tilespmem:$0x1C000] =	vst v63  }
0x76: {  	_ =	swait.ge [sflag:s22], $0x3200  }
0x77: {  	[sflag:s22] =	ssyncset.done $0x0  }
0x78: {  	s15 =	sadd.s32 $0x1500, s11;
	s19 =	rddreg [dreg:$0xa];
	[sflag:s22] =	ssyncadd.s32 $0xFFFFCE00  }
0x79: {  	[hbm4b:s15+s3] =	stream.linear.scatter [tilespmem:s23], [sflag:$0xD], $0x1900, $0x38;
	[tilespmem:$0x1C000] =	vst v63  }
0x7a: {  	s21 =	simm.s32 $0xD500;
	s12 =	sadd.s32 s10, s19  }
0x7b: {  	[hbm4b:s12+s3] =	stream.linear.scatter [tilespmem:s21], [sflag:$0xD], $0x1900, $0x38;
	[tilespmem:$0x1C000] =	vst v63  }
0x7c: {  	_ =	swait.ge [sflag:s26], $0x3200  }
0x7d: {  	[sflag:s26] =	ssyncset.done $0x0  }
0x7e: {  	s23 =	sadd.s32 $0x1C00, s11;
	[sflag:s26] =	ssyncadd.s32 $0xFFFFCE00  }
0x7f: {  	[hbm4b:s23+s3] =	stream.linear.scatter [tilespmem:s25], [sflag:$0xE], $0x1900, $0x38;
	[tilespmem:$0x1C000] =	vst v63  }
0x80: {  	s19 =	simm.s32 $0x10900;
	s15 =	sadd.s32 $0x1F80, s11  }
0x81: {  	[hbm4b:s15+s3] =	stream.linear.scatter [tilespmem:s19], [sflag:$0xE], $0x1900, $0x38;
	[tilespmem:$0x1C000] =	vst v63  }
0x82: {  	_ =	swait.ge [sflag:s4], $0x3200  }
0x83: {  	[sflag:s4] =	ssyncset.done $0x0  }
0x84: {  	s21 =	sadd.s32 $0x2300, s11;
	s23 =	rddreg [dreg:$0x9];
	[sflag:s4] =	ssyncadd.s32 $0xFFFFCE00  }
0x85: {  	[hbm4b:s21+s3] =	stream.linear.scatter [tilespmem:s28], [sflag:$0xF], $0x1900, $0x38;
	[tilespmem:$0x1C000] =	vst v63  }
0x86: {  	s25 =	simm.s32 $0x13D00;
	s12 =	sadd.s32 s10, s23  }
0x87: {  	[hbm4b:s12+s3] =	stream.linear.scatter [tilespmem:s25], [sflag:$0xF], $0x1900, $0x38;
	[tilespmem:$0x1C000] =	vst v63  }
0x88: {  	_ =	swait.ge [sflag:s13], $0x3200  }
0x89: {  	[sflag:s13] =	ssyncset.done $0x0  }
0x8a: {  	s19 =	sadd.s32 $0x2A00, s11;
	s21 =	rddreg [dreg:$0x8];
	[sflag:s13] =	ssyncadd.s32 $0xFFFFCE00  }
0x8b: {  	[hbm4b:s19+s3] =	stream.linear.scatter [tilespmem:s30], [sflag:$0x10], $0x1900, $0x38;
	[tilespmem:$0x1C000] =	vst v63  }
0x8c: {  	s23 =	simm.s32 $0x17100;
	s12 =	sadd.s32 s10, s21  }
0x8d: {  	[hbm4b:s12+s3] =	stream.linear.scatter [tilespmem:s23], [sflag:$0x10], $0x1900, $0x38;
	[tilespmem:$0x1C000] =	vst v63  }
0x8e: {  	_ =	swait.ge [sflag:s16], $0x3200  }
0x8f: {  	[sflag:s16] =	ssyncset.done $0x0  }
0x90: {  	s11 =	sadd.s32 $0x3100, s11;
	s25 =	rddreg [dreg:$0x6];
	[sflag:s16] =	ssyncadd.s32 $0xFFFFCE00  }
0x91: {  	[hbm4b:s11+s3] =	stream.linear.scatter [tilespmem:s31], [sflag:$0x11], $0x1900, $0x38;
	[tilespmem:$0x1C000] =	vst v63  }
0x92: {  	s11 =	sadd.s32 s10, s25;
	s31 =	simm.s32 $0x1A500  }
0x93: {  	[hbm4b:s11+s3] =	stream.linear.scatter [tilespmem:s31], [sflag:$0x11], $0x1900, $0x38;
	[tilespmem:$0x1C000] =	vst v63  }
0x94: {  	p0 =	seq.s32 s10, $0x18800;
	_ =	swait.ge [sflag:s24], $0x1900  }
.Ltmp2:
0x95: {  	[sflag:s24] =	ssyncset.done $0x0;
	(pc) =	sbr.rel @p0 .LBB2_4-.Ltmp2, $4  }
0x96: {  	s15 =	simm.s32 $0x5400;
	[sflag:s24] =	ssyncadd.s32 $0xFFFFE700  }
0x97: {  	s28 =	simm.s32 $0x15800;
	s21 =	simm.s32 $0xBC00;
	_ =	swait.ge [sflag:s24], $0x1900  }
0x98: {  	s19 =	simm.s32 $0x8800;
	s30 =	simm.s32 $0x18C00;
	[sflag:s24] =	ssyncset.done $0x0  }
0x99: {  	s23 =	simm.s32 $0xF000;
	s25 =	simm.s32 $0x12400;
	[sflag:s24] =	ssyncadd.s32 $0xFFFFE700  }
0x9a: {  	s11 =	sadd.s32 $0xFFFFFC80, s9  }
0x9b: {  	[tilespmem:s17], [sflag:$0x2] =	stream.indirect.gather [hbm4b:s2+s14], $0x80, s11, s14, $0xb8;
	[tilespmem:$0x1C000] =	vst v63  }
0x9c: {  	_ =	swait.ge [sflag:s29], $0x1900  }
0x9d: {  	[sflag:s29] =	ssyncset.done $0x0  }
0x9e: {  	[sflag:s29] =	ssyncadd.s32 $0xFFFFE700  }
0x9f: {  	_ =	swait.ge [sflag:s29], $0x1900  }
0xa0: {  	[sflag:s29] =	ssyncset.done $0x0  }
0xa1: {  	s12 =	sadd.s32 $0xFFFFFD00, s9;
	[sflag:s29] =	ssyncadd.s32 $0xFFFFE700  }
0xa2: {  	[tilespmem:s15], [sflag:$0x3] =	stream.indirect.gather [hbm4b:s2+s14], $0x80, s12, s14, $0xb8;
	[tilespmem:$0x1C000] =	vst v63  }
0xa3: {  	_ =	swait.ge [sflag:s5], $0x1900  }
0xa4: {  	[sflag:s5] =	ssyncset.done $0x0  }
0xa5: {  	[sflag:s5] =	ssyncadd.s32 $0xFFFFE700  }
0xa6: {  	_ =	swait.ge [sflag:s5], $0x1900  }
0xa7: {  	[sflag:s5] =	ssyncset.done $0x0  }
0xa8: {  	s15 =	sadd.s32 $0xFFFFFD80, s9;
	[sflag:s5] =	ssyncadd.s32 $0xFFFFE700  }
0xa9: {  	[tilespmem:s19], [sflag:$0x4] =	stream.indirect.gather [hbm4b:s2+s14], $0x80, s15, s14, $0xb8;
	[tilespmem:$0x1C000] =	vst v63  }
0xaa: {  	_ =	swait.ge [sflag:s0], $0x1900  }
0xab: {  	[sflag:s0] =	ssyncset.done $0x0  }
0xac: {  	[sflag:s0] =	ssyncadd.s32 $0xFFFFE700  }
0xad: {  	_ =	swait.ge [sflag:s0], $0x1900  }
0xae: {  	[sflag:s0] =	ssyncset.done $0x0  }
0xaf: {  	s19 =	sadd.s32 $0xFFFFFE00, s9;
	[sflag:s0] =	ssyncadd.s32 $0xFFFFE700  }
0xb0: {  	[tilespmem:s21], [sflag:$0x5] =	stream.indirect.gather [hbm4b:s2+s14], $0x80, s19, s14, $0xb8;
	[tilespmem:$0x1C000] =	vst v63  }
0xb1: {  	_ =	swait.ge [sflag:s20], $0x1900  }
0xb2: {  	[sflag:s20] =	ssyncset.done $0x0  }
0xb3: {  	[sflag:s20] =	ssyncadd.s32 $0xFFFFE700  }
0xb4: {  	_ =	swait.ge [sflag:s20], $0x1900  }
0xb5: {  	[sflag:s20] =	ssyncset.done $0x0  }
0xb6: {  	s21 =	sadd.s32 $0xFFFFFE80, s9;
	[sflag:s20] =	ssyncadd.s32 $0xFFFFE700  }
0xb7: {  	[tilespmem:s23], [sflag:$0x6] =	stream.indirect.gather [hbm4b:s2+s14], $0x80, s21, s14, $0xb8;
	[tilespmem:$0x1C000] =	vst v63  }
0xb8: {  	_ =	swait.ge [sflag:s6], $0x1900  }
0xb9: {  	[sflag:s6] =	ssyncset.done $0x0  }
0xba: {  	[sflag:s6] =	ssyncadd.s32 $0xFFFFE700  }
0xbb: {  	_ =	swait.ge [sflag:s6], $0x1900  }
0xbc: {  	[sflag:s6] =	ssyncset.done $0x0  }
0xbd: {  	s23 =	sadd.s32 $0xFFFFFF00, s9;
	[sflag:s6] =	ssyncadd.s32 $0xFFFFE700  }
0xbe: {  	[tilespmem:s25], [sflag:$0x7] =	stream.indirect.gather [hbm4b:s2+s14], $0x80, s23, s14, $0xb8;
	[tilespmem:$0x1C000] =	vst v63  }
0xbf: {  	_ =	swait.ge [sflag:s7], $0x1900  }
0xc0: {  	[sflag:s7] =	ssyncset.done $0x0  }
0xc1: {  	[sflag:s7] =	ssyncadd.s32 $0xFFFFE700  }
0xc2: {  	_ =	swait.ge [sflag:s7], $0x1900  }
0xc3: {  	[sflag:s7] =	ssyncset.done $0x0  }
0xc4: {  	s25 =	sadd.s32 $0xFFFFFF80, s9;
	[sflag:s7] =	ssyncadd.s32 $0xFFFFE700  }
0xc5: {  	[tilespmem:s28], [sflag:$0x8] =	stream.indirect.gather [hbm4b:s2+s14], $0x80, s25, s14, $0xb8;
	[tilespmem:$0x1C000] =	vst v63  }
0xc6: {  	_ =	swait.ge [sflag:s8], $0x1900  }
0xc7: {  	[sflag:s8] =	ssyncset.done $0x0  }
0xc8: {  	s10 =	sadd.s32 $0x3800, s10;
	s31 =	simm.s32 $0x18C00;
	[sflag:s8] =	ssyncadd.s32 $0xFFFFE700  }
.Ltmp3:
0xc9: {  	s12 =	simm.s32 $0x2000;
	_ =	swait.ge [sflag:s8], $0x1900;
	(pc) =	sbr.rel .LBB2_2-.Ltmp3, $4  }
0xca: {  	s19 =	simm.s32 $0x5400;
	s21 =	simm.s32 $0x8800;
	[sflag:s8] =	ssyncset.done $0x0  }
0xcb: {  	s23 =	simm.s32 $0xBC00;
	s28 =	simm.s32 $0x12400;
	[sflag:s8] =	ssyncadd.s32 $0xFFFFE700  }
0xcc: {  	[tilespmem:s30], [sflag:$0x9] =	stream.indirect.gather [hbm4b:s2+s14], $0x80, s9, s14, $0xb8;
	[tilespmem:$0x1C000] =	vst v63  }
0xcd: {  	s25 =	simm.s32 $0xF000;
	s9 =	sadd.s32 $0x400, s9;
	s30 =	simm.s32 $0x15800  }
.LBB2_5:
0xce: {  	_ =	sfence.sel $0x180000  }
0xcf: {  	[bflag:$0x0] =	sbarrier.arrive $0xFFFF  }
0xd0: {  	_ =	strace $0x90000047  }
0xd1: {  	s0 =	stileid.u32;
	[bflag:$0x2] =	sbarrier.arrive $0xFFFF  }
0xd2: {  	p0 =	sne.s32 s0, $0x0;
	s0 =	rddreg [dreg:$0x3]  }
0xd3: {  	s0 =	sadd.s32 @!p0 $0x100000, s0  }
0xd4: {  	[sflag:s0] =	ssyncadd.tile.s32 @!p0 $0x1;
	_ =	shalt  }
.Lfunc_end2:
_tile_overlayer_lowered:
.L_overlay_start_2:
0xd5: {  	(tag) =	ssettag $0x2  }
0xd6: {  	s0 =	rddreg [dreg:$0x0];
	s2 =	stileid.u32  }
0xd7: {  	s1 =	rddreg [dreg:$0x1];
	p0 =	sne.s32 s2, $0x0  }
0xd8: {  	s3 =	rddreg [dreg:$0x2];
	[bflag:$0x3] =	sbarrier.arrive $0xFFFF;
	s2 =	simm.s32 @!p0 $0x1C12  }
0xd9: {  	[timem:s3], [sflag:s2] =	dma.local @!p0 [hbm:s0], s1  }
0xda: {  	s0 =	simm.s32 @!p0 $0x12  }
0xdb: {  	_ =	swait.ge @!p0 [sflag:s0], s1  }
0xdc: {  	s1 =	ssub.s32 @!p0 $0x0, s1;
	[sflag:s0] =	ssyncset.done @!p0 $0x0  }
0xdd: {  	[sflag:s0] =	ssyncadd.s32 @!p0 s1  }
0xde: {  	[bflag:$0x3] =	sbarrier.arrive $0xFFFF  }
0xdf: {  	_ =	shalt  }

</sc_bundles>
